<compile_context>
chip_gen: v7x
topology: tpu7x:2x2x1
jax: 0.10.2.dev20260603
libtpu: 0.0.44.dev20260713+nightly
codegen_flags: <defaults>
</compile_context>

<pallas_src>
import dataclasses
import functools

import jax
import jax.numpy as jnp
from jax import lax
from jax.experimental import pallas as pl
from jax.experimental.pallas import tpu as pltpu
from jax.experimental.pallas import tpu_sc as plsc

BI = 1024


CH = 4


def _stats_body(a_ref, bt_ref, alpha_ref, beta_ref, amean_ref, bmean_ref,
                cm_ref, cs_ref, as_ref):
    i = pl.program_id(1)
    ni = pl.num_programs(1)
    a = a_ref[0]
    nb = bt_ref.shape[2]
    cw = nb // CH
    @pl.when(i == 0)
    def _():
        cm_ref[...] = jnp.full(cm_ref.shape, -jnp.inf, jnp.float32)
        cs_ref[...] = jnp.zeros(cs_ref.shape, jnp.float32)
        as_ref[...] = jnp.zeros(as_ref.shape, jnp.float32)
    ms, ss = [], []
    for c in range(CH):
        sl = slice(c * cw, (c + 1) * cw)
        corr = lax.dot_general(a, bt_ref[0, :, sl], (((1,), (0,)), ((), ())),
                               preferred_element_type=jnp.float32)
        m = jnp.max(corr, axis=1, keepdims=True)
        ms.append(m)
        ss.append(jnp.sum(jnp.exp(corr - m), axis=1, keepdims=True))
        tm = jnp.max(corr, axis=0, keepdims=True)
        m_old = cm_ref[:, sl]
        m_new = jnp.maximum(m_old, tm)
        cs_ref[:, sl] = (cs_ref[:, sl] * jnp.exp(m_old - m_new)
                         + jnp.sum(jnp.exp(corr - m_new), axis=0,
                                   keepdims=True))
        cm_ref[:, sl] = m_new
        beta_ref[0, :, sl] = m_new + jnp.log(cs_ref[:, sl])
    mrow, srow = ms[0], ss[0]
    for c in range(1, CH):
        m = jnp.maximum(mrow, ms[c])
        srow = srow * jnp.exp(mrow - m) + ss[c] * jnp.exp(ms[c] - m)
        mrow = m
    alpha = mrow + jnp.log(srow)
    alpha_ref[0] = alpha
    as_ref[...] = as_ref[...] + jnp.sum(alpha, axis=0, keepdims=True)
    @pl.when(i == ni - 1)
    def _():
        na_total = ni * alpha.shape[0]
        amean_ref[0] = as_ref[...] / na_total
        bmean_ref[0] = (jnp.sum(beta_ref[0], axis=1, keepdims=True) / nb)


def _argmax_body(a_ref, bt_ref, alpha_ref, beta_ref, amean_ref, bmean_ref,
                 ridx_ref, rval_ref, cidx_ref, am_ref, ai_ref):
    i = pl.program_id(1)
    a = a_ref[0]
    amean = amean_ref[0]
    bmean = bmean_ref[0]
    alpha = alpha_ref[0]
    ah = (alpha - amean) * 0.5
    bh = (beta_ref[0] - bmean) * 0.5
    g = alpha + bmean
    @pl.when(i == 0)
    def _():
        am_ref[...] = jnp.full(am_ref.shape, -jnp.inf, jnp.float32)
        ai_ref[...] = jnp.zeros(ai_ref.shape, jnp.int32)
    corr = lax.dot_general(a, bt_ref[0], (((1,), (0,)), ((), ())),
                           preferred_element_type=jnp.float32)
    w = corr - bh
    rmax = jnp.max(w, axis=1, keepdims=True)
    ridx_ref[0] = jnp.argmax(w, axis=1).astype(jnp.int32)[:, None]
    rval_ref[0] = jnp.exp(rmax + rmax - g)
    v = w - ah
    vm = jnp.max(v, axis=0, keepdims=True)
    vidx = (jnp.argmax(v, axis=0).astype(jnp.int32) + i * BI)[None, :]
    upd = vm > am_ref[...]
    am_ref[...] = jnp.where(upd, vm, am_ref[...])
    ai_ref[...] = jnp.where(upd, vidx, ai_ref[...])
    cidx_ref[0] = ai_ref[...]


def _tc_passes(desc_a, desc_b):
    b, na, d = desc_a.shape
    nb = desc_b.shape[1]
    ni = na // BI
    a3 = desc_a.astype(jnp.bfloat16)
    bt = desc_b.astype(jnp.bfloat16).transpose(0, 2, 1)

    a_spec = pl.BlockSpec((1, BI, d), lambda bb, ii: (bb, ii, 0))
    bt_spec = pl.BlockSpec((1, d, nb), lambda bb, ii: (bb, 0, 0))
    col_spec = pl.BlockSpec((1, BI, 1), lambda bb, ii: (bb * ni + ii, 0, 0))
    row_spec = pl.BlockSpec((1, 1, nb), lambda bb, ii: (bb, 0, 0))

    mean_spec = pl.BlockSpec((1, 1, 1), lambda bb, ii: (bb, 0, 0))

    alpha, beta, amean, bmean = pl.pallas_call(
        _stats_body,
        grid=(b, ni),
        in_specs=[a_spec, bt_spec],
        out_specs=[col_spec, row_spec, mean_spec, mean_spec],
        out_shape=[jax.ShapeDtypeStruct((b * ni, BI, 1), jnp.float32),
                   jax.ShapeDtypeStruct((b, 1, nb), jnp.float32),
                   jax.ShapeDtypeStruct((b, 1, 1), jnp.float32),
                   jax.ShapeDtypeStruct((b, 1, 1), jnp.float32)],
        scratch_shapes=[pltpu.VMEM((1, nb), jnp.float32),
                        pltpu.VMEM((1, nb), jnp.float32),
                        pltpu.VMEM((1, 1), jnp.float32)],
    )(a3, bt)

    ridx, rval, cidx = pl.pallas_call(
        _argmax_body,
        grid=(b, ni),
        in_specs=[a_spec, bt_spec, col_spec, row_spec, mean_spec, mean_spec],
        out_specs=[col_spec, col_spec, row_spec],
        out_shape=[jax.ShapeDtypeStruct((b * ni, BI, 1), jnp.int32),
                   jax.ShapeDtypeStruct((b * ni, BI, 1), jnp.float32),
                   jax.ShapeDtypeStruct((b, 1, nb), jnp.int32)],
        scratch_shapes=[pltpu.VMEM((1, nb), jnp.float32),
                        pltpu.VMEM((1, nb), jnp.int32)],
    )(a3, bt, alpha, beta, amean, bmean)

    max_idx_a = ridx.reshape(b, na)
    max_vals_a = rval.reshape(b, na)
    max_idx_b = cidx.reshape(b, nb)
    return max_idx_a, max_vals_a, max_idx_b


def _sc_epilogue(idx_a, vals_a, idx_b):
    b, na = idx_a.shape
    nb = idx_b.shape[1]
    info = plsc.get_sparse_core_info()
    nw = info.num_cores * info.num_subcores
    chunk = na // nw
    mesh = plsc.VectorSubcoreMesh(core_axis_name="c", subcore_axis_name="s")
    cp = pltpu.CompilerParams()
    if "needs_layout_passes" in pltpu.CompilerParams.__dataclass_fields__:
        cp = dataclasses.replace(cp, needs_layout_passes=False)

    @functools.partial(
        pl.kernel, mesh=mesh, compiler_params=cp,
        out_type=[jax.ShapeDtypeStruct((b, na), jnp.int32),
                  jax.ShapeDtypeStruct((b, nb), jnp.int32),
                  jax.ShapeDtypeStruct((b, na), jnp.float32),
                  jax.ShapeDtypeStruct((b, nb), jnp.float32)],
        scratch_types=[pltpu.VMEM((b * na,), jnp.int32),
                       pltpu.VMEM((b * nb,), jnp.int32),
                       pltpu.VMEM((b * na,), jnp.float32),
                       pltpu.VMEM((b, chunk), jnp.int32),
                       pltpu.VMEM((b, chunk), jnp.float32),
                       pltpu.VMEM((b, chunk), jnp.int32),
                       pltpu.VMEM((b, chunk), jnp.float32),
                       pltpu.SemaphoreType.DMA((b,)),
                       pltpu.SemaphoreType.DMA((b,))],
    )
    def epilogue(ia_hbm, va_hbm, ib_hbm, m0_hbm, m1_hbm, s0_hbm, s1_hbm,
                 ia_t, ib_t, va_t, m0_c, s0_c, m1_c, s1_c, insem, outsem):
        wid = lax.axis_index("s") * info.num_cores + lax.axis_index("c")
        base = wid * chunk
        in_copies = []
        for bb in range(b):
            in_copies.append((
                pltpu.async_copy(ia_hbm.at[bb], ia_t.at[pl.ds(bb * na, na)],
                                 insem.at[bb]),
                pltpu.async_copy(ib_hbm.at[bb], ib_t.at[pl.ds(bb * nb, nb)],
                                 insem.at[bb]),
                pltpu.async_copy(va_hbm.at[bb], va_t.at[pl.ds(bb * na, na)],
                                 insem.at[bb]),
            ))
        out_copies = []
        for bb in range(b):
            for cpy in in_copies[bb]:
                cpy.wait()

            @pl.loop(0, chunk, step=16)
            def _row(v):
                ja = ia_t[pl.ds(bb * na + base + v, 16)]
                back = plsc.load_gather(ib_t, [ja + bb * nb])
                rowid = lax.iota(jnp.int32, 16) + (base + v)
                val = va_t[pl.ds(bb * na + base + v, 16)]
                ok = (back == rowid) & (val > 0.0)
                m0_c[bb, pl.ds(v, 16)] = jnp.where(ok, ja, -1)
                s0_c[bb, pl.ds(v, 16)] = jnp.where(ok, val, 0.0)

            @pl.loop(0, chunk, step=16)
            def _col(v):
                jb = ib_t[pl.ds(bb * nb + base + v, 16)]
                fwd = plsc.load_gather(ia_t, [jb + bb * na])
                vb = plsc.load_gather(va_t, [jb + bb * na])
                colid = lax.iota(jnp.int32, 16) + (base + v)
                ok = (fwd == colid) & (vb > 0.0)
                m1_c[bb, pl.ds(v, 16)] = jnp.where(ok, jb, -1)
                s1_c[bb, pl.ds(v, 16)] = jnp.where(ok, vb, 0.0)

            out_copies.extend([
                pltpu.async_copy(m0_c.at[bb], m0_hbm.at[bb, pl.ds(base, chunk)],
                                 outsem.at[bb]),
                pltpu.async_copy(s0_c.at[bb], s0_hbm.at[bb, pl.ds(base, chunk)],
                                 outsem.at[bb]),
                pltpu.async_copy(m1_c.at[bb], m1_hbm.at[bb, pl.ds(base, chunk)],
                                 outsem.at[bb]),
                pltpu.async_copy(s1_c.at[bb], s1_hbm.at[bb, pl.ds(base, chunk)],
                                 outsem.at[bb]),
            ])
        for cpy in out_copies:
            cpy.wait()

    return epilogue(idx_a, vals_a, idx_b)


def kernel(keypoints_A, descriptions_A, keypoints_B, descriptions_B):
    max_idx_a, max_vals_a, max_idx_b = _tc_passes(descriptions_A, descriptions_B)
    matches0, matches1, scores0, scores1 = _sc_epilogue(
        max_idx_a, max_vals_a, max_idx_b)
    return matches0, matches1, scores0, scores1

# --- scband reference (transcript-rebuilt; emitter-appended) ---
"""Pipeline reference for scband-dual-soft-max-matcher-89575837925899 (READ-ONLY COPY).

The authoritative reference and input builder live on the scoring server;
editing this copy changes nothing except your own understanding.
"""

import jax, jax.numpy as jnp
import numpy as np


def dual_softmax_matcher(desc_A, desc_B, inv_temperature=1.0, normalize=False):
    if normalize:
        desc_A = desc_A / jnp.linalg.norm(desc_A, axis=-1, keepdims=True)
        desc_B = desc_B / jnp.linalg.norm(desc_B, axis=-1, keepdims=True)
    corr = jnp.einsum('bnc,bmc->bnm', desc_A, desc_B) * inv_temperature
    P = jax.nn.softmax(corr, axis=-2) * jax.nn.softmax(corr, axis=-1)
    return P


def setup_inputs(seed: int = 0):
    key = jax.random.key(seed)
    k1, k2, k3, k4 = jax.random.split(key, 4)
    B, N_A, N_B, D = 4, 4096, 4096, 256
    return {
        'keypoints_A': jax.random.normal(k1, (B, N_A, 2), dtype=jnp.float32),
        'descriptions_A': jax.random.normal(k2, (B, N_A, D), dtype=jnp.float32),
        'keypoints_B': jax.random.normal(k3, (B, N_B, 2), dtype=jnp.float32),
        'descriptions_B': jax.random.normal(k4, (B, N_B, D), dtype=jnp.float32),
    }


def reference(keypoints_A, descriptions_A, keypoints_B, descriptions_B):
    inv_temp = 1.0
    threshold = 0.0
    B, N_A = keypoints_A.shape[0], keypoints_A.shape[1]
    N_B = keypoints_B.shape[1]
    P = dual_softmax_matcher(descriptions_A, descriptions_B, inv_temperature=inv_temp, normalize=False)
    max_vals_A = jnp.max(P, axis=-1)
    max_idx_A = jnp.argmax(P, axis=-1)
    max_idx_B = jnp.argmax(P, axis=-2)
    # mutual nearest neighbors: max_idx_B[b, max_idx_A[b, i]] == i
    back = jnp.take_along_axis(max_idx_B, max_idx_A, axis=1)
    mutual_matches = back == jnp.arange(N_A)[None, :]
    above_threshold = max_vals_A > threshold
    valid = mutual_matches & above_threshold
    b_idx = jnp.arange(B)[:, None]
    matches0 = jnp.where(valid, max_idx_A, -1)
    src = jnp.broadcast_to(jnp.arange(N_A)[None, :], (B, N_A))
    # invalid entries get out-of-range target index -> dropped by scatter
    tgt = jnp.where(valid, max_idx_A, N_B)
    matches1 = jnp.full((B, N_B), -1, dtype=matches0.dtype).at[b_idx, tgt].set(src, mode='drop')
    matching_scores0 = jnp.where(valid, max_vals_A, 0.0).astype(jnp.float32)
    matching_scores1 = jnp.zeros((B, N_B), dtype=jnp.float32).at[b_idx, tgt].set(jnp.where(valid, max_vals_A, 0.0), mode='drop')
    return matches0, matches1, matching_scores0, matching_scores1

if __name__ == "__main__":
    import jax
    _d = setup_inputs()
    print(jax.jit(kernel)(*tuple(_d.values())))

</pallas_src>

<mosaic_0001>
#map = affine_map<(d0, d1) -> (0, 0)>
module attributes {stable_mosaic.version = 14 : i64} {
  func.func @epilogue(%arg0: i32, %arg1: i32, %arg2: memref<4x4096xi32, #tpu.memory_space<hbm>>, %arg3: memref<4x4096xf32, #tpu.memory_space<hbm>>, %arg4: memref<4x4096xi32, #tpu.memory_space<hbm>>, %arg5: memref<4x4096xi32, #tpu.memory_space<hbm>>, %arg6: memref<4x4096xi32, #tpu.memory_space<hbm>>, %arg7: memref<4x4096xf32, #tpu.memory_space<hbm>>, %arg8: memref<4x4096xf32, #tpu.memory_space<hbm>>, %arg9: memref<16384xi32, #tpu.memory_space<vmem>>, %arg10: memref<16384xi32, #tpu.memory_space<vmem>>, %arg11: memref<16384xf32, #tpu.memory_space<vmem>>, %arg12: memref<4x128xi32, #tpu.memory_space<vmem>>, %arg13: memref<4x128xf32, #tpu.memory_space<vmem>>, %arg14: memref<4x128xi32, #tpu.memory_space<vmem>>, %arg15: memref<4x128xf32, #tpu.memory_space<vmem>>, %arg16: memref<4x!tpu.dma_semaphore, #tpu.memory_space<semaphore_mem>>, %arg17: memref<4x!tpu.dma_semaphore, #tpu.memory_space<semaphore_mem>>) attributes {dimension_semantics = [#tpu.dimension_semantics<core_parallel>, #tpu.dimension_semantics<subcore_parallel>], iteration_bounds = array<i64: 2, 16>, scalar_prefetch = 0 : i64, scratch_operands = 9 : i64, tpu.core_type = #tpu.core_type<sc_vector_subcore>, window_params = [{transform_indices = #map}, {transform_indices = #map}, {transform_indices = #map}, {transform_indices = #map}, {transform_indices = #map}, {transform_indices = #map}, {transform_indices = #map}]} {
    %mul3A = arith.constant 2 : i32
    %mul3A_0 = arith.muli %arg1, %mul3A : i32
    %add3A = arith.addi %mul3A_0, %arg0 : i32
    %mul3A_1 = arith.constant 128 : i32
    %mul3A_2 = arith.muli %add3A, %mul3A_1 : i32
    %dma_start3A = arith.constant 0 : i32
    %dma_start3A_3 = arith.constant 0 : i32
    %dma_start3A_4 = arith.constant 0 : i32
    %dma_start3A_5 = tpu.memref_slice %arg9[%dma_start3A_4] : memref<16384xi32, #tpu.memory_space<vmem>> -> memref<4096xi32, #tpu.memory_space<vmem>>
    %dma_start3A_6 = arith.constant 0 : i32
    %dma_start3A_7 = tpu.memref_slice %arg2[%dma_start3A, %dma_start3A_6] : memref<4x4096xi32, #tpu.memory_space<hbm>> -> memref<1x4096xi32, #tpu.memory_space<hbm>>
    %dma_start3A_8 = tpu.memref_squeeze %dma_start3A_7 : memref<1x4096xi32, #tpu.memory_space<hbm>> -> memref<4096xi32, #tpu.memory_space<hbm>>
    %dma_start3A_9 = tpu.memref_slice %arg16[%dma_start3A_3] : memref<4x!tpu.dma_semaphore, #tpu.memory_space<semaphore_mem>> -> memref<1x!tpu.dma_semaphore, #tpu.memory_space<semaphore_mem>>
    %dma_start3A_10 = tpu.memref_squeeze %dma_start3A_9 : memref<1x!tpu.dma_semaphore, #tpu.memory_space<semaphore_mem>> -> memref<!tpu.dma_semaphore, #tpu.memory_space<semaphore_mem>>
    %dma_start3A_11 = arith.constant 0 : i32
    %dma_start3A_12 = tpu.memref_slice %arg9[%dma_start3A_11] : memref<16384xi32, #tpu.memory_space<vmem>> -> memref<4096xi32, #tpu.memory_space<vmem>>
    %dma_start3A_13 = arith.constant 0 : i32
    %dma_start3A_14 = tpu.memref_slice %arg2[%dma_start3A, %dma_start3A_13] : memref<4x4096xi32, #tpu.memory_space<hbm>> -> memref<1x4096xi32, #tpu.memory_space<hbm>>
    %dma_start3A_15 = tpu.memref_squeeze %dma_start3A_14 : memref<1x4096xi32, #tpu.memory_space<hbm>> -> memref<4096xi32, #tpu.memory_space<hbm>>
    tpu.enqueue_dma source(%dma_start3A_15 : memref<4096xi32, #tpu.memory_space<hbm>>) target(%dma_start3A_12 : memref<4096xi32, #tpu.memory_space<vmem>>) target_semaphore(%dma_start3A_10 : memref<!tpu.dma_semaphore, #tpu.memory_space<semaphore_mem>>)
    %dma_start3A_16 = arith.constant 0 : i32
    %dma_start3A_17 = arith.constant 0 : i32
    %dma_start3A_18 = arith.constant 0 : i32
    %dma_start3A_19 = tpu.memref_slice %arg10[%dma_start3A_18] : memref<16384xi32, #tpu.memory_space<vmem>> -> memref<4096xi32, #tpu.memory_space<vmem>>
    %dma_start3A_20 = arith.constant 0 : i32
    %dma_start3A_21 = tpu.memref_slice %arg4[%dma_start3A_16, %dma_start3A_20] : memref<4x4096xi32, #tpu.memory_space<hbm>> -> memref<1x4096xi32, #tpu.memory_space<hbm>>
    %dma_start3A_22 = tpu.memref_squeeze %dma_start3A_21 : memref<1x4096xi32, #tpu.memory_space<hbm>> -> memref<4096xi32, #tpu.memory_space<hbm>>
    %dma_start3A_23 = tpu.memref_slice %arg16[%dma_start3A_17] : memref<4x!tpu.dma_semaphore, #tpu.memory_space<semaphore_mem>> -> memref<1x!tpu.dma_semaphore, #tpu.memory_space<semaphore_mem>>
    %dma_start3A_24 = tpu.memref_squeeze %dma_start3A_23 : memref<1x!tpu.dma_semaphore, #tpu.memory_space<semaphore_mem>> -> memref<!tpu.dma_semaphore, #tpu.memory_space<semaphore_mem>>
    %dma_start3A_25 = arith.constant 0 : i32
    %dma_start3A_26 = tpu.memref_slice %arg10[%dma_start3A_25] : memref<16384xi32, #tpu.memory_space<vmem>> -> memref<4096xi32, #tpu.memory_space<vmem>>
    %dma_start3A_27 = arith.constant 0 : i32
    %dma_start3A_28 = tpu.memref_slice %arg4[%dma_start3A_16, %dma_start3A_27] : memref<4x4096xi32, #tpu.memory_space<hbm>> -> memref<1x4096xi32, #tpu.memory_space<hbm>>
    %dma_start3A_29 = tpu.memref_squeeze %dma_start3A_28 : memref<1x4096xi32, #tpu.memory_space<hbm>> -> memref<4096xi32, #tpu.memory_space<hbm>>
    tpu.enqueue_dma source(%dma_start3A_29 : memref<4096xi32, #tpu.memory_space<hbm>>) target(%dma_start3A_26 : memref<4096xi32, #tpu.memory_space<vmem>>) target_semaphore(%dma_start3A_24 : memref<!tpu.dma_semaphore, #tpu.memory_space<semaphore_mem>>)
    %dma_start3A_30 = arith.constant 0 : i32
    %dma_start3A_31 = arith.constant 0 : i32
    %dma_start3A_32 = arith.constant 0 : i32
    %dma_start3A_33 = tpu.memref_slice %arg11[%dma_start3A_32] : memref<16384xf32, #tpu.memory_space<vmem>> -> memref<4096xf32, #tpu.memory_space<vmem>>
    %dma_start3A_34 = arith.constant 0 : i32
    %dma_start3A_35 = tpu.memref_slice %arg3[%dma_start3A_30, %dma_start3A_34] : memref<4x4096xf32, #tpu.memory_space<hbm>> -> memref<1x4096xf32, #tpu.memory_space<hbm>>
    %dma_start3A_36 = tpu.memref_squeeze %dma_start3A_35 : memref<1x4096xf32, #tpu.memory_space<hbm>> -> memref<4096xf32, #tpu.memory_space<hbm>>
    %dma_start3A_37 = tpu.memref_slice %arg16[%dma_start3A_31] : memref<4x!tpu.dma_semaphore, #tpu.memory_space<semaphore_mem>> -> memref<1x!tpu.dma_semaphore, #tpu.memory_space<semaphore_mem>>
    %dma_start3A_38 = tpu.memref_squeeze %dma_start3A_37 : memref<1x!tpu.dma_semaphore, #tpu.memory_space<semaphore_mem>> -> memref<!tpu.dma_semaphore, #tpu.memory_space<semaphore_mem>>
    %dma_start3A_39 = arith.constant 0 : i32
    %dma_start3A_40 = tpu.memref_slice %arg11[%dma_start3A_39] : memref<16384xf32, #tpu.memory_space<vmem>> -> memref<4096xf32, #tpu.memory_space<vmem>>
    %dma_start3A_41 = arith.constant 0 : i32
    %dma_start3A_42 = tpu.memref_slice %arg3[%dma_start3A_30, %dma_start3A_41] : memref<4x4096xf32, #tpu.memory_space<hbm>> -> memref<1x4096xf32, #tpu.memory_space<hbm>>
    %dma_start3A_43 = tpu.memref_squeeze %dma_start3A_42 : memref<1x4096xf32, #tpu.memory_space<hbm>> -> memref<4096xf32, #tpu.memory_space<hbm>>
    tpu.enqueue_dma source(%dma_start3A_43 : memref<4096xf32, #tpu.memory_space<hbm>>) target(%dma_start3A_40 : memref<4096xf32, #tpu.memory_space<vmem>>) target_semaphore(%dma_start3A_38 : memref<!tpu.dma_semaphore, #tpu.memory_space<semaphore_mem>>)
    %dma_start3A_44 = arith.constant 1 : i32
    %dma_start3A_45 = arith.constant 1 : i32
    %dma_start3A_46 = arith.constant 4096 : i32
    %dma_start3A_47 = tpu.memref_slice %arg9[%dma_start3A_46] : memref<16384xi32, #tpu.memory_space<vmem>> -> memref<4096xi32, #tpu.memory_space<vmem>>
    %dma_start3A_48 = arith.constant 0 : i32
    %dma_start3A_49 = tpu.memref_slice %arg2[%dma_start3A_44, %dma_start3A_48] : memref<4x4096xi32, #tpu.memory_space<hbm>> -> memref<1x4096xi32, #tpu.memory_space<hbm>>
    %dma_start3A_50 = tpu.memref_squeeze %dma_start3A_49 : memref<1x4096xi32, #tpu.memory_space<hbm>> -> memref<4096xi32, #tpu.memory_space<hbm>>
    %dma_start3A_51 = tpu.memref_slice %arg16[%dma_start3A_45] : memref<4x!tpu.dma_semaphore, #tpu.memory_space<semaphore_mem>> -> memref<1x!tpu.dma_semaphore, #tpu.memory_space<semaphore_mem>>
    %dma_start3A_52 = tpu.memref_squeeze %dma_start3A_51 : memref<1x!tpu.dma_semaphore, #tpu.memory_space<semaphore_mem>> -> memref<!tpu.dma_semaphore, #tpu.memory_space<semaphore_mem>>
    %dma_start3A_53 = arith.constant 4096 : i32
    %dma_start3A_54 = tpu.memref_slice %arg9[%dma_start3A_53] : memref<16384xi32, #tpu.memory_space<vmem>> -> memref<4096xi32, #tpu.memory_space<vmem>>
    %dma_start3A_55 = arith.constant 0 : i32
    %dma_start3A_56 = tpu.memref_slice %arg2[%dma_start3A_44, %dma_start3A_55] : memref<4x4096xi32, #tpu.memory_space<hbm>> -> memref<1x4096xi32, #tpu.memory_space<hbm>>
    %dma_start3A_57 = tpu.memref_squeeze %dma_start3A_56 : memref<1x4096xi32, #tpu.memory_space<hbm>> -> memref<4096xi32, #tpu.memory_space<hbm>>
    tpu.enqueue_dma source(%dma_start3A_57 : memref<4096xi32, #tpu.memory_space<hbm>>) target(%dma_start3A_54 : memref<4096xi32, #tpu.memory_space<vmem>>) target_semaphore(%dma_start3A_52 : memref<!tpu.dma_semaphore, #tpu.memory_space<semaphore_mem>>)
    %dma_start3A_58 = arith.constant 1 : i32
    %dma_start3A_59 = arith.constant 1 : i32
    %dma_start3A_60 = arith.constant 4096 : i32
    %dma_start3A_61 = tpu.memref_slice %arg10[%dma_start3A_60] : memref<16384xi32, #tpu.memory_space<vmem>> -> memref<4096xi32, #tpu.memory_space<vmem>>
    %dma_start3A_62 = arith.constant 0 : i32
    %dma_start3A_63 = tpu.memref_slice %arg4[%dma_start3A_58, %dma_start3A_62] : memref<4x4096xi32, #tpu.memory_space<hbm>> -> memref<1x4096xi32, #tpu.memory_space<hbm>>
    %dma_start3A_64 = tpu.memref_squeeze %dma_start3A_63 : memref<1x4096xi32, #tpu.memory_space<hbm>> -> memref<4096xi32, #tpu.memory_space<hbm>>
    %dma_start3A_65 = tpu.memref_slice %arg16[%dma_start3A_59] : memref<4x!tpu.dma_semaphore, #tpu.memory_space<semaphore_mem>> -> memref<1x!tpu.dma_semaphore, #tpu.memory_space<semaphore_mem>>
    %dma_start3A_66 = tpu.memref_squeeze %dma_start3A_65 : memref<1x!tpu.dma_semaphore, #tpu.memory_space<semaphore_mem>> -> memref<!tpu.dma_semaphore, #tpu.memory_space<semaphore_mem>>
    %dma_start3A_67 = arith.constant 4096 : i32
    %dma_start3A_68 = tpu.memref_slice %arg10[%dma_start3A_67] : memref<16384xi32, #tpu.memory_space<vmem>> -> memref<4096xi32, #tpu.memory_space<vmem>>
    %dma_start3A_69 = arith.constant 0 : i32
    %dma_start3A_70 = tpu.memref_slice %arg4[%dma_start3A_58, %dma_start3A_69] : memref<4x4096xi32, #tpu.memory_space<hbm>> -> memref<1x4096xi32, #tpu.memory_space<hbm>>
    %dma_start3A_71 = tpu.memref_squeeze %dma_start3A_70 : memref<1x4096xi32, #tpu.memory_space<hbm>> -> memref<4096xi32, #tpu.memory_space<hbm>>
    tpu.enqueue_dma source(%dma_start3A_71 : memref<4096xi32, #tpu.memory_space<hbm>>) target(%dma_start3A_68 : memref<4096xi32, #tpu.memory_space<vmem>>) target_semaphore(%dma_start3A_66 : memref<!tpu.dma_semaphore, #tpu.memory_space<semaphore_mem>>)
    %dma_start3A_72 = arith.constant 1 : i32
    %dma_start3A_73 = arith.constant 1 : i32
    %dma_start3A_74 = arith.constant 4096 : i32
    %dma_start3A_75 = tpu.memref_slice %arg11[%dma_start3A_74] : memref<16384xf32, #tpu.memory_space<vmem>> -> memref<4096xf32, #tpu.memory_space<vmem>>
    %dma_start3A_76 = arith.constant 0 : i32
    %dma_start3A_77 = tpu.memref_slice %arg3[%dma_start3A_72, %dma_start3A_76] : memref<4x4096xf32, #tpu.memory_space<hbm>> -> memref<1x4096xf32, #tpu.memory_space<hbm>>
    %dma_start3A_78 = tpu.memref_squeeze %dma_start3A_77 : memref<1x4096xf32, #tpu.memory_space<hbm>> -> memref<4096xf32, #tpu.memory_space<hbm>>
    %dma_start3A_79 = tpu.memref_slice %arg16[%dma_start3A_73] : memref<4x!tpu.dma_semaphore, #tpu.memory_space<semaphore_mem>> -> memref<1x!tpu.dma_semaphore, #tpu.memory_space<semaphore_mem>>
    %dma_start3A_80 = tpu.memref_squeeze %dma_start3A_79 : memref<1x!tpu.dma_semaphore, #tpu.memory_space<semaphore_mem>> -> memref<!tpu.dma_semaphore, #tpu.memory_space<semaphore_mem>>
    %dma_start3A_81 = arith.constant 4096 : i32
    %dma_start3A_82 = tpu.memref_slice %arg11[%dma_start3A_81] : memref<16384xf32, #tpu.memory_space<vmem>> -> memref<4096xf32, #tpu.memory_space<vmem>>
    %dma_start3A_83 = arith.constant 0 : i32
    %dma_start3A_84 = tpu.memref_slice %arg3[%dma_start3A_72, %dma_start3A_83] : memref<4x4096xf32, #tpu.memory_space<hbm>> -> memref<1x4096xf32, #tpu.memory_space<hbm>>
    %dma_start3A_85 = tpu.memref_squeeze %dma_start3A_84 : memref<1x4096xf32, #tpu.memory_space<hbm>> -> memref<4096xf32, #tpu.memory_space<hbm>>
    tpu.enqueue_dma source(%dma_start3A_85 : memref<4096xf32, #tpu.memory_space<hbm>>) target(%dma_start3A_82 : memref<4096xf32, #tpu.memory_space<vmem>>) target_semaphore(%dma_start3A_80 : memref<!tpu.dma_semaphore, #tpu.memory_space<semaphore_mem>>)
    %dma_start3A_86 = arith.constant 2 : i32
    %dma_start3A_87 = arith.constant 2 : i32
    %dma_start3A_88 = arith.constant 8192 : i32
    %dma_start3A_89 = tpu.memref_slice %arg9[%dma_start3A_88] : memref<16384xi32, #tpu.memory_space<vmem>> -> memref<4096xi32, #tpu.memory_space<vmem>>
    %dma_start3A_90 = arith.constant 0 : i32
    %dma_start3A_91 = tpu.memref_slice %arg2[%dma_start3A_86, %dma_start3A_90] : memref<4x4096xi32, #tpu.memory_space<hbm>> -> memref<1x4096xi32, #tpu.memory_space<hbm>>
    %dma_start3A_92 = tpu.memref_squeeze %dma_start3A_91 : memref<1x4096xi32, #tpu.memory_space<hbm>> -> memref<4096xi32, #tpu.memory_space<hbm>>
    %dma_start3A_93 = tpu.memref_slice %arg16[%dma_start3A_87] : memref<4x!tpu.dma_semaphore, #tpu.memory_space<semaphore_mem>> -> memref<1x!tpu.dma_semaphore, #tpu.memory_space<semaphore_mem>>
    %dma_start3A_94 = tpu.memref_squeeze %dma_start3A_93 : memref<1x!tpu.dma_semaphore, #tpu.memory_space<semaphore_mem>> -> memref<!tpu.dma_semaphore, #tpu.memory_space<semaphore_mem>>
    %dma_start3A_95 = arith.constant 8192 : i32
    %dma_start3A_96 = tpu.memref_slice %arg9[%dma_start3A_95] : memref<16384xi32, #tpu.memory_space<vmem>> -> memref<4096xi32, #tpu.memory_space<vmem>>
    %dma_start3A_97 = arith.constant 0 : i32
    %dma_start3A_98 = tpu.memref_slice %arg2[%dma_start3A_86, %dma_start3A_97] : memref<4x4096xi32, #tpu.memory_space<hbm>> -> memref<1x4096xi32, #tpu.memory_space<hbm>>
    %dma_start3A_99 = tpu.memref_squeeze %dma_start3A_98 : memref<1x4096xi32, #tpu.memory_space<hbm>> -> memref<4096xi32, #tpu.memory_space<hbm>>
    tpu.enqueue_dma source(%dma_start3A_99 : memref<4096xi32, #tpu.memory_space<hbm>>) target(%dma_start3A_96 : memref<4096xi32, #tpu.memory_space<vmem>>) target_semaphore(%dma_start3A_94 : memref<!tpu.dma_semaphore, #tpu.memory_space<semaphore_mem>>)
    %dma_start3A_100 = arith.constant 2 : i32
    %dma_start3A_101 = arith.constant 2 : i32
    %dma_start3A_102 = arith.constant 8192 : i32
    %dma_start3A_103 = tpu.memref_slice %arg10[%dma_start3A_102] : memref<16384xi32, #tpu.memory_space<vmem>> -> memref<4096xi32, #tpu.memory_space<vmem>>
    %dma_start3A_104 = arith.constant 0 : i32
    %dma_start3A_105 = tpu.memref_slice %arg4[%dma_start3A_100, %dma_start3A_104] : memref<4x4096xi32, #tpu.memory_space<hbm>> -> memref<1x4096xi32, #tpu.memory_space<hbm>>
    %dma_start3A_106 = tpu.memref_squeeze %dma_start3A_105 : memref<1x4096xi32, #tpu.memory_space<hbm>> -> memref<4096xi32, #tpu.memory_space<hbm>>
    %dma_start3A_107 = tpu.memref_slice %arg16[%dma_start3A_101] : memref<4x!tpu.dma_semaphore, #tpu.memory_space<semaphore_mem>> -> memref<1x!tpu.dma_semaphore, #tpu.memory_space<semaphore_mem>>
    %dma_start3A_108 = tpu.memref_squeeze %dma_start3A_107 : memref<1x!tpu.dma_semaphore, #tpu.memory_space<semaphore_mem>> -> memref<!tpu.dma_semaphore, #tpu.memory_space<semaphore_mem>>
    %dma_start3A_109 = arith.constant 8192 : i32
    %dma_start3A_110 = tpu.memref_slice %arg10[%dma_start3A_109] : memref<16384xi32, #tpu.memory_space<vmem>> -> memref<4096xi32, #tpu.memory_space<vmem>>
    %dma_start3A_111 = arith.constant 0 : i32
    %dma_start3A_112 = tpu.memref_slice %arg4[%dma_start3A_100, %dma_start3A_111] : memref<4x4096xi32, #tpu.memory_space<hbm>> -> memref<1x4096xi32, #tpu.memory_space<hbm>>
    %dma_start3A_113 = tpu.memref_squeeze %dma_start3A_112 : memref<1x4096xi32, #tpu.memory_space<hbm>> -> memref<4096xi32, #tpu.memory_space<hbm>>
    tpu.enqueue_dma source(%dma_start3A_113 : memref<4096xi32, #tpu.memory_space<hbm>>) target(%dma_start3A_110 : memref<4096xi32, #tpu.memory_space<vmem>>) target_semaphore(%dma_start3A_108 : memref<!tpu.dma_semaphore, #tpu.memory_space<semaphore_mem>>)
    %dma_start3A_114 = arith.constant 2 : i32
    %dma_start3A_115 = arith.constant 2 : i32
    %dma_start3A_116 = arith.constant 8192 : i32
    %dma_start3A_117 = tpu.memref_slice %arg11[%dma_start3A_116] : memref<16384xf32, #tpu.memory_space<vmem>> -> memref<4096xf32, #tpu.memory_space<vmem>>
    %dma_start3A_118 = arith.constant 0 : i32
    %dma_start3A_119 = tpu.memref_slice %arg3[%dma_start3A_114, %dma_start3A_118] : memref<4x4096xf32, #tpu.memory_space<hbm>> -> memref<1x4096xf32, #tpu.memory_space<hbm>>
    %dma_start3A_120 = tpu.memref_squeeze %dma_start3A_119 : memref<1x4096xf32, #tpu.memory_space<hbm>> -> memref<4096xf32, #tpu.memory_space<hbm>>
    %dma_start3A_121 = tpu.memref_slice %arg16[%dma_start3A_115] : memref<4x!tpu.dma_semaphore, #tpu.memory_space<semaphore_mem>> -> memref<1x!tpu.dma_semaphore, #tpu.memory_space<semaphore_mem>>
    %dma_start3A_122 = tpu.memref_squeeze %dma_start3A_121 : memref<1x!tpu.dma_semaphore, #tpu.memory_space<semaphore_mem>> -> memref<!tpu.dma_semaphore, #tpu.memory_space<semaphore_mem>>
    %dma_start3A_123 = arith.constant 8192 : i32
    %dma_start3A_124 = tpu.memref_slice %arg11[%dma_start3A_123] : memref<16384xf32, #tpu.memory_space<vmem>> -> memref<4096xf32, #tpu.memory_space<vmem>>
    %dma_start3A_125 = arith.constant 0 : i32
    %dma_start3A_126 = tpu.memref_slice %arg3[%dma_start3A_114, %dma_start3A_125] : memref<4x4096xf32, #tpu.memory_space<hbm>> -> memref<1x4096xf32, #tpu.memory_space<hbm>>
    %dma_start3A_127 = tpu.memref_squeeze %dma_start3A_126 : memref<1x4096xf32, #tpu.memory_space<hbm>> -> memref<4096xf32, #tpu.memory_space<hbm>>
    tpu.enqueue_dma source(%dma_start3A_127 : memref<4096xf32, #tpu.memory_space<hbm>>) target(%dma_start3A_124 : memref<4096xf32, #tpu.memory_space<vmem>>) target_semaphore(%dma_start3A_122 : memref<!tpu.dma_semaphore, #tpu.memory_space<semaphore_mem>>)
    %dma_start3A_128 = arith.constant 3 : i32
    %dma_start3A_129 = arith.constant 3 : i32
    %dma_start3A_130 = arith.constant 12288 : i32
    %dma_start3A_131 = tpu.memref_slice %arg9[%dma_start3A_130] : memref<16384xi32, #tpu.memory_space<vmem>> -> memref<4096xi32, #tpu.memory_space<vmem>>
    %dma_start3A_132 = arith.constant 0 : i32
    %dma_start3A_133 = tpu.memref_slice %arg2[%dma_start3A_128, %dma_start3A_132] : memref<4x4096xi32, #tpu.memory_space<hbm>> -> memref<1x4096xi32, #tpu.memory_space<hbm>>
    %dma_start3A_134 = tpu.memref_squeeze %dma_start3A_133 : memref<1x4096xi32, #tpu.memory_space<hbm>> -> memref<4096xi32, #tpu.memory_space<hbm>>
    %dma_start3A_135 = tpu.memref_slice %arg16[%dma_start3A_129] : memref<4x!tpu.dma_semaphore, #tpu.memory_space<semaphore_mem>> -> memref<1x!tpu.dma_semaphore, #tpu.memory_space<semaphore_mem>>
    %dma_start3A_136 = tpu.memref_squeeze %dma_start3A_135 : memref<1x!tpu.dma_semaphore, #tpu.memory_space<semaphore_mem>> -> memref<!tpu.dma_semaphore, #tpu.memory_space<semaphore_mem>>
    %dma_start3A_137 = arith.constant 12288 : i32
    %dma_start3A_138 = tpu.memref_slice %arg9[%dma_start3A_137] : memref<16384xi32, #tpu.memory_space<vmem>> -> memref<4096xi32, #tpu.memory_space<vmem>>
    %dma_start3A_139 = arith.constant 0 : i32
    %dma_start3A_140 = tpu.memref_slice %arg2[%dma_start3A_128, %dma_start3A_139] : memref<4x4096xi32, #tpu.memory_space<hbm>> -> memref<1x4096xi32, #tpu.memory_space<hbm>>
    %dma_start3A_141 = tpu.memref_squeeze %dma_start3A_140 : memref<1x4096xi32, #tpu.memory_space<hbm>> -> memref<4096xi32, #tpu.memory_space<hbm>>
    tpu.enqueue_dma source(%dma_start3A_141 : memref<4096xi32, #tpu.memory_space<hbm>>) target(%dma_start3A_138 : memref<4096xi32, #tpu.memory_space<vmem>>) target_semaphore(%dma_start3A_136 : memref<!tpu.dma_semaphore, #tpu.memory_space<semaphore_mem>>)
    %dma_start3A_142 = arith.constant 3 : i32
    %dma_start3A_143 = arith.constant 3 : i32
    %dma_start3A_144 = arith.constant 12288 : i32
    %dma_start3A_145 = tpu.memref_slice %arg10[%dma_start3A_144] : memref<16384xi32, #tpu.memory_space<vmem>> -> memref<4096xi32, #tpu.memory_space<vmem>>
    %dma_start3A_146 = arith.constant 0 : i32
    %dma_start3A_147 = tpu.memref_slice %arg4[%dma_start3A_142, %dma_start3A_146] : memref<4x4096xi32, #tpu.memory_space<hbm>> -> memref<1x4096xi32, #tpu.memory_space<hbm>>
    %dma_start3A_148 = tpu.memref_squeeze %dma_start3A_147 : memref<1x4096xi32, #tpu.memory_space<hbm>> -> memref<4096xi32, #tpu.memory_space<hbm>>
    %dma_start3A_149 = tpu.memref_slice %arg16[%dma_start3A_143] : memref<4x!tpu.dma_semaphore, #tpu.memory_space<semaphore_mem>> -> memref<1x!tpu.dma_semaphore, #tpu.memory_space<semaphore_mem>>
    %dma_start3A_150 = tpu.memref_squeeze %dma_start3A_149 : memref<1x!tpu.dma_semaphore, #tpu.memory_space<semaphore_mem>> -> memref<!tpu.dma_semaphore, #tpu.memory_space<semaphore_mem>>
    %dma_start3A_151 = arith.constant 12288 : i32
    %dma_start3A_152 = tpu.memref_slice %arg10[%dma_start3A_151] : memref<16384xi32, #tpu.memory_space<vmem>> -> memref<4096xi32, #tpu.memory_space<vmem>>
    %dma_start3A_153 = arith.constant 0 : i32
    %dma_start3A_154 = tpu.memref_slice %arg4[%dma_start3A_142, %dma_start3A_153] : memref<4x4096xi32, #tpu.memory_space<hbm>> -> memref<1x4096xi32, #tpu.memory_space<hbm>>
    %dma_start3A_155 = tpu.memref_squeeze %dma_start3A_154 : memref<1x4096xi32, #tpu.memory_space<hbm>> -> memref<4096xi32, #tpu.memory_space<hbm>>
    tpu.enqueue_dma source(%dma_start3A_155 : memref<4096xi32, #tpu.memory_space<hbm>>) target(%dma_start3A_152 : memref<4096xi32, #tpu.memory_space<vmem>>) target_semaphore(%dma_start3A_150 : memref<!tpu.dma_semaphore, #tpu.memory_space<semaphore_mem>>)
    %dma_start3A_156 = arith.constant 3 : i32
    %dma_start3A_157 = arith.constant 3 : i32
    %dma_start3A_158 = arith.constant 12288 : i32
    %dma_start3A_159 = tpu.memref_slice %arg11[%dma_start3A_158] : memref<16384xf32, #tpu.memory_space<vmem>> -> memref<4096xf32, #tpu.memory_space<vmem>>
    %dma_start3A_160 = arith.constant 0 : i32
    %dma_start3A_161 = tpu.memref_slice %arg3[%dma_start3A_156, %dma_start3A_160] : memref<4x4096xf32, #tpu.memory_space<hbm>> -> memref<1x4096xf32, #tpu.memory_space<hbm>>
    %dma_start3A_162 = tpu.memref_squeeze %dma_start3A_161 : memref<1x4096xf32, #tpu.memory_space<hbm>> -> memref<4096xf32, #tpu.memory_space<hbm>>
    %dma_start3A_163 = tpu.memref_slice %arg16[%dma_start3A_157] : memref<4x!tpu.dma_semaphore, #tpu.memory_space<semaphore_mem>> -> memref<1x!tpu.dma_semaphore, #tpu.memory_space<semaphore_mem>>
    %dma_start3A_164 = tpu.memref_squeeze %dma_start3A_163 : memref<1x!tpu.dma_semaphore, #tpu.memory_space<semaphore_mem>> -> memref<!tpu.dma_semaphore, #tpu.memory_space<semaphore_mem>>
    %dma_start3A_165 = arith.constant 12288 : i32
    %dma_start3A_166 = tpu.memref_slice %arg11[%dma_start3A_165] : memref<16384xf32, #tpu.memory_space<vmem>> -> memref<4096xf32, #tpu.memory_space<vmem>>
    %dma_start3A_167 = arith.constant 0 : i32
    %dma_start3A_168 = tpu.memref_slice %arg3[%dma_start3A_156, %dma_start3A_167] : memref<4x4096xf32, #tpu.memory_space<hbm>> -> memref<1x4096xf32, #tpu.memory_space<hbm>>
    %dma_start3A_169 = tpu.memref_squeeze %dma_start3A_168 : memref<1x4096xf32, #tpu.memory_space<hbm>> -> memref<4096xf32, #tpu.memory_space<hbm>>
    tpu.enqueue_dma source(%dma_start3A_169 : memref<4096xf32, #tpu.memory_space<hbm>>) target(%dma_start3A_166 : memref<4096xf32, #tpu.memory_space<vmem>>) target_semaphore(%dma_start3A_164 : memref<!tpu.dma_semaphore, #tpu.memory_space<semaphore_mem>>)
    %dma_wait3A = arith.constant 0 : i32
    %dma_wait3A_170 = arith.constant 0 : i32
    %dma_wait3A_171 = arith.constant 0 : i32
    %dma_wait3A_172 = tpu.memref_slice %arg9[%dma_wait3A_171] : memref<16384xi32, #tpu.memory_space<vmem>> -> memref<4096xi32, #tpu.memory_space<vmem>>
    %dma_wait3A_173 = arith.constant 0 : i32
    %dma_wait3A_174 = tpu.memref_slice %arg2[%dma_wait3A, %dma_wait3A_173] : memref<4x4096xi32, #tpu.memory_space<hbm>> -> memref<1x4096xi32, #tpu.memory_space<hbm>>
    %dma_wait3A_175 = tpu.memref_squeeze %dma_wait3A_174 : memref<1x4096xi32, #tpu.memory_space<hbm>> -> memref<4096xi32, #tpu.memory_space<hbm>>
    %dma_wait3A_176 = tpu.memref_slice %arg16[%dma_wait3A_170] : memref<4x!tpu.dma_semaphore, #tpu.memory_space<semaphore_mem>> -> memref<1x!tpu.dma_semaphore, #tpu.memory_space<semaphore_mem>>
    %dma_wait3A_177 = tpu.memref_squeeze %dma_wait3A_176 : memref<1x!tpu.dma_semaphore, #tpu.memory_space<semaphore_mem>> -> memref<!tpu.dma_semaphore, #tpu.memory_space<semaphore_mem>>
    %dma_wait3A_178 = arith.constant 0 : i32
    %dma_wait3A_179 = tpu.memref_slice %arg9[%dma_wait3A_178] : memref<16384xi32, #tpu.memory_space<vmem>> -> memref<4096xi32, #tpu.memory_space<vmem>>
    %dma_wait3A_180 = arith.constant 0 : i32
    %dma_wait3A_181 = tpu.memref_slice %arg2[%dma_wait3A, %dma_wait3A_180] : memref<4x4096xi32, #tpu.memory_space<hbm>> -> memref<1x4096xi32, #tpu.memory_space<hbm>>
    %dma_wait3A_182 = tpu.memref_squeeze %dma_wait3A_181 : memref<1x4096xi32, #tpu.memory_space<hbm>> -> memref<4096xi32, #tpu.memory_space<hbm>>
    tpu.wait_dma2 semaphore(%dma_wait3A_177 : memref<!tpu.dma_semaphore, #tpu.memory_space<semaphore_mem>>) src(%dma_wait3A_182 : memref<4096xi32, #tpu.memory_space<hbm>>) dst(%dma_wait3A_179 : memref<4096xi32, #tpu.memory_space<vmem>>)
    %dma_wait3A_183 = arith.constant 0 : i32
    %dma_wait3A_184 = arith.constant 0 : i32
    %dma_wait3A_185 = arith.constant 0 : i32
    %dma_wait3A_186 = tpu.memref_slice %arg10[%dma_wait3A_185] : memref<16384xi32, #tpu.memory_space<vmem>> -> memref<4096xi32, #tpu.memory_space<vmem>>
    %dma_wait3A_187 = arith.constant 0 : i32
    %dma_wait3A_188 = tpu.memref_slice %arg4[%dma_wait3A_183, %dma_wait3A_187] : memref<4x4096xi32, #tpu.memory_space<hbm>> -> memref<1x4096xi32, #tpu.memory_space<hbm>>
    %dma_wait3A_189 = tpu.memref_squeeze %dma_wait3A_188 : memref<1x4096xi32, #tpu.memory_space<hbm>> -> memref<4096xi32, #tpu.memory_space<hbm>>
    %dma_wait3A_190 = tpu.memref_slice %arg16[%dma_wait3A_184] : memref<4x!tpu.dma_semaphore, #tpu.memory_space<semaphore_mem>> -> memref<1x!tpu.dma_semaphore, #tpu.memory_space<semaphore_mem>>
    %dma_wait3A_191 = tpu.memref_squeeze %dma_wait3A_190 : memref<1x!tpu.dma_semaphore, #tpu.memory_space<semaphore_mem>> -> memref<!tpu.dma_semaphore, #tpu.memory_space<semaphore_mem>>
    %dma_wait3A_192 = arith.constant 0 : i32
    %dma_wait3A_193 = tpu.memref_slice %arg10[%dma_wait3A_192] : memref<16384xi32, #tpu.memory_space<vmem>> -> memref<4096xi32, #tpu.memory_space<vmem>>
    %dma_wait3A_194 = arith.constant 0 : i32
    %dma_wait3A_195 = tpu.memref_slice %arg4[%dma_wait3A_183, %dma_wait3A_194] : memref<4x4096xi32, #tpu.memory_space<hbm>> -> memref<1x4096xi32, #tpu.memory_space<hbm>>
    %dma_wait3A_196 = tpu.memref_squeeze %dma_wait3A_195 : memref<1x4096xi32, #tpu.memory_space<hbm>> -> memref<4096xi32, #tpu.memory_space<hbm>>
    tpu.wait_dma2 semaphore(%dma_wait3A_191 : memref<!tpu.dma_semaphore, #tpu.memory_space<semaphore_mem>>) src(%dma_wait3A_196 : memref<4096xi32, #tpu.memory_space<hbm>>) dst(%dma_wait3A_193 : memref<4096xi32, #tpu.memory_space<vmem>>)
    %dma_wait3A_197 = arith.constant 0 : i32
    %dma_wait3A_198 = arith.constant 0 : i32
    %dma_wait3A_199 = arith.constant 0 : i32
    %dma_wait3A_200 = tpu.memref_slice %arg11[%dma_wait3A_199] : memref<16384xf32, #tpu.memory_space<vmem>> -> memref<4096xf32, #tpu.memory_space<vmem>>
    %dma_wait3A_201 = arith.constant 0 : i32
    %dma_wait3A_202 = tpu.memref_slice %arg3[%dma_wait3A_197, %dma_wait3A_201] : memref<4x4096xf32, #tpu.memory_space<hbm>> -> memref<1x4096xf32, #tpu.memory_space<hbm>>
    %dma_wait3A_203 = tpu.memref_squeeze %dma_wait3A_202 : memref<1x4096xf32, #tpu.memory_space<hbm>> -> memref<4096xf32, #tpu.memory_space<hbm>>
    %dma_wait3A_204 = tpu.memref_slice %arg16[%dma_wait3A_198] : memref<4x!tpu.dma_semaphore, #tpu.memory_space<semaphore_mem>> -> memref<1x!tpu.dma_semaphore, #tpu.memory_space<semaphore_mem>>
    %dma_wait3A_205 = tpu.memref_squeeze %dma_wait3A_204 : memref<1x!tpu.dma_semaphore, #tpu.memory_space<semaphore_mem>> -> memref<!tpu.dma_semaphore, #tpu.memory_space<semaphore_mem>>
    %dma_wait3A_206 = arith.constant 0 : i32
    %dma_wait3A_207 = tpu.memref_slice %arg11[%dma_wait3A_206] : memref<16384xf32, #tpu.memory_space<vmem>> -> memref<4096xf32, #tpu.memory_space<vmem>>
    %dma_wait3A_208 = arith.constant 0 : i32
    %dma_wait3A_209 = tpu.memref_slice %arg3[%dma_wait3A_197, %dma_wait3A_208] : memref<4x4096xf32, #tpu.memory_space<hbm>> -> memref<1x4096xf32, #tpu.memory_space<hbm>>
    %dma_wait3A_210 = tpu.memref_squeeze %dma_wait3A_209 : memref<1x4096xf32, #tpu.memory_space<hbm>> -> memref<4096xf32, #tpu.memory_space<hbm>>
    tpu.wait_dma2 semaphore(%dma_wait3A_205 : memref<!tpu.dma_semaphore, #tpu.memory_space<semaphore_mem>>) src(%dma_wait3A_210 : memref<4096xf32, #tpu.memory_space<hbm>>) dst(%dma_wait3A_207 : memref<4096xf32, #tpu.memory_space<vmem>>)
    %scan3A = arith.constant 0 : i32
    %scan3A_211 = arith.constant 8 : i32
    %scan3A_212 = arith.addi %scan3A, %scan3A_211 : i32
    %scan3A_213 = arith.constant 1 : i32
    scf.for %scan3A_856 = %scan3A to %scan3A_212 step %scan3A_213  : i32 {
      %mul3A_857 = arith.constant 16 : i32
      %mul3A_858 = arith.muli %scan3A_856, %mul3A_857 : i32
      %add3A_859 = arith.constant 0 : i32
      %add3A_860 = arith.addi %add3A_859, %mul3A_858 : i32
      %add3A_861 = arith.constant 0 : i32
      %add3A_862 = arith.addi %add3A_861, %mul3A_2 : i32
      %add3A_863 = arith.addi %add3A_862, %add3A_860 : i32
      %get3A = arith.index_cast %add3A_863 : i32 to index
      %get3A_864 = tpu.vector_load %arg9[%get3A] {strides = array<i32>} : memref<16384xi32, #tpu.memory_space<vmem>>, vector<16xi32>,
      %add3A_865 = arith.constant 0 : i32
      %add3A_866 = vector.broadcast %add3A_865 : i32 to vector<16xi32>
      %add3A_867 = arith.addi %get3A_864, %add3A_866 : vector<16xi32>
      %gather3A = tpu.vector_load_idx %arg10[%add3A_867] : memref<16384xi32, #tpu.memory_space<vmem>>[vector<16xi32>], vector<16xi32>,
      %iota3A = tpu.iota {dimensions = array<i32: 0>} : vector<16xi32>
      %add3A_868 = arith.addi %mul3A_2, %add3A_860 : i32
      %add3A_869 = vector.broadcast %add3A_868 : i32 to vector<16xi32>
      %add3A_870 = arith.addi %iota3A, %add3A_869 : vector<16xi32>
      %add3A_871 = arith.constant 0 : i32
      %add3A_872 = arith.addi %add3A_871, %mul3A_2 : i32
      %add3A_873 = arith.addi %add3A_872, %add3A_860 : i32
      %get3A_874 = arith.index_cast %add3A_873 : i32 to index
      %get3A_875 = tpu.vector_load %arg11[%get3A_874] {strides = array<i32>} : memref<16384xf32, #tpu.memory_space<vmem>>, vector<16xf32>,
      %eq3A = arith.cmpi eq, %gather3A, %add3A_870 : vector<16xi32>
      %gt3A = arith.constant 0.000000e+00 : f32
      %gt3A_876 = vector.broadcast %gt3A : f32 to vector<16xf32>
      %gt3A_877 = arith.cmpf ogt, %get3A_875, %gt3A_876 : vector<16xf32>
      %and3A = arith.andi %eq3A, %gt3A_877 : vector<16xi1>
      %jit3A = arith.constant -1 : i32
      %broadcast_in_dim3A = vector.broadcast %jit3A : i32 to vector<16xi32>
      %select_n3A = arith.select %and3A, %get3A_864, %broadcast_in_dim3A : vector<16xi1>, vector<16xi32>
      %swap3A = arith.constant 0 : i32
      %swap3A_878 = arith.index_cast %swap3A : i32 to index
      %swap3A_879 = arith.index_cast %add3A_860 : i32 to index
      %swap3A_880 = tpu.vector_load %arg12[%swap3A_878, %swap3A_879] {strides = array<i32>} : memref<4x128xi32, #tpu.memory_space<vmem>>, vector<16xi32>,
      tpu.vector_store %arg12[%swap3A_878, %swap3A_879], %select_n3A {strides = array<i32>} : memref<4x128xi32, #tpu.memory_space<vmem>>, vector<16xi32>,
      %jit3A_881 = arith.constant 0.000000e+00 : f32
      %broadcast_in_dim3A_882 = vector.broadcast %jit3A_881 : f32 to vector<16xf32>
      %select_n3A_883 = arith.select %and3A, %get3A_875, %broadcast_in_dim3A_882 : vector<16xi1>, vector<16xf32>
      %swap3A_884 = arith.constant 0 : i32
      %swap3A_885 = arith.index_cast %swap3A_884 : i32 to index
      %swap3A_886 = arith.index_cast %add3A_860 : i32 to index
      %swap3A_887 = tpu.vector_load %arg13[%swap3A_885, %swap3A_886] {strides = array<i32>} : memref<4x128xf32, #tpu.memory_space<vmem>>, vector<16xf32>,
      tpu.vector_store %arg13[%swap3A_885, %swap3A_886], %select_n3A_883 {strides = array<i32>} : memref<4x128xf32, #tpu.memory_space<vmem>>, vector<16xf32>,
    }
    %scan3A_214 = arith.constant 8 : i32
    %scan3A_215 = arith.constant 0 : i32
    %scan3A_216 = arith.constant 8 : i32
    %scan3A_217 = arith.addi %scan3A_215, %scan3A_216 : i32
    %scan3A_218 = arith.constant 1 : i32
    scf.for %scan3A_856 = %scan3A_215 to %scan3A_217 step %scan3A_218  : i32 {
      %mul3A_857 = arith.constant 16 : i32
      %mul3A_858 = arith.muli %scan3A_856, %mul3A_857 : i32
      %add3A_859 = arith.constant 0 : i32
      %add3A_860 = arith.addi %add3A_859, %mul3A_858 : i32
      %add3A_861 = arith.constant 0 : i32
      %add3A_862 = arith.addi %add3A_861, %mul3A_2 : i32
      %add3A_863 = arith.addi %add3A_862, %add3A_860 : i32
      %get3A = arith.index_cast %add3A_863 : i32 to index
      %get3A_864 = tpu.vector_load %arg10[%get3A] {strides = array<i32>} : memref<16384xi32, #tpu.memory_space<vmem>>, vector<16xi32>,
      %add3A_865 = arith.constant 0 : i32
      %add3A_866 = vector.broadcast %add3A_865 : i32 to vector<16xi32>
      %add3A_867 = arith.addi %get3A_864, %add3A_866 : vector<16xi32>
      %gather3A = tpu.vector_load_idx %arg9[%add3A_867] : memref<16384xi32, #tpu.memory_space<vmem>>[vector<16xi32>], vector<16xi32>,
      %add3A_868 = arith.constant 0 : i32
      %add3A_869 = vector.broadcast %add3A_868 : i32 to vector<16xi32>
      %add3A_870 = arith.addi %get3A_864, %add3A_869 : vector<16xi32>
      %gather3A_871 = tpu.vector_load_idx %arg11[%add3A_870] : memref<16384xf32, #tpu.memory_space<vmem>>[vector<16xi32>], vector<16xf32>,
      %iota3A = tpu.iota {dimensions = array<i32: 0>} : vector<16xi32>
      %add3A_872 = arith.addi %mul3A_2, %add3A_860 : i32
      %add3A_873 = vector.broadcast %add3A_872 : i32 to vector<16xi32>
      %add3A_874 = arith.addi %iota3A, %add3A_873 : vector<16xi32>
      %eq3A = arith.cmpi eq, %gather3A, %add3A_874 : vector<16xi32>
      %gt3A = arith.constant 0.000000e+00 : f32
      %gt3A_875 = vector.broadcast %gt3A : f32 to vector<16xf32>
      %gt3A_876 = arith.cmpf ogt, %gather3A_871, %gt3A_875 : vector<16xf32>
      %and3A = arith.andi %eq3A, %gt3A_876 : vector<16xi1>
      %jit3A = arith.constant -1 : i32
      %broadcast_in_dim3A = vector.broadcast %jit3A : i32 to vector<16xi32>
      %select_n3A = arith.select %and3A, %get3A_864, %broadcast_in_dim3A : vector<16xi1>, vector<16xi32>
      %swap3A = arith.constant 0 : i32
      %swap3A_877 = arith.index_cast %swap3A : i32 to index
      %swap3A_878 = arith.index_cast %add3A_860 : i32 to index
      %swap3A_879 = tpu.vector_load %arg14[%swap3A_877, %swap3A_878] {strides = array<i32>} : memref<4x128xi32, #tpu.memory_space<vmem>>, vector<16xi32>,
      tpu.vector_store %arg14[%swap3A_877, %swap3A_878], %select_n3A {strides = array<i32>} : memref<4x128xi32, #tpu.memory_space<vmem>>, vector<16xi32>,
      %jit3A_880 = arith.constant 0.000000e+00 : f32
      %broadcast_in_dim3A_881 = vector.broadcast %jit3A_880 : f32 to vector<16xf32>
      %select_n3A_882 = arith.select %and3A, %gather3A_871, %broadcast_in_dim3A_881 : vector<16xi1>, vector<16xf32>
      %swap3A_883 = arith.constant 0 : i32
      %swap3A_884 = arith.index_cast %swap3A_883 : i32 to index
      %swap3A_885 = arith.index_cast %add3A_860 : i32 to index
      %swap3A_886 = tpu.vector_load %arg15[%swap3A_884, %swap3A_885] {strides = array<i32>} : memref<4x128xf32, #tpu.memory_space<vmem>>, vector<16xf32>,
      tpu.vector_store %arg15[%swap3A_884, %swap3A_885], %select_n3A_882 {strides = array<i32>} : memref<4x128xf32, #tpu.memory_space<vmem>>, vector<16xf32>,
    }
    %scan3A_219 = arith.constant 8 : i32
    %dma_start3A_220 = arith.constant 0 : i32
    %dma_start3A_221 = arith.constant 0 : i32
    %dma_start3A_222 = arith.constant 0 : i32
    %dma_start3A_223 = arith.constant 0 : i32
    %dma_start3A_224 = tpu.memref_slice %arg12[%dma_start3A_220, %dma_start3A_223] : memref<4x128xi32, #tpu.memory_space<vmem>> -> memref<1x128xi32, #tpu.memory_space<vmem>>
    %dma_start3A_225 = tpu.memref_squeeze %dma_start3A_224 : memref<1x128xi32, #tpu.memory_space<vmem>> -> memref<128xi32, #tpu.memory_space<vmem>>
    %dma_start3A_226 = tpu.memref_slice %arg5[%dma_start3A_221, %mul3A_2] : memref<4x4096xi32, #tpu.memory_space<hbm>> -> memref<1x128xi32, #tpu.memory_space<hbm>>
    %dma_start3A_227 = tpu.memref_squeeze %dma_start3A_226 : memref<1x128xi32, #tpu.memory_space<hbm>> -> memref<128xi32, #tpu.memory_space<hbm>>
    %dma_start3A_228 = tpu.memref_slice %arg17[%dma_start3A_222] : memref<4x!tpu.dma_semaphore, #tpu.memory_space<semaphore_mem>> -> memref<1x!tpu.dma_semaphore, #tpu.memory_space<semaphore_mem>>
    %dma_start3A_229 = tpu.memref_squeeze %dma_start3A_228 : memref<1x!tpu.dma_semaphore, #tpu.memory_space<semaphore_mem>> -> memref<!tpu.dma_semaphore, #tpu.memory_space<semaphore_mem>>
    %dma_start3A_230 = tpu.memref_slice %arg5[%dma_start3A_221, %mul3A_2] : memref<4x4096xi32, #tpu.memory_space<hbm>> -> memref<1x128xi32, #tpu.memory_space<hbm>>
    %dma_start3A_231 = tpu.memref_squeeze %dma_start3A_230 : memref<1x128xi32, #tpu.memory_space<hbm>> -> memref<128xi32, #tpu.memory_space<hbm>>
    %dma_start3A_232 = arith.constant 0 : i32
    %dma_start3A_233 = tpu.memref_slice %arg12[%dma_start3A_220, %dma_start3A_232] : memref<4x128xi32, #tpu.memory_space<vmem>> -> memref<1x128xi32, #tpu.memory_space<vmem>>
    %dma_start3A_234 = tpu.memref_squeeze %dma_start3A_233 : memref<1x128xi32, #tpu.memory_space<vmem>> -> memref<128xi32, #tpu.memory_space<vmem>>
    tpu.enqueue_dma source(%dma_start3A_234 : memref<128xi32, #tpu.memory_space<vmem>>) target(%dma_start3A_231 : memref<128xi32, #tpu.memory_space<hbm>>) target_semaphore(%dma_start3A_229 : memref<!tpu.dma_semaphore, #tpu.memory_space<semaphore_mem>>)
    %dma_start3A_235 = arith.constant 0 : i32
    %dma_start3A_236 = arith.constant 0 : i32
    %dma_start3A_237 = arith.constant 0 : i32
    %dma_start3A_238 = arith.constant 0 : i32
    %dma_start3A_239 = tpu.memref_slice %arg13[%dma_start3A_235, %dma_start3A_238] : memref<4x128xf32, #tpu.memory_space<vmem>> -> memref<1x128xf32, #tpu.memory_space<vmem>>
    %dma_start3A_240 = tpu.memref_squeeze %dma_start3A_239 : memref<1x128xf32, #tpu.memory_space<vmem>> -> memref<128xf32, #tpu.memory_space<vmem>>
    %dma_start3A_241 = tpu.memref_slice %arg7[%dma_start3A_236, %mul3A_2] : memref<4x4096xf32, #tpu.memory_space<hbm>> -> memref<1x128xf32, #tpu.memory_space<hbm>>
    %dma_start3A_242 = tpu.memref_squeeze %dma_start3A_241 : memref<1x128xf32, #tpu.memory_space<hbm>> -> memref<128xf32, #tpu.memory_space<hbm>>
    %dma_start3A_243 = tpu.memref_slice %arg17[%dma_start3A_237] : memref<4x!tpu.dma_semaphore, #tpu.memory_space<semaphore_mem>> -> memref<1x!tpu.dma_semaphore, #tpu.memory_space<semaphore_mem>>
    %dma_start3A_244 = tpu.memref_squeeze %dma_start3A_243 : memref<1x!tpu.dma_semaphore, #tpu.memory_space<semaphore_mem>> -> memref<!tpu.dma_semaphore, #tpu.memory_space<semaphore_mem>>
    %dma_start3A_245 = tpu.memref_slice %arg7[%dma_start3A_236, %mul3A_2] : memref<4x4096xf32, #tpu.memory_space<hbm>> -> memref<1x128xf32, #tpu.memory_space<hbm>>
    %dma_start3A_246 = tpu.memref_squeeze %dma_start3A_245 : memref<1x128xf32, #tpu.memory_space<hbm>> -> memref<128xf32, #tpu.memory_space<hbm>>
    %dma_start3A_247 = arith.constant 0 : i32
    %dma_start3A_248 = tpu.memref_slice %arg13[%dma_start3A_235, %dma_start3A_247] : memref<4x128xf32, #tpu.memory_space<vmem>> -> memref<1x128xf32, #tpu.memory_space<vmem>>
    %dma_start3A_249 = tpu.memref_squeeze %dma_start3A_248 : memref<1x128xf32, #tpu.memory_space<vmem>> -> memref<128xf32, #tpu.memory_space<vmem>>
    tpu.enqueue_dma source(%dma_start3A_249 : memref<128xf32, #tpu.memory_space<vmem>>) target(%dma_start3A_246 : memref<128xf32, #tpu.memory_space<hbm>>) target_semaphore(%dma_start3A_244 : memref<!tpu.dma_semaphore, #tpu.memory_space<semaphore_mem>>)
    %dma_start3A_250 = arith.constant 0 : i32
    %dma_start3A_251 = arith.constant 0 : i32
    %dma_start3A_252 = arith.constant 0 : i32
    %dma_start3A_253 = arith.constant 0 : i32
    %dma_start3A_254 = tpu.memref_slice %arg14[%dma_start3A_250, %dma_start3A_253] : memref<4x128xi32, #tpu.memory_space<vmem>> -> memref<1x128xi32, #tpu.memory_space<vmem>>
    %dma_start3A_255 = tpu.memref_squeeze %dma_start3A_254 : memref<1x128xi32, #tpu.memory_space<vmem>> -> memref<128xi32, #tpu.memory_space<vmem>>
    %dma_start3A_256 = tpu.memref_slice %arg6[%dma_start3A_251, %mul3A_2] : memref<4x4096xi32, #tpu.memory_space<hbm>> -> memref<1x128xi32, #tpu.memory_space<hbm>>
    %dma_start3A_257 = tpu.memref_squeeze %dma_start3A_256 : memref<1x128xi32, #tpu.memory_space<hbm>> -> memref<128xi32, #tpu.memory_space<hbm>>
    %dma_start3A_258 = tpu.memref_slice %arg17[%dma_start3A_252] : memref<4x!tpu.dma_semaphore, #tpu.memory_space<semaphore_mem>> -> memref<1x!tpu.dma_semaphore, #tpu.memory_space<semaphore_mem>>
    %dma_start3A_259 = tpu.memref_squeeze %dma_start3A_258 : memref<1x!tpu.dma_semaphore, #tpu.memory_space<semaphore_mem>> -> memref<!tpu.dma_semaphore, #tpu.memory_space<semaphore_mem>>
    %dma_start3A_260 = tpu.memref_slice %arg6[%dma_start3A_251, %mul3A_2] : memref<4x4096xi32, #tpu.memory_space<hbm>> -> memref<1x128xi32, #tpu.memory_space<hbm>>
    %dma_start3A_261 = tpu.memref_squeeze %dma_start3A_260 : memref<1x128xi32, #tpu.memory_space<hbm>> -> memref<128xi32, #tpu.memory_space<hbm>>
    %dma_start3A_262 = arith.constant 0 : i32
    %dma_start3A_263 = tpu.memref_slice %arg14[%dma_start3A_250, %dma_start3A_262] : memref<4x128xi32, #tpu.memory_space<vmem>> -> memref<1x128xi32, #tpu.memory_space<vmem>>
    %dma_start3A_264 = tpu.memref_squeeze %dma_start3A_263 : memref<1x128xi32, #tpu.memory_space<vmem>> -> memref<128xi32, #tpu.memory_space<vmem>>
    tpu.enqueue_dma source(%dma_start3A_264 : memref<128xi32, #tpu.memory_space<vmem>>) target(%dma_start3A_261 : memref<128xi32, #tpu.memory_space<hbm>>) target_semaphore(%dma_start3A_259 : memref<!tpu.dma_semaphore, #tpu.memory_space<semaphore_mem>>)
    %dma_start3A_265 = arith.constant 0 : i32
    %dma_start3A_266 = arith.constant 0 : i32
    %dma_start3A_267 = arith.constant 0 : i32
    %dma_start3A_268 = arith.constant 0 : i32
    %dma_start3A_269 = tpu.memref_slice %arg15[%dma_start3A_265, %dma_start3A_268] : memref<4x128xf32, #tpu.memory_space<vmem>> -> memref<1x128xf32, #tpu.memory_space<vmem>>
    %dma_start3A_270 = tpu.memref_squeeze %dma_start3A_269 : memref<1x128xf32, #tpu.memory_space<vmem>> -> memref<128xf32, #tpu.memory_space<vmem>>
    %dma_start3A_271 = tpu.memref_slice %arg8[%dma_start3A_266, %mul3A_2] : memref<4x4096xf32, #tpu.memory_space<hbm>> -> memref<1x128xf32, #tpu.memory_space<hbm>>
    %dma_start3A_272 = tpu.memref_squeeze %dma_start3A_271 : memref<1x128xf32, #tpu.memory_space<hbm>> -> memref<128xf32, #tpu.memory_space<hbm>>
    %dma_start3A_273 = tpu.memref_slice %arg17[%dma_start3A_267] : memref<4x!tpu.dma_semaphore, #tpu.memory_space<semaphore_mem>> -> memref<1x!tpu.dma_semaphore, #tpu.memory_space<semaphore_mem>>
    %dma_start3A_274 = tpu.memref_squeeze %dma_start3A_273 : memref<1x!tpu.dma_semaphore, #tpu.memory_space<semaphore_mem>> -> memref<!tpu.dma_semaphore, #tpu.memory_space<semaphore_mem>>
    %dma_start3A_275 = tpu.memref_slice %arg8[%dma_start3A_266, %mul3A_2] : memref<4x4096xf32, #tpu.memory_space<hbm>> -> memref<1x128xf32, #tpu.memory_space<hbm>>
    %dma_start3A_276 = tpu.memref_squeeze %dma_start3A_275 : memref<1x128xf32, #tpu.memory_space<hbm>> -> memref<128xf32, #tpu.memory_space<hbm>>
    %dma_start3A_277 = arith.constant 0 : i32
    %dma_start3A_278 = tpu.memref_slice %arg15[%dma_start3A_265, %dma_start3A_277] : memref<4x128xf32, #tpu.memory_space<vmem>> -> memref<1x128xf32, #tpu.memory_space<vmem>>
    %dma_start3A_279 = tpu.memref_squeeze %dma_start3A_278 : memref<1x128xf32, #tpu.memory_space<vmem>> -> memref<128xf32, #tpu.memory_space<vmem>>
    tpu.enqueue_dma source(%dma_start3A_279 : memref<128xf32, #tpu.memory_space<vmem>>) target(%dma_start3A_276 : memref<128xf32, #tpu.memory_space<hbm>>) target_semaphore(%dma_start3A_274 : memref<!tpu.dma_semaphore, #tpu.memory_space<semaphore_mem>>)
    %dma_wait3A_280 = arith.constant 1 : i32
    %dma_wait3A_281 = arith.constant 1 : i32
    %dma_wait3A_282 = arith.constant 4096 : i32
    %dma_wait3A_283 = tpu.memref_slice %arg9[%dma_wait3A_282] : memref<16384xi32, #tpu.memory_space<vmem>> -> memref<4096xi32, #tpu.memory_space<vmem>>
    %dma_wait3A_284 = arith.constant 0 : i32
    %dma_wait3A_285 = tpu.memref_slice %arg2[%dma_wait3A_280, %dma_wait3A_284] : memref<4x4096xi32, #tpu.memory_space<hbm>> -> memref<1x4096xi32, #tpu.memory_space<hbm>>
    %dma_wait3A_286 = tpu.memref_squeeze %dma_wait3A_285 : memref<1x4096xi32, #tpu.memory_space<hbm>> -> memref<4096xi32, #tpu.memory_space<hbm>>
    %dma_wait3A_287 = tpu.memref_slice %arg16[%dma_wait3A_281] : memref<4x!tpu.dma_semaphore, #tpu.memory_space<semaphore_mem>> -> memref<1x!tpu.dma_semaphore, #tpu.memory_space<semaphore_mem>>
    %dma_wait3A_288 = tpu.memref_squeeze %dma_wait3A_287 : memref<1x!tpu.dma_semaphore, #tpu.memory_space<semaphore_mem>> -> memref<!tpu.dma_semaphore, #tpu.memory_space<semaphore_mem>>
    %dma_wait3A_289 = arith.constant 4096 : i32
    %dma_wait3A_290 = tpu.memref_slice %arg9[%dma_wait3A_289] : memref<16384xi32, #tpu.memory_space<vmem>> -> memref<4096xi32, #tpu.memory_space<vmem>>
    %dma_wait3A_291 = arith.constant 0 : i32
    %dma_wait3A_292 = tpu.memref_slice %arg2[%dma_wait3A_280, %dma_wait3A_291] : memref<4x4096xi32, #tpu.memory_space<hbm>> -> memref<1x4096xi32, #tpu.memory_space<hbm>>
    %dma_wait3A_293 = tpu.memref_squeeze %dma_wait3A_292 : memref<1x4096xi32, #tpu.memory_space<hbm>> -> memref<4096xi32, #tpu.memory_space<hbm>>
    tpu.wait_dma2 semaphore(%dma_wait3A_288 : memref<!tpu.dma_semaphore, #tpu.memory_space<semaphore_mem>>) src(%dma_wait3A_293 : memref<4096xi32, #tpu.memory_space<hbm>>) dst(%dma_wait3A_290 : memref<4096xi32, #tpu.memory_space<vmem>>)
    %dma_wait3A_294 = arith.constant 1 : i32
    %dma_wait3A_295 = arith.constant 1 : i32
    %dma_wait3A_296 = arith.constant 4096 : i32
    %dma_wait3A_297 = tpu.memref_slice %arg10[%dma_wait3A_296] : memref<16384xi32, #tpu.memory_space<vmem>> -> memref<4096xi32, #tpu.memory_space<vmem>>
    %dma_wait3A_298 = arith.constant 0 : i32
    %dma_wait3A_299 = tpu.memref_slice %arg4[%dma_wait3A_294, %dma_wait3A_298] : memref<4x4096xi32, #tpu.memory_space<hbm>> -> memref<1x4096xi32, #tpu.memory_space<hbm>>
    %dma_wait3A_300 = tpu.memref_squeeze %dma_wait3A_299 : memref<1x4096xi32, #tpu.memory_space<hbm>> -> memref<4096xi32, #tpu.memory_space<hbm>>
    %dma_wait3A_301 = tpu.memref_slice %arg16[%dma_wait3A_295] : memref<4x!tpu.dma_semaphore, #tpu.memory_space<semaphore_mem>> -> memref<1x!tpu.dma_semaphore, #tpu.memory_space<semaphore_mem>>
    %dma_wait3A_302 = tpu.memref_squeeze %dma_wait3A_301 : memref<1x!tpu.dma_semaphore, #tpu.memory_space<semaphore_mem>> -> memref<!tpu.dma_semaphore, #tpu.memory_space<semaphore_mem>>
    %dma_wait3A_303 = arith.constant 4096 : i32
    %dma_wait3A_304 = tpu.memref_slice %arg10[%dma_wait3A_303] : memref<16384xi32, #tpu.memory_space<vmem>> -> memref<4096xi32, #tpu.memory_space<vmem>>
    %dma_wait3A_305 = arith.constant 0 : i32
    %dma_wait3A_306 = tpu.memref_slice %arg4[%dma_wait3A_294, %dma_wait3A_305] : memref<4x4096xi32, #tpu.memory_space<hbm>> -> memref<1x4096xi32, #tpu.memory_space<hbm>>
    %dma_wait3A_307 = tpu.memref_squeeze %dma_wait3A_306 : memref<1x4096xi32, #tpu.memory_space<hbm>> -> memref<4096xi32, #tpu.memory_space<hbm>>
    tpu.wait_dma2 semaphore(%dma_wait3A_302 : memref<!tpu.dma_semaphore, #tpu.memory_space<semaphore_mem>>) src(%dma_wait3A_307 : memref<4096xi32, #tpu.memory_space<hbm>>) dst(%dma_wait3A_304 : memref<4096xi32, #tpu.memory_space<vmem>>)
    %dma_wait3A_308 = arith.constant 1 : i32
    %dma_wait3A_309 = arith.constant 1 : i32
    %dma_wait3A_310 = arith.constant 4096 : i32
    %dma_wait3A_311 = tpu.memref_slice %arg11[%dma_wait3A_310] : memref<16384xf32, #tpu.memory_space<vmem>> -> memref<4096xf32, #tpu.memory_space<vmem>>
    %dma_wait3A_312 = arith.constant 0 : i32
    %dma_wait3A_313 = tpu.memref_slice %arg3[%dma_wait3A_308, %dma_wait3A_312] : memref<4x4096xf32, #tpu.memory_space<hbm>> -> memref<1x4096xf32, #tpu.memory_space<hbm>>
    %dma_wait3A_314 = tpu.memref_squeeze %dma_wait3A_313 : memref<1x4096xf32, #tpu.memory_space<hbm>> -> memref<4096xf32, #tpu.memory_space<hbm>>
    %dma_wait3A_315 = tpu.memref_slice %arg16[%dma_wait3A_309] : memref<4x!tpu.dma_semaphore, #tpu.memory_space<semaphore_mem>> -> memref<1x!tpu.dma_semaphore, #tpu.memory_space<semaphore_mem>>
    %dma_wait3A_316 = tpu.memref_squeeze %dma_wait3A_315 : memref<1x!tpu.dma_semaphore, #tpu.memory_space<semaphore_mem>> -> memref<!tpu.dma_semaphore, #tpu.memory_space<semaphore_mem>>
    %dma_wait3A_317 = arith.constant 4096 : i32
    %dma_wait3A_318 = tpu.memref_slice %arg11[%dma_wait3A_317] : memref<16384xf32, #tpu.memory_space<vmem>> -> memref<4096xf32, #tpu.memory_space<vmem>>
    %dma_wait3A_319 = arith.constant 0 : i32
    %dma_wait3A_320 = tpu.memref_slice %arg3[%dma_wait3A_308, %dma_wait3A_319] : memref<4x4096xf32, #tpu.memory_space<hbm>> -> memref<1x4096xf32, #tpu.memory_space<hbm>>
    %dma_wait3A_321 = tpu.memref_squeeze %dma_wait3A_320 : memref<1x4096xf32, #tpu.memory_space<hbm>> -> memref<4096xf32, #tpu.memory_space<hbm>>
    tpu.wait_dma2 semaphore(%dma_wait3A_316 : memref<!tpu.dma_semaphore, #tpu.memory_space<semaphore_mem>>) src(%dma_wait3A_321 : memref<4096xf32, #tpu.memory_space<hbm>>) dst(%dma_wait3A_318 : memref<4096xf32, #tpu.memory_space<vmem>>)
    %scan3A_322 = arith.constant 0 : i32
    %scan3A_323 = arith.constant 8 : i32
    %scan3A_324 = arith.addi %scan3A_322, %scan3A_323 : i32
    %scan3A_325 = arith.constant 1 : i32
    scf.for %scan3A_856 = %scan3A_322 to %scan3A_324 step %scan3A_325  : i32 {
      %mul3A_857 = arith.constant 16 : i32
      %mul3A_858 = arith.muli %scan3A_856, %mul3A_857 : i32
      %add3A_859 = arith.constant 0 : i32
      %add3A_860 = arith.addi %add3A_859, %mul3A_858 : i32
      %add3A_861 = arith.constant 4096 : i32
      %add3A_862 = arith.addi %add3A_861, %mul3A_2 : i32
      %add3A_863 = arith.addi %add3A_862, %add3A_860 : i32
      %get3A = arith.index_cast %add3A_863 : i32 to index
      %get3A_864 = tpu.vector_load %arg9[%get3A] {strides = array<i32>} : memref<16384xi32, #tpu.memory_space<vmem>>, vector<16xi32>,
      %add3A_865 = arith.constant 4096 : i32
      %add3A_866 = vector.broadcast %add3A_865 : i32 to vector<16xi32>
      %add3A_867 = arith.addi %get3A_864, %add3A_866 : vector<16xi32>
      %gather3A = tpu.vector_load_idx %arg10[%add3A_867] : memref<16384xi32, #tpu.memory_space<vmem>>[vector<16xi32>], vector<16xi32>,
      %iota3A = tpu.iota {dimensions = array<i32: 0>} : vector<16xi32>
      %add3A_868 = arith.addi %mul3A_2, %add3A_860 : i32
      %add3A_869 = vector.broadcast %add3A_868 : i32 to vector<16xi32>
      %add3A_870 = arith.addi %iota3A, %add3A_869 : vector<16xi32>
      %add3A_871 = arith.constant 4096 : i32
      %add3A_872 = arith.addi %add3A_871, %mul3A_2 : i32
      %add3A_873 = arith.addi %add3A_872, %add3A_860 : i32
      %get3A_874 = arith.index_cast %add3A_873 : i32 to index
      %get3A_875 = tpu.vector_load %arg11[%get3A_874] {strides = array<i32>} : memref<16384xf32, #tpu.memory_space<vmem>>, vector<16xf32>,
      %eq3A = arith.cmpi eq, %gather3A, %add3A_870 : vector<16xi32>
      %gt3A = arith.constant 0.000000e+00 : f32
      %gt3A_876 = vector.broadcast %gt3A : f32 to vector<16xf32>
      %gt3A_877 = arith.cmpf ogt, %get3A_875, %gt3A_876 : vector<16xf32>
      %and3A = arith.andi %eq3A, %gt3A_877 : vector<16xi1>
      %jit3A = arith.constant -1 : i32
      %broadcast_in_dim3A = vector.broadcast %jit3A : i32 to vector<16xi32>
      %select_n3A = arith.select %and3A, %get3A_864, %broadcast_in_dim3A : vector<16xi1>, vector<16xi32>
      %swap3A = arith.constant 1 : i32
      %swap3A_878 = arith.index_cast %swap3A : i32 to index
      %swap3A_879 = arith.index_cast %add3A_860 : i32 to index
      %swap3A_880 = tpu.vector_load %arg12[%swap3A_878, %swap3A_879] {strides = array<i32>} : memref<4x128xi32, #tpu.memory_space<vmem>>, vector<16xi32>,
      tpu.vector_store %arg12[%swap3A_878, %swap3A_879], %select_n3A {strides = array<i32>} : memref<4x128xi32, #tpu.memory_space<vmem>>, vector<16xi32>,
      %jit3A_881 = arith.constant 0.000000e+00 : f32
      %broadcast_in_dim3A_882 = vector.broadcast %jit3A_881 : f32 to vector<16xf32>
      %select_n3A_883 = arith.select %and3A, %get3A_875, %broadcast_in_dim3A_882 : vector<16xi1>, vector<16xf32>
      %swap3A_884 = arith.constant 1 : i32
      %swap3A_885 = arith.index_cast %swap3A_884 : i32 to index
      %swap3A_886 = arith.index_cast %add3A_860 : i32 to index
      %swap3A_887 = tpu.vector_load %arg13[%swap3A_885, %swap3A_886] {strides = array<i32>} : memref<4x128xf32, #tpu.memory_space<vmem>>, vector<16xf32>,
      tpu.vector_store %arg13[%swap3A_885, %swap3A_886], %select_n3A_883 {strides = array<i32>} : memref<4x128xf32, #tpu.memory_space<vmem>>, vector<16xf32>,
    }
    %scan3A_326 = arith.constant 8 : i32
    %scan3A_327 = arith.constant 0 : i32
    %scan3A_328 = arith.constant 8 : i32
    %scan3A_329 = arith.addi %scan3A_327, %scan3A_328 : i32
    %scan3A_330 = arith.constant 1 : i32
    scf.for %scan3A_856 = %scan3A_327 to %scan3A_329 step %scan3A_330  : i32 {
      %mul3A_857 = arith.constant 16 : i32
      %mul3A_858 = arith.muli %scan3A_856, %mul3A_857 : i32
      %add3A_859 = arith.constant 0 : i32
      %add3A_860 = arith.addi %add3A_859, %mul3A_858 : i32
      %add3A_861 = arith.constant 4096 : i32
      %add3A_862 = arith.addi %add3A_861, %mul3A_2 : i32
      %add3A_863 = arith.addi %add3A_862, %add3A_860 : i32
      %get3A = arith.index_cast %add3A_863 : i32 to index
      %get3A_864 = tpu.vector_load %arg10[%get3A] {strides = array<i32>} : memref<16384xi32, #tpu.memory_space<vmem>>, vector<16xi32>,
      %add3A_865 = arith.constant 4096 : i32
      %add3A_866 = vector.broadcast %add3A_865 : i32 to vector<16xi32>
      %add3A_867 = arith.addi %get3A_864, %add3A_866 : vector<16xi32>
      %gather3A = tpu.vector_load_idx %arg9[%add3A_867] : memref<16384xi32, #tpu.memory_space<vmem>>[vector<16xi32>], vector<16xi32>,
      %add3A_868 = arith.constant 4096 : i32
      %add3A_869 = vector.broadcast %add3A_868 : i32 to vector<16xi32>
      %add3A_870 = arith.addi %get3A_864, %add3A_869 : vector<16xi32>
      %gather3A_871 = tpu.vector_load_idx %arg11[%add3A_870] : memref<16384xf32, #tpu.memory_space<vmem>>[vector<16xi32>], vector<16xf32>,
      %iota3A = tpu.iota {dimensions = array<i32: 0>} : vector<16xi32>
      %add3A_872 = arith.addi %mul3A_2, %add3A_860 : i32
      %add3A_873 = vector.broadcast %add3A_872 : i32 to vector<16xi32>
      %add3A_874 = arith.addi %iota3A, %add3A_873 : vector<16xi32>
      %eq3A = arith.cmpi eq, %gather3A, %add3A_874 : vector<16xi32>
      %gt3A = arith.constant 0.000000e+00 : f32
      %gt3A_875 = vector.broadcast %gt3A : f32 to vector<16xf32>
      %gt3A_876 = arith.cmpf ogt, %gather3A_871, %gt3A_875 : vector<16xf32>
      %and3A = arith.andi %eq3A, %gt3A_876 : vector<16xi1>
      %jit3A = arith.constant -1 : i32
      %broadcast_in_dim3A = vector.broadcast %jit3A : i32 to vector<16xi32>
      %select_n3A = arith.select %and3A, %get3A_864, %broadcast_in_dim3A : vector<16xi1>, vector<16xi32>
      %swap3A = arith.constant 1 : i32
      %swap3A_877 = arith.index_cast %swap3A : i32 to index
      %swap3A_878 = arith.index_cast %add3A_860 : i32 to index
      %swap3A_879 = tpu.vector_load %arg14[%swap3A_877, %swap3A_878] {strides = array<i32>} : memref<4x128xi32, #tpu.memory_space<vmem>>, vector<16xi32>,
      tpu.vector_store %arg14[%swap3A_877, %swap3A_878], %select_n3A {strides = array<i32>} : memref<4x128xi32, #tpu.memory_space<vmem>>, vector<16xi32>,
      %jit3A_880 = arith.constant 0.000000e+00 : f32
      %broadcast_in_dim3A_881 = vector.broadcast %jit3A_880 : f32 to vector<16xf32>
      %select_n3A_882 = arith.select %and3A, %gather3A_871, %broadcast_in_dim3A_881 : vector<16xi1>, vector<16xf32>
      %swap3A_883 = arith.constant 1 : i32
      %swap3A_884 = arith.index_cast %swap3A_883 : i32 to index
      %swap3A_885 = arith.index_cast %add3A_860 : i32 to index
      %swap3A_886 = tpu.vector_load %arg15[%swap3A_884, %swap3A_885] {strides = array<i32>} : memref<4x128xf32, #tpu.memory_space<vmem>>, vector<16xf32>,
      tpu.vector_store %arg15[%swap3A_884, %swap3A_885], %select_n3A_882 {strides = array<i32>} : memref<4x128xf32, #tpu.memory_space<vmem>>, vector<16xf32>,
    }
    %scan3A_331 = arith.constant 8 : i32
    %dma_start3A_332 = arith.constant 1 : i32
    %dma_start3A_333 = arith.constant 1 : i32
    %dma_start3A_334 = arith.constant 1 : i32
    %dma_start3A_335 = arith.constant 0 : i32
    %dma_start3A_336 = tpu.memref_slice %arg12[%dma_start3A_332, %dma_start3A_335] : memref<4x128xi32, #tpu.memory_space<vmem>> -> memref<1x128xi32, #tpu.memory_space<vmem>>
    %dma_start3A_337 = tpu.memref_squeeze %dma_start3A_336 : memref<1x128xi32, #tpu.memory_space<vmem>> -> memref<128xi32, #tpu.memory_space<vmem>>
    %dma_start3A_338 = tpu.memref_slice %arg5[%dma_start3A_333, %mul3A_2] : memref<4x4096xi32, #tpu.memory_space<hbm>> -> memref<1x128xi32, #tpu.memory_space<hbm>>
    %dma_start3A_339 = tpu.memref_squeeze %dma_start3A_338 : memref<1x128xi32, #tpu.memory_space<hbm>> -> memref<128xi32, #tpu.memory_space<hbm>>
    %dma_start3A_340 = tpu.memref_slice %arg17[%dma_start3A_334] : memref<4x!tpu.dma_semaphore, #tpu.memory_space<semaphore_mem>> -> memref<1x!tpu.dma_semaphore, #tpu.memory_space<semaphore_mem>>
    %dma_start3A_341 = tpu.memref_squeeze %dma_start3A_340 : memref<1x!tpu.dma_semaphore, #tpu.memory_space<semaphore_mem>> -> memref<!tpu.dma_semaphore, #tpu.memory_space<semaphore_mem>>
    %dma_start3A_342 = tpu.memref_slice %arg5[%dma_start3A_333, %mul3A_2] : memref<4x4096xi32, #tpu.memory_space<hbm>> -> memref<1x128xi32, #tpu.memory_space<hbm>>
    %dma_start3A_343 = tpu.memref_squeeze %dma_start3A_342 : memref<1x128xi32, #tpu.memory_space<hbm>> -> memref<128xi32, #tpu.memory_space<hbm>>
    %dma_start3A_344 = arith.constant 0 : i32
    %dma_start3A_345 = tpu.memref_slice %arg12[%dma_start3A_332, %dma_start3A_344] : memref<4x128xi32, #tpu.memory_space<vmem>> -> memref<1x128xi32, #tpu.memory_space<vmem>>
    %dma_start3A_346 = tpu.memref_squeeze %dma_start3A_345 : memref<1x128xi32, #tpu.memory_space<vmem>> -> memref<128xi32, #tpu.memory_space<vmem>>
    tpu.enqueue_dma source(%dma_start3A_346 : memref<128xi32, #tpu.memory_space<vmem>>) target(%dma_start3A_343 : memref<128xi32, #tpu.memory_space<hbm>>) target_semaphore(%dma_start3A_341 : memref<!tpu.dma_semaphore, #tpu.memory_space<semaphore_mem>>)
    %dma_start3A_347 = arith.constant 1 : i32
    %dma_start3A_348 = arith.constant 1 : i32
    %dma_start3A_349 = arith.constant 1 : i32
    %dma_start3A_350 = arith.constant 0 : i32
    %dma_start3A_351 = tpu.memref_slice %arg13[%dma_start3A_347, %dma_start3A_350] : memref<4x128xf32, #tpu.memory_space<vmem>> -> memref<1x128xf32, #tpu.memory_space<vmem>>
    %dma_start3A_352 = tpu.memref_squeeze %dma_start3A_351 : memref<1x128xf32, #tpu.memory_space<vmem>> -> memref<128xf32, #tpu.memory_space<vmem>>
    %dma_start3A_353 = tpu.memref_slice %arg7[%dma_start3A_348, %mul3A_2] : memref<4x4096xf32, #tpu.memory_space<hbm>> -> memref<1x128xf32, #tpu.memory_space<hbm>>
    %dma_start3A_354 = tpu.memref_squeeze %dma_start3A_353 : memref<1x128xf32, #tpu.memory_space<hbm>> -> memref<128xf32, #tpu.memory_space<hbm>>
    %dma_start3A_355 = tpu.memref_slice %arg17[%dma_start3A_349] : memref<4x!tpu.dma_semaphore, #tpu.memory_space<semaphore_mem>> -> memref<1x!tpu.dma_semaphore, #tpu.memory_space<semaphore_mem>>
    %dma_start3A_356 = tpu.memref_squeeze %dma_start3A_355 : memref<1x!tpu.dma_semaphore, #tpu.memory_space<semaphore_mem>> -> memref<!tpu.dma_semaphore, #tpu.memory_space<semaphore_mem>>
    %dma_start3A_357 = tpu.memref_slice %arg7[%dma_start3A_348, %mul3A_2] : memref<4x4096xf32, #tpu.memory_space<hbm>> -> memref<1x128xf32, #tpu.memory_space<hbm>>
    %dma_start3A_358 = tpu.memref_squeeze %dma_start3A_357 : memref<1x128xf32, #tpu.memory_space<hbm>> -> memref<128xf32, #tpu.memory_space<hbm>>
    %dma_start3A_359 = arith.constant 0 : i32
    %dma_start3A_360 = tpu.memref_slice %arg13[%dma_start3A_347, %dma_start3A_359] : memref<4x128xf32, #tpu.memory_space<vmem>> -> memref<1x128xf32, #tpu.memory_space<vmem>>
    %dma_start3A_361 = tpu.memref_squeeze %dma_start3A_360 : memref<1x128xf32, #tpu.memory_space<vmem>> -> memref<128xf32, #tpu.memory_space<vmem>>
    tpu.enqueue_dma source(%dma_start3A_361 : memref<128xf32, #tpu.memory_space<vmem>>) target(%dma_start3A_358 : memref<128xf32, #tpu.memory_space<hbm>>) target_semaphore(%dma_start3A_356 : memref<!tpu.dma_semaphore, #tpu.memory_space<semaphore_mem>>)
    %dma_start3A_362 = arith.constant 1 : i32
    %dma_start3A_363 = arith.constant 1 : i32
    %dma_start3A_364 = arith.constant 1 : i32
    %dma_start3A_365 = arith.constant 0 : i32
    %dma_start3A_366 = tpu.memref_slice %arg14[%dma_start3A_362, %dma_start3A_365] : memref<4x128xi32, #tpu.memory_space<vmem>> -> memref<1x128xi32, #tpu.memory_space<vmem>>
    %dma_start3A_367 = tpu.memref_squeeze %dma_start3A_366 : memref<1x128xi32, #tpu.memory_space<vmem>> -> memref<128xi32, #tpu.memory_space<vmem>>
    %dma_start3A_368 = tpu.memref_slice %arg6[%dma_start3A_363, %mul3A_2] : memref<4x4096xi32, #tpu.memory_space<hbm>> -> memref<1x128xi32, #tpu.memory_space<hbm>>
    %dma_start3A_369 = tpu.memref_squeeze %dma_start3A_368 : memref<1x128xi32, #tpu.memory_space<hbm>> -> memref<128xi32, #tpu.memory_space<hbm>>
    %dma_start3A_370 = tpu.memref_slice %arg17[%dma_start3A_364] : memref<4x!tpu.dma_semaphore, #tpu.memory_space<semaphore_mem>> -> memref<1x!tpu.dma_semaphore, #tpu.memory_space<semaphore_mem>>
    %dma_start3A_371 = tpu.memref_squeeze %dma_start3A_370 : memref<1x!tpu.dma_semaphore, #tpu.memory_space<semaphore_mem>> -> memref<!tpu.dma_semaphore, #tpu.memory_space<semaphore_mem>>
    %dma_start3A_372 = tpu.memref_slice %arg6[%dma_start3A_363, %mul3A_2] : memref<4x4096xi32, #tpu.memory_space<hbm>> -> memref<1x128xi32, #tpu.memory_space<hbm>>
    %dma_start3A_373 = tpu.memref_squeeze %dma_start3A_372 : memref<1x128xi32, #tpu.memory_space<hbm>> -> memref<128xi32, #tpu.memory_space<hbm>>
    %dma_start3A_374 = arith.constant 0 : i32
    %dma_start3A_375 = tpu.memref_slice %arg14[%dma_start3A_362, %dma_start3A_374] : memref<4x128xi32, #tpu.memory_space<vmem>> -> memref<1x128xi32, #tpu.memory_space<vmem>>
    %dma_start3A_376 = tpu.memref_squeeze %dma_start3A_375 : memref<1x128xi32, #tpu.memory_space<vmem>> -> memref<128xi32, #tpu.memory_space<vmem>>
    tpu.enqueue_dma source(%dma_start3A_376 : memref<128xi32, #tpu.memory_space<vmem>>) target(%dma_start3A_373 : memref<128xi32, #tpu.memory_space<hbm>>) target_semaphore(%dma_start3A_371 : memref<!tpu.dma_semaphore, #tpu.memory_space<semaphore_mem>>)
    %dma_start3A_377 = arith.constant 1 : i32
    %dma_start3A_378 = arith.constant 1 : i32
    %dma_start3A_379 = arith.constant 1 : i32
    %dma_start3A_380 = arith.constant 0 : i32
    %dma_start3A_381 = tpu.memref_slice %arg15[%dma_start3A_377, %dma_start3A_380] : memref<4x128xf32, #tpu.memory_space<vmem>> -> memref<1x128xf32, #tpu.memory_space<vmem>>
    %dma_start3A_382 = tpu.memref_squeeze %dma_start3A_381 : memref<1x128xf32, #tpu.memory_space<vmem>> -> memref<128xf32, #tpu.memory_space<vmem>>
    %dma_start3A_383 = tpu.memref_slice %arg8[%dma_start3A_378, %mul3A_2] : memref<4x4096xf32, #tpu.memory_space<hbm>> -> memref<1x128xf32, #tpu.memory_space<hbm>>
    %dma_start3A_384 = tpu.memref_squeeze %dma_start3A_383 : memref<1x128xf32, #tpu.memory_space<hbm>> -> memref<128xf32, #tpu.memory_space<hbm>>
    %dma_start3A_385 = tpu.memref_slice %arg17[%dma_start3A_379] : memref<4x!tpu.dma_semaphore, #tpu.memory_space<semaphore_mem>> -> memref<1x!tpu.dma_semaphore, #tpu.memory_space<semaphore_mem>>
    %dma_start3A_386 = tpu.memref_squeeze %dma_start3A_385 : memref<1x!tpu.dma_semaphore, #tpu.memory_space<semaphore_mem>> -> memref<!tpu.dma_semaphore, #tpu.memory_space<semaphore_mem>>
    %dma_start3A_387 = tpu.memref_slice %arg8[%dma_start3A_378, %mul3A_2] : memref<4x4096xf32, #tpu.memory_space<hbm>> -> memref<1x128xf32, #tpu.memory_space<hbm>>
    %dma_start3A_388 = tpu.memref_squeeze %dma_start3A_387 : memref<1x128xf32, #tpu.memory_space<hbm>> -> memref<128xf32, #tpu.memory_space<hbm>>
    %dma_start3A_389 = arith.constant 0 : i32
    %dma_start3A_390 = tpu.memref_slice %arg15[%dma_start3A_377, %dma_start3A_389] : memref<4x128xf32, #tpu.memory_space<vmem>> -> memref<1x128xf32, #tpu.memory_space<vmem>>
    %dma_start3A_391 = tpu.memref_squeeze %dma_start3A_390 : memref<1x128xf32, #tpu.memory_space<vmem>> -> memref<128xf32, #tpu.memory_space<vmem>>
    tpu.enqueue_dma source(%dma_start3A_391 : memref<128xf32, #tpu.memory_space<vmem>>) target(%dma_start3A_388 : memref<128xf32, #tpu.memory_space<hbm>>) target_semaphore(%dma_start3A_386 : memref<!tpu.dma_semaphore, #tpu.memory_space<semaphore_mem>>)
    %dma_wait3A_392 = arith.constant 2 : i32
    %dma_wait3A_393 = arith.constant 2 : i32
    %dma_wait3A_394 = arith.constant 8192 : i32
    %dma_wait3A_395 = tpu.memref_slice %arg9[%dma_wait3A_394] : memref<16384xi32, #tpu.memory_space<vmem>> -> memref<4096xi32, #tpu.memory_space<vmem>>
    %dma_wait3A_396 = arith.constant 0 : i32
    %dma_wait3A_397 = tpu.memref_slice %arg2[%dma_wait3A_392, %dma_wait3A_396] : memref<4x4096xi32, #tpu.memory_space<hbm>> -> memref<1x4096xi32, #tpu.memory_space<hbm>>
    %dma_wait3A_398 = tpu.memref_squeeze %dma_wait3A_397 : memref<1x4096xi32, #tpu.memory_space<hbm>> -> memref<4096xi32, #tpu.memory_space<hbm>>
    %dma_wait3A_399 = tpu.memref_slice %arg16[%dma_wait3A_393] : memref<4x!tpu.dma_semaphore, #tpu.memory_space<semaphore_mem>> -> memref<1x!tpu.dma_semaphore, #tpu.memory_space<semaphore_mem>>
    %dma_wait3A_400 = tpu.memref_squeeze %dma_wait3A_399 : memref<1x!tpu.dma_semaphore, #tpu.memory_space<semaphore_mem>> -> memref<!tpu.dma_semaphore, #tpu.memory_space<semaphore_mem>>
    %dma_wait3A_401 = arith.constant 8192 : i32
    %dma_wait3A_402 = tpu.memref_slice %arg9[%dma_wait3A_401] : memref<16384xi32, #tpu.memory_space<vmem>> -> memref<4096xi32, #tpu.memory_space<vmem>>
    %dma_wait3A_403 = arith.constant 0 : i32
    %dma_wait3A_404 = tpu.memref_slice %arg2[%dma_wait3A_392, %dma_wait3A_403] : memref<4x4096xi32, #tpu.memory_space<hbm>> -> memref<1x4096xi32, #tpu.memory_space<hbm>>
    %dma_wait3A_405 = tpu.memref_squeeze %dma_wait3A_404 : memref<1x4096xi32, #tpu.memory_space<hbm>> -> memref<4096xi32, #tpu.memory_space<hbm>>
    tpu.wait_dma2 semaphore(%dma_wait3A_400 : memref<!tpu.dma_semaphore, #tpu.memory_space<semaphore_mem>>) src(%dma_wait3A_405 : memref<4096xi32, #tpu.memory_space<hbm>>) dst(%dma_wait3A_402 : memref<4096xi32, #tpu.memory_space<vmem>>)
    %dma_wait3A_406 = arith.constant 2 : i32
    %dma_wait3A_407 = arith.constant 2 : i32
    %dma_wait3A_408 = arith.constant 8192 : i32
    %dma_wait3A_409 = tpu.memref_slice %arg10[%dma_wait3A_408] : memref<16384xi32, #tpu.memory_space<vmem>> -> memref<4096xi32, #tpu.memory_space<vmem>>
    %dma_wait3A_410 = arith.constant 0 : i32
    %dma_wait3A_411 = tpu.memref_slice %arg4[%dma_wait3A_406, %dma_wait3A_410] : memref<4x4096xi32, #tpu.memory_space<hbm>> -> memref<1x4096xi32, #tpu.memory_space<hbm>>
    %dma_wait3A_412 = tpu.memref_squeeze %dma_wait3A_411 : memref<1x4096xi32, #tpu.memory_space<hbm>> -> memref<4096xi32, #tpu.memory_space<hbm>>
    %dma_wait3A_413 = tpu.memref_slice %arg16[%dma_wait3A_407] : memref<4x!tpu.dma_semaphore, #tpu.memory_space<semaphore_mem>> -> memref<1x!tpu.dma_semaphore, #tpu.memory_space<semaphore_mem>>
    %dma_wait3A_414 = tpu.memref_squeeze %dma_wait3A_413 : memref<1x!tpu.dma_semaphore, #tpu.memory_space<semaphore_mem>> -> memref<!tpu.dma_semaphore, #tpu.memory_space<semaphore_mem>>
    %dma_wait3A_415 = arith.constant 8192 : i32
    %dma_wait3A_416 = tpu.memref_slice %arg10[%dma_wait3A_415] : memref<16384xi32, #tpu.memory_space<vmem>> -> memref<4096xi32, #tpu.memory_space<vmem>>
    %dma_wait3A_417 = arith.constant 0 : i32
    %dma_wait3A_418 = tpu.memref_slice %arg4[%dma_wait3A_406, %dma_wait3A_417] : memref<4x4096xi32, #tpu.memory_space<hbm>> -> memref<1x4096xi32, #tpu.memory_space<hbm>>
    %dma_wait3A_419 = tpu.memref_squeeze %dma_wait3A_418 : memref<1x4096xi32, #tpu.memory_space<hbm>> -> memref<4096xi32, #tpu.memory_space<hbm>>
    tpu.wait_dma2 semaphore(%dma_wait3A_414 : memref<!tpu.dma_semaphore, #tpu.memory_space<semaphore_mem>>) src(%dma_wait3A_419 : memref<4096xi32, #tpu.memory_space<hbm>>) dst(%dma_wait3A_416 : memref<4096xi32, #tpu.memory_space<vmem>>)
    %dma_wait3A_420 = arith.constant 2 : i32
    %dma_wait3A_421 = arith.constant 2 : i32
    %dma_wait3A_422 = arith.constant 8192 : i32
    %dma_wait3A_423 = tpu.memref_slice %arg11[%dma_wait3A_422] : memref<16384xf32, #tpu.memory_space<vmem>> -> memref<4096xf32, #tpu.memory_space<vmem>>
    %dma_wait3A_424 = arith.constant 0 : i32
    %dma_wait3A_425 = tpu.memref_slice %arg3[%dma_wait3A_420, %dma_wait3A_424] : memref<4x4096xf32, #tpu.memory_space<hbm>> -> memref<1x4096xf32, #tpu.memory_space<hbm>>
    %dma_wait3A_426 = tpu.memref_squeeze %dma_wait3A_425 : memref<1x4096xf32, #tpu.memory_space<hbm>> -> memref<4096xf32, #tpu.memory_space<hbm>>
    %dma_wait3A_427 = tpu.memref_slice %arg16[%dma_wait3A_421] : memref<4x!tpu.dma_semaphore, #tpu.memory_space<semaphore_mem>> -> memref<1x!tpu.dma_semaphore, #tpu.memory_space<semaphore_mem>>
    %dma_wait3A_428 = tpu.memref_squeeze %dma_wait3A_427 : memref<1x!tpu.dma_semaphore, #tpu.memory_space<semaphore_mem>> -> memref<!tpu.dma_semaphore, #tpu.memory_space<semaphore_mem>>
    %dma_wait3A_429 = arith.constant 8192 : i32
    %dma_wait3A_430 = tpu.memref_slice %arg11[%dma_wait3A_429] : memref<16384xf32, #tpu.memory_space<vmem>> -> memref<4096xf32, #tpu.memory_space<vmem>>
    %dma_wait3A_431 = arith.constant 0 : i32
    %dma_wait3A_432 = tpu.memref_slice %arg3[%dma_wait3A_420, %dma_wait3A_431] : memref<4x4096xf32, #tpu.memory_space<hbm>> -> memref<1x4096xf32, #tpu.memory_space<hbm>>
    %dma_wait3A_433 = tpu.memref_squeeze %dma_wait3A_432 : memref<1x4096xf32, #tpu.memory_space<hbm>> -> memref<4096xf32, #tpu.memory_space<hbm>>
    tpu.wait_dma2 semaphore(%dma_wait3A_428 : memref<!tpu.dma_semaphore, #tpu.memory_space<semaphore_mem>>) src(%dma_wait3A_433 : memref<4096xf32, #tpu.memory_space<hbm>>) dst(%dma_wait3A_430 : memref<4096xf32, #tpu.memory_space<vmem>>)
    %scan3A_434 = arith.constant 0 : i32
    %scan3A_435 = arith.constant 8 : i32
    %scan3A_436 = arith.addi %scan3A_434, %scan3A_435 : i32
    %scan3A_437 = arith.constant 1 : i32
    scf.for %scan3A_856 = %scan3A_434 to %scan3A_436 step %scan3A_437  : i32 {
      %mul3A_857 = arith.constant 16 : i32
      %mul3A_858 = arith.muli %scan3A_856, %mul3A_857 : i32
      %add3A_859 = arith.constant 0 : i32
      %add3A_860 = arith.addi %add3A_859, %mul3A_858 : i32
      %add3A_861 = arith.constant 8192 : i32
      %add3A_862 = arith.addi %add3A_861, %mul3A_2 : i32
      %add3A_863 = arith.addi %add3A_862, %add3A_860 : i32
      %get3A = arith.index_cast %add3A_863 : i32 to index
      %get3A_864 = tpu.vector_load %arg9[%get3A] {strides = array<i32>} : memref<16384xi32, #tpu.memory_space<vmem>>, vector<16xi32>,
      %add3A_865 = arith.constant 8192 : i32
      %add3A_866 = vector.broadcast %add3A_865 : i32 to vector<16xi32>
      %add3A_867 = arith.addi %get3A_864, %add3A_866 : vector<16xi32>
      %gather3A = tpu.vector_load_idx %arg10[%add3A_867] : memref<16384xi32, #tpu.memory_space<vmem>>[vector<16xi32>], vector<16xi32>,
      %iota3A = tpu.iota {dimensions = array<i32: 0>} : vector<16xi32>
      %add3A_868 = arith.addi %mul3A_2, %add3A_860 : i32
      %add3A_869 = vector.broadcast %add3A_868 : i32 to vector<16xi32>
      %add3A_870 = arith.addi %iota3A, %add3A_869 : vector<16xi32>
      %add3A_871 = arith.constant 8192 : i32
      %add3A_872 = arith.addi %add3A_871, %mul3A_2 : i32
      %add3A_873 = arith.addi %add3A_872, %add3A_860 : i32
      %get3A_874 = arith.index_cast %add3A_873 : i32 to index
      %get3A_875 = tpu.vector_load %arg11[%get3A_874] {strides = array<i32>} : memref<16384xf32, #tpu.memory_space<vmem>>, vector<16xf32>,
      %eq3A = arith.cmpi eq, %gather3A, %add3A_870 : vector<16xi32>
      %gt3A = arith.constant 0.000000e+00 : f32
      %gt3A_876 = vector.broadcast %gt3A : f32 to vector<16xf32>
      %gt3A_877 = arith.cmpf ogt, %get3A_875, %gt3A_876 : vector<16xf32>
      %and3A = arith.andi %eq3A, %gt3A_877 : vector<16xi1>
      %jit3A = arith.constant -1 : i32
      %broadcast_in_dim3A = vector.broadcast %jit3A : i32 to vector<16xi32>
      %select_n3A = arith.select %and3A, %get3A_864, %broadcast_in_dim3A : vector<16xi1>, vector<16xi32>
      %swap3A = arith.constant 2 : i32
      %swap3A_878 = arith.index_cast %swap3A : i32 to index
      %swap3A_879 = arith.index_cast %add3A_860 : i32 to index
      %swap3A_880 = tpu.vector_load %arg12[%swap3A_878, %swap3A_879] {strides = array<i32>} : memref<4x128xi32, #tpu.memory_space<vmem>>, vector<16xi32>,
      tpu.vector_store %arg12[%swap3A_878, %swap3A_879], %select_n3A {strides = array<i32>} : memref<4x128xi32, #tpu.memory_space<vmem>>, vector<16xi32>,
      %jit3A_881 = arith.constant 0.000000e+00 : f32
      %broadcast_in_dim3A_882 = vector.broadcast %jit3A_881 : f32 to vector<16xf32>
      %select_n3A_883 = arith.select %and3A, %get3A_875, %broadcast_in_dim3A_882 : vector<16xi1>, vector<16xf32>
      %swap3A_884 = arith.constant 2 : i32
      %swap3A_885 = arith.index_cast %swap3A_884 : i32 to index
      %swap3A_886 = arith.index_cast %add3A_860 : i32 to index
      %swap3A_887 = tpu.vector_load %arg13[%swap3A_885, %swap3A_886] {strides = array<i32>} : memref<4x128xf32, #tpu.memory_space<vmem>>, vector<16xf32>,
      tpu.vector_store %arg13[%swap3A_885, %swap3A_886], %select_n3A_883 {strides = array<i32>} : memref<4x128xf32, #tpu.memory_space<vmem>>, vector<16xf32>,
    }
    %scan3A_438 = arith.constant 8 : i32
    %scan3A_439 = arith.constant 0 : i32
    %scan3A_440 = arith.constant 8 : i32
    %scan3A_441 = arith.addi %scan3A_439, %scan3A_440 : i32
    %scan3A_442 = arith.constant 1 : i32
    scf.for %scan3A_856 = %scan3A_439 to %scan3A_441 step %scan3A_442  : i32 {
      %mul3A_857 = arith.constant 16 : i32
      %mul3A_858 = arith.muli %scan3A_856, %mul3A_857 : i32
      %add3A_859 = arith.constant 0 : i32
      %add3A_860 = arith.addi %add3A_859, %mul3A_858 : i32
      %add3A_861 = arith.constant 8192 : i32
      %add3A_862 = arith.addi %add3A_861, %mul3A_2 : i32
      %add3A_863 = arith.addi %add3A_862, %add3A_860 : i32
      %get3A = arith.index_cast %add3A_863 : i32 to index
      %get3A_864 = tpu.vector_load %arg10[%get3A] {strides = array<i32>} : memref<16384xi32, #tpu.memory_space<vmem>>, vector<16xi32>,
      %add3A_865 = arith.constant 8192 : i32
      %add3A_866 = vector.broadcast %add3A_865 : i32 to vector<16xi32>
      %add3A_867 = arith.addi %get3A_864, %add3A_866 : vector<16xi32>
      %gather3A = tpu.vector_load_idx %arg9[%add3A_867] : memref<16384xi32, #tpu.memory_space<vmem>>[vector<16xi32>], vector<16xi32>,
      %add3A_868 = arith.constant 8192 : i32
      %add3A_869 = vector.broadcast %add3A_868 : i32 to vector<16xi32>
      %add3A_870 = arith.addi %get3A_864, %add3A_869 : vector<16xi32>
      %gather3A_871 = tpu.vector_load_idx %arg11[%add3A_870] : memref<16384xf32, #tpu.memory_space<vmem>>[vector<16xi32>], vector<16xf32>,
      %iota3A = tpu.iota {dimensions = array<i32: 0>} : vector<16xi32>
      %add3A_872 = arith.addi %mul3A_2, %add3A_860 : i32
      %add3A_873 = vector.broadcast %add3A_872 : i32 to vector<16xi32>
      %add3A_874 = arith.addi %iota3A, %add3A_873 : vector<16xi32>
      %eq3A = arith.cmpi eq, %gather3A, %add3A_874 : vector<16xi32>
      %gt3A = arith.constant 0.000000e+00 : f32
      %gt3A_875 = vector.broadcast %gt3A : f32 to vector<16xf32>
      %gt3A_876 = arith.cmpf ogt, %gather3A_871, %gt3A_875 : vector<16xf32>
      %and3A = arith.andi %eq3A, %gt3A_876 : vector<16xi1>
      %jit3A = arith.constant -1 : i32
      %broadcast_in_dim3A = vector.broadcast %jit3A : i32 to vector<16xi32>
      %select_n3A = arith.select %and3A, %get3A_864, %broadcast_in_dim3A : vector<16xi1>, vector<16xi32>
      %swap3A = arith.constant 2 : i32
      %swap3A_877 = arith.index_cast %swap3A : i32 to index
      %swap3A_878 = arith.index_cast %add3A_860 : i32 to index
      %swap3A_879 = tpu.vector_load %arg14[%swap3A_877, %swap3A_878] {strides = array<i32>} : memref<4x128xi32, #tpu.memory_space<vmem>>, vector<16xi32>,
      tpu.vector_store %arg14[%swap3A_877, %swap3A_878], %select_n3A {strides = array<i32>} : memref<4x128xi32, #tpu.memory_space<vmem>>, vector<16xi32>,
      %jit3A_880 = arith.constant 0.000000e+00 : f32
      %broadcast_in_dim3A_881 = vector.broadcast %jit3A_880 : f32 to vector<16xf32>
      %select_n3A_882 = arith.select %and3A, %gather3A_871, %broadcast_in_dim3A_881 : vector<16xi1>, vector<16xf32>
      %swap3A_883 = arith.constant 2 : i32
      %swap3A_884 = arith.index_cast %swap3A_883 : i32 to index
      %swap3A_885 = arith.index_cast %add3A_860 : i32 to index
      %swap3A_886 = tpu.vector_load %arg15[%swap3A_884, %swap3A_885] {strides = array<i32>} : memref<4x128xf32, #tpu.memory_space<vmem>>, vector<16xf32>,
      tpu.vector_store %arg15[%swap3A_884, %swap3A_885], %select_n3A_882 {strides = array<i32>} : memref<4x128xf32, #tpu.memory_space<vmem>>, vector<16xf32>,
    }
    %scan3A_443 = arith.constant 8 : i32
    %dma_start3A_444 = arith.constant 2 : i32
    %dma_start3A_445 = arith.constant 2 : i32
    %dma_start3A_446 = arith.constant 2 : i32
    %dma_start3A_447 = arith.constant 0 : i32
    %dma_start3A_448 = tpu.memref_slice %arg12[%dma_start3A_444, %dma_start3A_447] : memref<4x128xi32, #tpu.memory_space<vmem>> -> memref<1x128xi32, #tpu.memory_space<vmem>>
    %dma_start3A_449 = tpu.memref_squeeze %dma_start3A_448 : memref<1x128xi32, #tpu.memory_space<vmem>> -> memref<128xi32, #tpu.memory_space<vmem>>
    %dma_start3A_450 = tpu.memref_slice %arg5[%dma_start3A_445, %mul3A_2] : memref<4x4096xi32, #tpu.memory_space<hbm>> -> memref<1x128xi32, #tpu.memory_space<hbm>>
    %dma_start3A_451 = tpu.memref_squeeze %dma_start3A_450 : memref<1x128xi32, #tpu.memory_space<hbm>> -> memref<128xi32, #tpu.memory_space<hbm>>
    %dma_start3A_452 = tpu.memref_slice %arg17[%dma_start3A_446] : memref<4x!tpu.dma_semaphore, #tpu.memory_space<semaphore_mem>> -> memref<1x!tpu.dma_semaphore, #tpu.memory_space<semaphore_mem>>
    %dma_start3A_453 = tpu.memref_squeeze %dma_start3A_452 : memref<1x!tpu.dma_semaphore, #tpu.memory_space<semaphore_mem>> -> memref<!tpu.dma_semaphore, #tpu.memory_space<semaphore_mem>>
    %dma_start3A_454 = tpu.memref_slice %arg5[%dma_start3A_445, %mul3A_2] : memref<4x4096xi32, #tpu.memory_space<hbm>> -> memref<1x128xi32, #tpu.memory_space<hbm>>
    %dma_start3A_455 = tpu.memref_squeeze %dma_start3A_454 : memref<1x128xi32, #tpu.memory_space<hbm>> -> memref<128xi32, #tpu.memory_space<hbm>>
    %dma_start3A_456 = arith.constant 0 : i32
    %dma_start3A_457 = tpu.memref_slice %arg12[%dma_start3A_444, %dma_start3A_456] : memref<4x128xi32, #tpu.memory_space<vmem>> -> memref<1x128xi32, #tpu.memory_space<vmem>>
    %dma_start3A_458 = tpu.memref_squeeze %dma_start3A_457 : memref<1x128xi32, #tpu.memory_space<vmem>> -> memref<128xi32, #tpu.memory_space<vmem>>
    tpu.enqueue_dma source(%dma_start3A_458 : memref<128xi32, #tpu.memory_space<vmem>>) target(%dma_start3A_455 : memref<128xi32, #tpu.memory_space<hbm>>) target_semaphore(%dma_start3A_453 : memref<!tpu.dma_semaphore, #tpu.memory_space<semaphore_mem>>)
    %dma_start3A_459 = arith.constant 2 : i32
    %dma_start3A_460 = arith.constant 2 : i32
    %dma_start3A_461 = arith.constant 2 : i32
    %dma_start3A_462 = arith.constant 0 : i32
    %dma_start3A_463 = tpu.memref_slice %arg13[%dma_start3A_459, %dma_start3A_462] : memref<4x128xf32, #tpu.memory_space<vmem>> -> memref<1x128xf32, #tpu.memory_space<vmem>>
    %dma_start3A_464 = tpu.memref_squeeze %dma_start3A_463 : memref<1x128xf32, #tpu.memory_space<vmem>> -> memref<128xf32, #tpu.memory_space<vmem>>
    %dma_start3A_465 = tpu.memref_slice %arg7[%dma_start3A_460, %mul3A_2] : memref<4x4096xf32, #tpu.memory_space<hbm>> -> memref<1x128xf32, #tpu.memory_space<hbm>>
    %dma_start3A_466 = tpu.memref_squeeze %dma_start3A_465 : memref<1x128xf32, #tpu.memory_space<hbm>> -> memref<128xf32, #tpu.memory_space<hbm>>
    %dma_start3A_467 = tpu.memref_slice %arg17[%dma_start3A_461] : memref<4x!tpu.dma_semaphore, #tpu.memory_space<semaphore_mem>> -> memref<1x!tpu.dma_semaphore, #tpu.memory_space<semaphore_mem>>
    %dma_start3A_468 = tpu.memref_squeeze %dma_start3A_467 : memref<1x!tpu.dma_semaphore, #tpu.memory_space<semaphore_mem>> -> memref<!tpu.dma_semaphore, #tpu.memory_space<semaphore_mem>>
    %dma_start3A_469 = tpu.memref_slice %arg7[%dma_start3A_460, %mul3A_2] : memref<4x4096xf32, #tpu.memory_space<hbm>> -> memref<1x128xf32, #tpu.memory_space<hbm>>
    %dma_start3A_470 = tpu.memref_squeeze %dma_start3A_469 : memref<1x128xf32, #tpu.memory_space<hbm>> -> memref<128xf32, #tpu.memory_space<hbm>>
    %dma_start3A_471 = arith.constant 0 : i32
    %dma_start3A_472 = tpu.memref_slice %arg13[%dma_start3A_459, %dma_start3A_471] : memref<4x128xf32, #tpu.memory_space<vmem>> -> memref<1x128xf32, #tpu.memory_space<vmem>>
    %dma_start3A_473 = tpu.memref_squeeze %dma_start3A_472 : memref<1x128xf32, #tpu.memory_space<vmem>> -> memref<128xf32, #tpu.memory_space<vmem>>
    tpu.enqueue_dma source(%dma_start3A_473 : memref<128xf32, #tpu.memory_space<vmem>>) target(%dma_start3A_470 : memref<128xf32, #tpu.memory_space<hbm>>) target_semaphore(%dma_start3A_468 : memref<!tpu.dma_semaphore, #tpu.memory_space<semaphore_mem>>)
    %dma_start3A_474 = arith.constant 2 : i32
    %dma_start3A_475 = arith.constant 2 : i32
    %dma_start3A_476 = arith.constant 2 : i32
    %dma_start3A_477 = arith.constant 0 : i32
    %dma_start3A_478 = tpu.memref_slice %arg14[%dma_start3A_474, %dma_start3A_477] : memref<4x128xi32, #tpu.memory_space<vmem>> -> memref<1x128xi32, #tpu.memory_space<vmem>>
    %dma_start3A_479 = tpu.memref_squeeze %dma_start3A_478 : memref<1x128xi32, #tpu.memory_space<vmem>> -> memref<128xi32, #tpu.memory_space<vmem>>
    %dma_start3A_480 = tpu.memref_slice %arg6[%dma_start3A_475, %mul3A_2] : memref<4x4096xi32, #tpu.memory_space<hbm>> -> memref<1x128xi32, #tpu.memory_space<hbm>>
    %dma_start3A_481 = tpu.memref_squeeze %dma_start3A_480 : memref<1x128xi32, #tpu.memory_space<hbm>> -> memref<128xi32, #tpu.memory_space<hbm>>
    %dma_start3A_482 = tpu.memref_slice %arg17[%dma_start3A_476] : memref<4x!tpu.dma_semaphore, #tpu.memory_space<semaphore_mem>> -> memref<1x!tpu.dma_semaphore, #tpu.memory_space<semaphore_mem>>
    %dma_start3A_483 = tpu.memref_squeeze %dma_start3A_482 : memref<1x!tpu.dma_semaphore, #tpu.memory_space<semaphore_mem>> -> memref<!tpu.dma_semaphore, #tpu.memory_space<semaphore_mem>>
    %dma_start3A_484 = tpu.memref_slice %arg6[%dma_start3A_475, %mul3A_2] : memref<4x4096xi32, #tpu.memory_space<hbm>> -> memref<1x128xi32, #tpu.memory_space<hbm>>
    %dma_start3A_485 = tpu.memref_squeeze %dma_start3A_484 : memref<1x128xi32, #tpu.memory_space<hbm>> -> memref<128xi32, #tpu.memory_space<hbm>>
    %dma_start3A_486 = arith.constant 0 : i32
    %dma_start3A_487 = tpu.memref_slice %arg14[%dma_start3A_474, %dma_start3A_486] : memref<4x128xi32, #tpu.memory_space<vmem>> -> memref<1x128xi32, #tpu.memory_space<vmem>>
    %dma_start3A_488 = tpu.memref_squeeze %dma_start3A_487 : memref<1x128xi32, #tpu.memory_space<vmem>> -> memref<128xi32, #tpu.memory_space<vmem>>
    tpu.enqueue_dma source(%dma_start3A_488 : memref<128xi32, #tpu.memory_space<vmem>>) target(%dma_start3A_485 : memref<128xi32, #tpu.memory_space<hbm>>) target_semaphore(%dma_start3A_483 : memref<!tpu.dma_semaphore, #tpu.memory_space<semaphore_mem>>)
    %dma_start3A_489 = arith.constant 2 : i32
    %dma_start3A_490 = arith.constant 2 : i32
    %dma_start3A_491 = arith.constant 2 : i32
    %dma_start3A_492 = arith.constant 0 : i32
    %dma_start3A_493 = tpu.memref_slice %arg15[%dma_start3A_489, %dma_start3A_492] : memref<4x128xf32, #tpu.memory_space<vmem>> -> memref<1x128xf32, #tpu.memory_space<vmem>>
    %dma_start3A_494 = tpu.memref_squeeze %dma_start3A_493 : memref<1x128xf32, #tpu.memory_space<vmem>> -> memref<128xf32, #tpu.memory_space<vmem>>
    %dma_start3A_495 = tpu.memref_slice %arg8[%dma_start3A_490, %mul3A_2] : memref<4x4096xf32, #tpu.memory_space<hbm>> -> memref<1x128xf32, #tpu.memory_space<hbm>>
    %dma_start3A_496 = tpu.memref_squeeze %dma_start3A_495 : memref<1x128xf32, #tpu.memory_space<hbm>> -> memref<128xf32, #tpu.memory_space<hbm>>
    %dma_start3A_497 = tpu.memref_slice %arg17[%dma_start3A_491] : memref<4x!tpu.dma_semaphore, #tpu.memory_space<semaphore_mem>> -> memref<1x!tpu.dma_semaphore, #tpu.memory_space<semaphore_mem>>
    %dma_start3A_498 = tpu.memref_squeeze %dma_start3A_497 : memref<1x!tpu.dma_semaphore, #tpu.memory_space<semaphore_mem>> -> memref<!tpu.dma_semaphore, #tpu.memory_space<semaphore_mem>>
    %dma_start3A_499 = tpu.memref_slice %arg8[%dma_start3A_490, %mul3A_2] : memref<4x4096xf32, #tpu.memory_space<hbm>> -> memref<1x128xf32, #tpu.memory_space<hbm>>
    %dma_start3A_500 = tpu.memref_squeeze %dma_start3A_499 : memref<1x128xf32, #tpu.memory_space<hbm>> -> memref<128xf32, #tpu.memory_space<hbm>>
    %dma_start3A_501 = arith.constant 0 : i32
    %dma_start3A_502 = tpu.memref_slice %arg15[%dma_start3A_489, %dma_start3A_501] : memref<4x128xf32, #tpu.memory_space<vmem>> -> memref<1x128xf32, #tpu.memory_space<vmem>>
    %dma_start3A_503 = tpu.memref_squeeze %dma_start3A_502 : memref<1x128xf32, #tpu.memory_space<vmem>> -> memref<128xf32, #tpu.memory_space<vmem>>
    tpu.enqueue_dma source(%dma_start3A_503 : memref<128xf32, #tpu.memory_space<vmem>>) target(%dma_start3A_500 : memref<128xf32, #tpu.memory_space<hbm>>) target_semaphore(%dma_start3A_498 : memref<!tpu.dma_semaphore, #tpu.memory_space<semaphore_mem>>)
    %dma_wait3A_504 = arith.constant 3 : i32
    %dma_wait3A_505 = arith.constant 3 : i32
    %dma_wait3A_506 = arith.constant 12288 : i32
    %dma_wait3A_507 = tpu.memref_slice %arg9[%dma_wait3A_506] : memref<16384xi32, #tpu.memory_space<vmem>> -> memref<4096xi32, #tpu.memory_space<vmem>>
    %dma_wait3A_508 = arith.constant 0 : i32
    %dma_wait3A_509 = tpu.memref_slice %arg2[%dma_wait3A_504, %dma_wait3A_508] : memref<4x4096xi32, #tpu.memory_space<hbm>> -> memref<1x4096xi32, #tpu.memory_space<hbm>>
    %dma_wait3A_510 = tpu.memref_squeeze %dma_wait3A_509 : memref<1x4096xi32, #tpu.memory_space<hbm>> -> memref<4096xi32, #tpu.memory_space<hbm>>
    %dma_wait3A_511 = tpu.memref_slice %arg16[%dma_wait3A_505] : memref<4x!tpu.dma_semaphore, #tpu.memory_space<semaphore_mem>> -> memref<1x!tpu.dma_semaphore, #tpu.memory_space<semaphore_mem>>
    %dma_wait3A_512 = tpu.memref_squeeze %dma_wait3A_511 : memref<1x!tpu.dma_semaphore, #tpu.memory_space<semaphore_mem>> -> memref<!tpu.dma_semaphore, #tpu.memory_space<semaphore_mem>>
    %dma_wait3A_513 = arith.constant 12288 : i32
    %dma_wait3A_514 = tpu.memref_slice %arg9[%dma_wait3A_513] : memref<16384xi32, #tpu.memory_space<vmem>> -> memref<4096xi32, #tpu.memory_space<vmem>>
    %dma_wait3A_515 = arith.constant 0 : i32
    %dma_wait3A_516 = tpu.memref_slice %arg2[%dma_wait3A_504, %dma_wait3A_515] : memref<4x4096xi32, #tpu.memory_space<hbm>> -> memref<1x4096xi32, #tpu.memory_space<hbm>>
    %dma_wait3A_517 = tpu.memref_squeeze %dma_wait3A_516 : memref<1x4096xi32, #tpu.memory_space<hbm>> -> memref<4096xi32, #tpu.memory_space<hbm>>
    tpu.wait_dma2 semaphore(%dma_wait3A_512 : memref<!tpu.dma_semaphore, #tpu.memory_space<semaphore_mem>>) src(%dma_wait3A_517 : memref<4096xi32, #tpu.memory_space<hbm>>) dst(%dma_wait3A_514 : memref<4096xi32, #tpu.memory_space<vmem>>)
    %dma_wait3A_518 = arith.constant 3 : i32
    %dma_wait3A_519 = arith.constant 3 : i32
    %dma_wait3A_520 = arith.constant 12288 : i32
    %dma_wait3A_521 = tpu.memref_slice %arg10[%dma_wait3A_520] : memref<16384xi32, #tpu.memory_space<vmem>> -> memref<4096xi32, #tpu.memory_space<vmem>>
    %dma_wait3A_522 = arith.constant 0 : i32
    %dma_wait3A_523 = tpu.memref_slice %arg4[%dma_wait3A_518, %dma_wait3A_522] : memref<4x4096xi32, #tpu.memory_space<hbm>> -> memref<1x4096xi32, #tpu.memory_space<hbm>>
    %dma_wait3A_524 = tpu.memref_squeeze %dma_wait3A_523 : memref<1x4096xi32, #tpu.memory_space<hbm>> -> memref<4096xi32, #tpu.memory_space<hbm>>
    %dma_wait3A_525 = tpu.memref_slice %arg16[%dma_wait3A_519] : memref<4x!tpu.dma_semaphore, #tpu.memory_space<semaphore_mem>> -> memref<1x!tpu.dma_semaphore, #tpu.memory_space<semaphore_mem>>
    %dma_wait3A_526 = tpu.memref_squeeze %dma_wait3A_525 : memref<1x!tpu.dma_semaphore, #tpu.memory_space<semaphore_mem>> -> memref<!tpu.dma_semaphore, #tpu.memory_space<semaphore_mem>>
    %dma_wait3A_527 = arith.constant 12288 : i32
    %dma_wait3A_528 = tpu.memref_slice %arg10[%dma_wait3A_527] : memref<16384xi32, #tpu.memory_space<vmem>> -> memref<4096xi32, #tpu.memory_space<vmem>>
    %dma_wait3A_529 = arith.constant 0 : i32
    %dma_wait3A_530 = tpu.memref_slice %arg4[%dma_wait3A_518, %dma_wait3A_529] : memref<4x4096xi32, #tpu.memory_space<hbm>> -> memref<1x4096xi32, #tpu.memory_space<hbm>>
    %dma_wait3A_531 = tpu.memref_squeeze %dma_wait3A_530 : memref<1x4096xi32, #tpu.memory_space<hbm>> -> memref<4096xi32, #tpu.memory_space<hbm>>
    tpu.wait_dma2 semaphore(%dma_wait3A_526 : memref<!tpu.dma_semaphore, #tpu.memory_space<semaphore_mem>>) src(%dma_wait3A_531 : memref<4096xi32, #tpu.memory_space<hbm>>) dst(%dma_wait3A_528 : memref<4096xi32, #tpu.memory_space<vmem>>)
    %dma_wait3A_532 = arith.constant 3 : i32
    %dma_wait3A_533 = arith.constant 3 : i32
    %dma_wait3A_534 = arith.constant 12288 : i32
    %dma_wait3A_535 = tpu.memref_slice %arg11[%dma_wait3A_534] : memref<16384xf32, #tpu.memory_space<vmem>> -> memref<4096xf32, #tpu.memory_space<vmem>>
    %dma_wait3A_536 = arith.constant 0 : i32
    %dma_wait3A_537 = tpu.memref_slice %arg3[%dma_wait3A_532, %dma_wait3A_536] : memref<4x4096xf32, #tpu.memory_space<hbm>> -> memref<1x4096xf32, #tpu.memory_space<hbm>>
    %dma_wait3A_538 = tpu.memref_squeeze %dma_wait3A_537 : memref<1x4096xf32, #tpu.memory_space<hbm>> -> memref<4096xf32, #tpu.memory_space<hbm>>
    %dma_wait3A_539 = tpu.memref_slice %arg16[%dma_wait3A_533] : memref<4x!tpu.dma_semaphore, #tpu.memory_space<semaphore_mem>> -> memref<1x!tpu.dma_semaphore, #tpu.memory_space<semaphore_mem>>
    %dma_wait3A_540 = tpu.memref_squeeze %dma_wait3A_539 : memref<1x!tpu.dma_semaphore, #tpu.memory_space<semaphore_mem>> -> memref<!tpu.dma_semaphore, #tpu.memory_space<semaphore_mem>>
    %dma_wait3A_541 = arith.constant 12288 : i32
    %dma_wait3A_542 = tpu.memref_slice %arg11[%dma_wait3A_541] : memref<16384xf32, #tpu.memory_space<vmem>> -> memref<4096xf32, #tpu.memory_space<vmem>>
    %dma_wait3A_543 = arith.constant 0 : i32
    %dma_wait3A_544 = tpu.memref_slice %arg3[%dma_wait3A_532, %dma_wait3A_543] : memref<4x4096xf32, #tpu.memory_space<hbm>> -> memref<1x4096xf32, #tpu.memory_space<hbm>>
    %dma_wait3A_545 = tpu.memref_squeeze %dma_wait3A_544 : memref<1x4096xf32, #tpu.memory_space<hbm>> -> memref<4096xf32, #tpu.memory_space<hbm>>
    tpu.wait_dma2 semaphore(%dma_wait3A_540 : memref<!tpu.dma_semaphore, #tpu.memory_space<semaphore_mem>>) src(%dma_wait3A_545 : memref<4096xf32, #tpu.memory_space<hbm>>) dst(%dma_wait3A_542 : memref<4096xf32, #tpu.memory_space<vmem>>)
    %scan3A_546 = arith.constant 0 : i32
    %scan3A_547 = arith.constant 8 : i32
    %scan3A_548 = arith.addi %scan3A_546, %scan3A_547 : i32
    %scan3A_549 = arith.constant 1 : i32
    scf.for %scan3A_856 = %scan3A_546 to %scan3A_548 step %scan3A_549  : i32 {
      %mul3A_857 = arith.constant 16 : i32
      %mul3A_858 = arith.muli %scan3A_856, %mul3A_857 : i32
      %add3A_859 = arith.constant 0 : i32
      %add3A_860 = arith.addi %add3A_859, %mul3A_858 : i32
      %add3A_861 = arith.constant 12288 : i32
      %add3A_862 = arith.addi %add3A_861, %mul3A_2 : i32
      %add3A_863 = arith.addi %add3A_862, %add3A_860 : i32
      %get3A = arith.index_cast %add3A_863 : i32 to index
      %get3A_864 = tpu.vector_load %arg9[%get3A] {strides = array<i32>} : memref<16384xi32, #tpu.memory_space<vmem>>, vector<16xi32>,
      %add3A_865 = arith.constant 12288 : i32
      %add3A_866 = vector.broadcast %add3A_865 : i32 to vector<16xi32>
      %add3A_867 = arith.addi %get3A_864, %add3A_866 : vector<16xi32>
      %gather3A = tpu.vector_load_idx %arg10[%add3A_867] : memref<16384xi32, #tpu.memory_space<vmem>>[vector<16xi32>], vector<16xi32>,
      %iota3A = tpu.iota {dimensions = array<i32: 0>} : vector<16xi32>
      %add3A_868 = arith.addi %mul3A_2, %add3A_860 : i32
      %add3A_869 = vector.broadcast %add3A_868 : i32 to vector<16xi32>
      %add3A_870 = arith.addi %iota3A, %add3A_869 : vector<16xi32>
      %add3A_871 = arith.constant 12288 : i32
      %add3A_872 = arith.addi %add3A_871, %mul3A_2 : i32
      %add3A_873 = arith.addi %add3A_872, %add3A_860 : i32
      %get3A_874 = arith.index_cast %add3A_873 : i32 to index
      %get3A_875 = tpu.vector_load %arg11[%get3A_874] {strides = array<i32>} : memref<16384xf32, #tpu.memory_space<vmem>>, vector<16xf32>,
      %eq3A = arith.cmpi eq, %gather3A, %add3A_870 : vector<16xi32>
      %gt3A = arith.constant 0.000000e+00 : f32
      %gt3A_876 = vector.broadcast %gt3A : f32 to vector<16xf32>
      %gt3A_877 = arith.cmpf ogt, %get3A_875, %gt3A_876 : vector<16xf32>
      %and3A = arith.andi %eq3A, %gt3A_877 : vector<16xi1>
      %jit3A = arith.constant -1 : i32
      %broadcast_in_dim3A = vector.broadcast %jit3A : i32 to vector<16xi32>
      %select_n3A = arith.select %and3A, %get3A_864, %broadcast_in_dim3A : vector<16xi1>, vector<16xi32>
      %swap3A = arith.constant 3 : i32
      %swap3A_878 = arith.index_cast %swap3A : i32 to index
      %swap3A_879 = arith.index_cast %add3A_860 : i32 to index
      %swap3A_880 = tpu.vector_load %arg12[%swap3A_878, %swap3A_879] {strides = array<i32>} : memref<4x128xi32, #tpu.memory_space<vmem>>, vector<16xi32>,
      tpu.vector_store %arg12[%swap3A_878, %swap3A_879], %select_n3A {strides = array<i32>} : memref<4x128xi32, #tpu.memory_space<vmem>>, vector<16xi32>,
      %jit3A_881 = arith.constant 0.000000e+00 : f32
      %broadcast_in_dim3A_882 = vector.broadcast %jit3A_881 : f32 to vector<16xf32>
      %select_n3A_883 = arith.select %and3A, %get3A_875, %broadcast_in_dim3A_882 : vector<16xi1>, vector<16xf32>
      %swap3A_884 = arith.constant 3 : i32
      %swap3A_885 = arith.index_cast %swap3A_884 : i32 to index
      %swap3A_886 = arith.index_cast %add3A_860 : i32 to index
      %swap3A_887 = tpu.vector_load %arg13[%swap3A_885, %swap3A_886] {strides = array<i32>} : memref<4x128xf32, #tpu.memory_space<vmem>>, vector<16xf32>,
      tpu.vector_store %arg13[%swap3A_885, %swap3A_886], %select_n3A_883 {strides = array<i32>} : memref<4x128xf32, #tpu.memory_space<vmem>>, vector<16xf32>,
    }
    %scan3A_550 = arith.constant 8 : i32
    %scan3A_551 = arith.constant 0 : i32
    %scan3A_552 = arith.constant 8 : i32
    %scan3A_553 = arith.addi %scan3A_551, %scan3A_552 : i32
    %scan3A_554 = arith.constant 1 : i32
    scf.for %scan3A_856 = %scan3A_551 to %scan3A_553 step %scan3A_554  : i32 {
      %mul3A_857 = arith.constant 16 : i32
      %mul3A_858 = arith.muli %scan3A_856, %mul3A_857 : i32
      %add3A_859 = arith.constant 0 : i32
      %add3A_860 = arith.addi %add3A_859, %mul3A_858 : i32
      %add3A_861 = arith.constant 12288 : i32
      %add3A_862 = arith.addi %add3A_861, %mul3A_2 : i32
      %add3A_863 = arith.addi %add3A_862, %add3A_860 : i32
      %get3A = arith.index_cast %add3A_863 : i32 to index
      %get3A_864 = tpu.vector_load %arg10[%get3A] {strides = array<i32>} : memref<16384xi32, #tpu.memory_space<vmem>>, vector<16xi32>,
      %add3A_865 = arith.constant 12288 : i32
      %add3A_866 = vector.broadcast %add3A_865 : i32 to vector<16xi32>
      %add3A_867 = arith.addi %get3A_864, %add3A_866 : vector<16xi32>
      %gather3A = tpu.vector_load_idx %arg9[%add3A_867] : memref<16384xi32, #tpu.memory_space<vmem>>[vector<16xi32>], vector<16xi32>,
      %add3A_868 = arith.constant 12288 : i32
      %add3A_869 = vector.broadcast %add3A_868 : i32 to vector<16xi32>
      %add3A_870 = arith.addi %get3A_864, %add3A_869 : vector<16xi32>
      %gather3A_871 = tpu.vector_load_idx %arg11[%add3A_870] : memref<16384xf32, #tpu.memory_space<vmem>>[vector<16xi32>], vector<16xf32>,
      %iota3A = tpu.iota {dimensions = array<i32: 0>} : vector<16xi32>
      %add3A_872 = arith.addi %mul3A_2, %add3A_860 : i32
      %add3A_873 = vector.broadcast %add3A_872 : i32 to vector<16xi32>
      %add3A_874 = arith.addi %iota3A, %add3A_873 : vector<16xi32>
      %eq3A = arith.cmpi eq, %gather3A, %add3A_874 : vector<16xi32>
      %gt3A = arith.constant 0.000000e+00 : f32
      %gt3A_875 = vector.broadcast %gt3A : f32 to vector<16xf32>
      %gt3A_876 = arith.cmpf ogt, %gather3A_871, %gt3A_875 : vector<16xf32>
      %and3A = arith.andi %eq3A, %gt3A_876 : vector<16xi1>
      %jit3A = arith.constant -1 : i32
      %broadcast_in_dim3A = vector.broadcast %jit3A : i32 to vector<16xi32>
      %select_n3A = arith.select %and3A, %get3A_864, %broadcast_in_dim3A : vector<16xi1>, vector<16xi32>
      %swap3A = arith.constant 3 : i32
      %swap3A_877 = arith.index_cast %swap3A : i32 to index
      %swap3A_878 = arith.index_cast %add3A_860 : i32 to index
      %swap3A_879 = tpu.vector_load %arg14[%swap3A_877, %swap3A_878] {strides = array<i32>} : memref<4x128xi32, #tpu.memory_space<vmem>>, vector<16xi32>,
      tpu.vector_store %arg14[%swap3A_877, %swap3A_878], %select_n3A {strides = array<i32>} : memref<4x128xi32, #tpu.memory_space<vmem>>, vector<16xi32>,
      %jit3A_880 = arith.constant 0.000000e+00 : f32
      %broadcast_in_dim3A_881 = vector.broadcast %jit3A_880 : f32 to vector<16xf32>
      %select_n3A_882 = arith.select %and3A, %gather3A_871, %broadcast_in_dim3A_881 : vector<16xi1>, vector<16xf32>
      %swap3A_883 = arith.constant 3 : i32
      %swap3A_884 = arith.index_cast %swap3A_883 : i32 to index
      %swap3A_885 = arith.index_cast %add3A_860 : i32 to index
      %swap3A_886 = tpu.vector_load %arg15[%swap3A_884, %swap3A_885] {strides = array<i32>} : memref<4x128xf32, #tpu.memory_space<vmem>>, vector<16xf32>,
      tpu.vector_store %arg15[%swap3A_884, %swap3A_885], %select_n3A_882 {strides = array<i32>} : memref<4x128xf32, #tpu.memory_space<vmem>>, vector<16xf32>,
    }
    %scan3A_555 = arith.constant 8 : i32
    %dma_start3A_556 = arith.constant 3 : i32
    %dma_start3A_557 = arith.constant 3 : i32
    %dma_start3A_558 = arith.constant 3 : i32
    %dma_start3A_559 = arith.constant 0 : i32
    %dma_start3A_560 = tpu.memref_slice %arg12[%dma_start3A_556, %dma_start3A_559] : memref<4x128xi32, #tpu.memory_space<vmem>> -> memref<1x128xi32, #tpu.memory_space<vmem>>
    %dma_start3A_561 = tpu.memref_squeeze %dma_start3A_560 : memref<1x128xi32, #tpu.memory_space<vmem>> -> memref<128xi32, #tpu.memory_space<vmem>>
    %dma_start3A_562 = tpu.memref_slice %arg5[%dma_start3A_557, %mul3A_2] : memref<4x4096xi32, #tpu.memory_space<hbm>> -> memref<1x128xi32, #tpu.memory_space<hbm>>
    %dma_start3A_563 = tpu.memref_squeeze %dma_start3A_562 : memref<1x128xi32, #tpu.memory_space<hbm>> -> memref<128xi32, #tpu.memory_space<hbm>>
    %dma_start3A_564 = tpu.memref_slice %arg17[%dma_start3A_558] : memref<4x!tpu.dma_semaphore, #tpu.memory_space<semaphore_mem>> -> memref<1x!tpu.dma_semaphore, #tpu.memory_space<semaphore_mem>>
    %dma_start3A_565 = tpu.memref_squeeze %dma_start3A_564 : memref<1x!tpu.dma_semaphore, #tpu.memory_space<semaphore_mem>> -> memref<!tpu.dma_semaphore, #tpu.memory_space<semaphore_mem>>
    %dma_start3A_566 = tpu.memref_slice %arg5[%dma_start3A_557, %mul3A_2] : memref<4x4096xi32, #tpu.memory_space<hbm>> -> memref<1x128xi32, #tpu.memory_space<hbm>>
    %dma_start3A_567 = tpu.memref_squeeze %dma_start3A_566 : memref<1x128xi32, #tpu.memory_space<hbm>> -> memref<128xi32, #tpu.memory_space<hbm>>
    %dma_start3A_568 = arith.constant 0 : i32
    %dma_start3A_569 = tpu.memref_slice %arg12[%dma_start3A_556, %dma_start3A_568] : memref<4x128xi32, #tpu.memory_space<vmem>> -> memref<1x128xi32, #tpu.memory_space<vmem>>
    %dma_start3A_570 = tpu.memref_squeeze %dma_start3A_569 : memref<1x128xi32, #tpu.memory_space<vmem>> -> memref<128xi32, #tpu.memory_space<vmem>>
    tpu.enqueue_dma source(%dma_start3A_570 : memref<128xi32, #tpu.memory_space<vmem>>) target(%dma_start3A_567 : memref<128xi32, #tpu.memory_space<hbm>>) target_semaphore(%dma_start3A_565 : memref<!tpu.dma_semaphore, #tpu.memory_space<semaphore_mem>>)
    %dma_start3A_571 = arith.constant 3 : i32
    %dma_start3A_572 = arith.constant 3 : i32
    %dma_start3A_573 = arith.constant 3 : i32
    %dma_start3A_574 = arith.constant 0 : i32
    %dma_start3A_575 = tpu.memref_slice %arg13[%dma_start3A_571, %dma_start3A_574] : memref<4x128xf32, #tpu.memory_space<vmem>> -> memref<1x128xf32, #tpu.memory_space<vmem>>
    %dma_start3A_576 = tpu.memref_squeeze %dma_start3A_575 : memref<1x128xf32, #tpu.memory_space<vmem>> -> memref<128xf32, #tpu.memory_space<vmem>>
    %dma_start3A_577 = tpu.memref_slice %arg7[%dma_start3A_572, %mul3A_2] : memref<4x4096xf32, #tpu.memory_space<hbm>> -> memref<1x128xf32, #tpu.memory_space<hbm>>
    %dma_start3A_578 = tpu.memref_squeeze %dma_start3A_577 : memref<1x128xf32, #tpu.memory_space<hbm>> -> memref<128xf32, #tpu.memory_space<hbm>>
    %dma_start3A_579 = tpu.memref_slice %arg17[%dma_start3A_573] : memref<4x!tpu.dma_semaphore, #tpu.memory_space<semaphore_mem>> -> memref<1x!tpu.dma_semaphore, #tpu.memory_space<semaphore_mem>>
    %dma_start3A_580 = tpu.memref_squeeze %dma_start3A_579 : memref<1x!tpu.dma_semaphore, #tpu.memory_space<semaphore_mem>> -> memref<!tpu.dma_semaphore, #tpu.memory_space<semaphore_mem>>
    %dma_start3A_581 = tpu.memref_slice %arg7[%dma_start3A_572, %mul3A_2] : memref<4x4096xf32, #tpu.memory_space<hbm>> -> memref<1x128xf32, #tpu.memory_space<hbm>>
    %dma_start3A_582 = tpu.memref_squeeze %dma_start3A_581 : memref<1x128xf32, #tpu.memory_space<hbm>> -> memref<128xf32, #tpu.memory_space<hbm>>
    %dma_start3A_583 = arith.constant 0 : i32
    %dma_start3A_584 = tpu.memref_slice %arg13[%dma_start3A_571, %dma_start3A_583] : memref<4x128xf32, #tpu.memory_space<vmem>> -> memref<1x128xf32, #tpu.memory_space<vmem>>
    %dma_start3A_585 = tpu.memref_squeeze %dma_start3A_584 : memref<1x128xf32, #tpu.memory_space<vmem>> -> memref<128xf32, #tpu.memory_space<vmem>>
    tpu.enqueue_dma source(%dma_start3A_585 : memref<128xf32, #tpu.memory_space<vmem>>) target(%dma_start3A_582 : memref<128xf32, #tpu.memory_space<hbm>>) target_semaphore(%dma_start3A_580 : memref<!tpu.dma_semaphore, #tpu.memory_space<semaphore_mem>>)
    %dma_start3A_586 = arith.constant 3 : i32
    %dma_start3A_587 = arith.constant 3 : i32
    %dma_start3A_588 = arith.constant 3 : i32
    %dma_start3A_589 = arith.constant 0 : i32
    %dma_start3A_590 = tpu.memref_slice %arg14[%dma_start3A_586, %dma_start3A_589] : memref<4x128xi32, #tpu.memory_space<vmem>> -> memref<1x128xi32, #tpu.memory_space<vmem>>
    %dma_start3A_591 = tpu.memref_squeeze %dma_start3A_590 : memref<1x128xi32, #tpu.memory_space<vmem>> -> memref<128xi32, #tpu.memory_space<vmem>>
    %dma_start3A_592 = tpu.memref_slice %arg6[%dma_start3A_587, %mul3A_2] : memref<4x4096xi32, #tpu.memory_space<hbm>> -> memref<1x128xi32, #tpu.memory_space<hbm>>
    %dma_start3A_593 = tpu.memref_squeeze %dma_start3A_592 : memref<1x128xi32, #tpu.memory_space<hbm>> -> memref<128xi32, #tpu.memory_space<hbm>>
    %dma_start3A_594 = tpu.memref_slice %arg17[%dma_start3A_588] : memref<4x!tpu.dma_semaphore, #tpu.memory_space<semaphore_mem>> -> memref<1x!tpu.dma_semaphore, #tpu.memory_space<semaphore_mem>>
    %dma_start3A_595 = tpu.memref_squeeze %dma_start3A_594 : memref<1x!tpu.dma_semaphore, #tpu.memory_space<semaphore_mem>> -> memref<!tpu.dma_semaphore, #tpu.memory_space<semaphore_mem>>
    %dma_start3A_596 = tpu.memref_slice %arg6[%dma_start3A_587, %mul3A_2] : memref<4x4096xi32, #tpu.memory_space<hbm>> -> memref<1x128xi32, #tpu.memory_space<hbm>>
    %dma_start3A_597 = tpu.memref_squeeze %dma_start3A_596 : memref<1x128xi32, #tpu.memory_space<hbm>> -> memref<128xi32, #tpu.memory_space<hbm>>
    %dma_start3A_598 = arith.constant 0 : i32
    %dma_start3A_599 = tpu.memref_slice %arg14[%dma_start3A_586, %dma_start3A_598] : memref<4x128xi32, #tpu.memory_space<vmem>> -> memref<1x128xi32, #tpu.memory_space<vmem>>
    %dma_start3A_600 = tpu.memref_squeeze %dma_start3A_599 : memref<1x128xi32, #tpu.memory_space<vmem>> -> memref<128xi32, #tpu.memory_space<vmem>>
    tpu.enqueue_dma source(%dma_start3A_600 : memref<128xi32, #tpu.memory_space<vmem>>) target(%dma_start3A_597 : memref<128xi32, #tpu.memory_space<hbm>>) target_semaphore(%dma_start3A_595 : memref<!tpu.dma_semaphore, #tpu.memory_space<semaphore_mem>>)
    %dma_start3A_601 = arith.constant 3 : i32
    %dma_start3A_602 = arith.constant 3 : i32
    %dma_start3A_603 = arith.constant 3 : i32
    %dma_start3A_604 = arith.constant 0 : i32
    %dma_start3A_605 = tpu.memref_slice %arg15[%dma_start3A_601, %dma_start3A_604] : memref<4x128xf32, #tpu.memory_space<vmem>> -> memref<1x128xf32, #tpu.memory_space<vmem>>
    %dma_start3A_606 = tpu.memref_squeeze %dma_start3A_605 : memref<1x128xf32, #tpu.memory_space<vmem>> -> memref<128xf32, #tpu.memory_space<vmem>>
    %dma_start3A_607 = tpu.memref_slice %arg8[%dma_start3A_602, %mul3A_2] : memref<4x4096xf32, #tpu.memory_space<hbm>> -> memref<1x128xf32, #tpu.memory_space<hbm>>
    %dma_start3A_608 = tpu.memref_squeeze %dma_start3A_607 : memref<1x128xf32, #tpu.memory_space<hbm>> -> memref<128xf32, #tpu.memory_space<hbm>>
    %dma_start3A_609 = tpu.memref_slice %arg17[%dma_start3A_603] : memref<4x!tpu.dma_semaphore, #tpu.memory_space<semaphore_mem>> -> memref<1x!tpu.dma_semaphore, #tpu.memory_space<semaphore_mem>>
    %dma_start3A_610 = tpu.memref_squeeze %dma_start3A_609 : memref<1x!tpu.dma_semaphore, #tpu.memory_space<semaphore_mem>> -> memref<!tpu.dma_semaphore, #tpu.memory_space<semaphore_mem>>
    %dma_start3A_611 = tpu.memref_slice %arg8[%dma_start3A_602, %mul3A_2] : memref<4x4096xf32, #tpu.memory_space<hbm>> -> memref<1x128xf32, #tpu.memory_space<hbm>>
    %dma_start3A_612 = tpu.memref_squeeze %dma_start3A_611 : memref<1x128xf32, #tpu.memory_space<hbm>> -> memref<128xf32, #tpu.memory_space<hbm>>
    %dma_start3A_613 = arith.constant 0 : i32
    %dma_start3A_614 = tpu.memref_slice %arg15[%dma_start3A_601, %dma_start3A_613] : memref<4x128xf32, #tpu.memory_space<vmem>> -> memref<1x128xf32, #tpu.memory_space<vmem>>
    %dma_start3A_615 = tpu.memref_squeeze %dma_start3A_614 : memref<1x128xf32, #tpu.memory_space<vmem>> -> memref<128xf32, #tpu.memory_space<vmem>>
    tpu.enqueue_dma source(%dma_start3A_615 : memref<128xf32, #tpu.memory_space<vmem>>) target(%dma_start3A_612 : memref<128xf32, #tpu.memory_space<hbm>>) target_semaphore(%dma_start3A_610 : memref<!tpu.dma_semaphore, #tpu.memory_space<semaphore_mem>>)
    %dma_wait3A_616 = arith.constant 0 : i32
    %dma_wait3A_617 = arith.constant 0 : i32
    %dma_wait3A_618 = arith.constant 0 : i32
    %dma_wait3A_619 = arith.constant 0 : i32
    %dma_wait3A_620 = tpu.memref_slice %arg12[%dma_wait3A_616, %dma_wait3A_619] : memref<4x128xi32, #tpu.memory_space<vmem>> -> memref<1x128xi32, #tpu.memory_space<vmem>>
    %dma_wait3A_621 = tpu.memref_squeeze %dma_wait3A_620 : memref<1x128xi32, #tpu.memory_space<vmem>> -> memref<128xi32, #tpu.memory_space<vmem>>
    %dma_wait3A_622 = tpu.memref_slice %arg5[%dma_wait3A_617, %mul3A_2] : memref<4x4096xi32, #tpu.memory_space<hbm>> -> memref<1x128xi32, #tpu.memory_space<hbm>>
    %dma_wait3A_623 = tpu.memref_squeeze %dma_wait3A_622 : memref<1x128xi32, #tpu.memory_space<hbm>> -> memref<128xi32, #tpu.memory_space<hbm>>
    %dma_wait3A_624 = tpu.memref_slice %arg17[%dma_wait3A_618] : memref<4x!tpu.dma_semaphore, #tpu.memory_space<semaphore_mem>> -> memref<1x!tpu.dma_semaphore, #tpu.memory_space<semaphore_mem>>
    %dma_wait3A_625 = tpu.memref_squeeze %dma_wait3A_624 : memref<1x!tpu.dma_semaphore, #tpu.memory_space<semaphore_mem>> -> memref<!tpu.dma_semaphore, #tpu.memory_space<semaphore_mem>>
    %dma_wait3A_626 = tpu.memref_slice %arg5[%dma_wait3A_617, %mul3A_2] : memref<4x4096xi32, #tpu.memory_space<hbm>> -> memref<1x128xi32, #tpu.memory_space<hbm>>
    %dma_wait3A_627 = tpu.memref_squeeze %dma_wait3A_626 : memref<1x128xi32, #tpu.memory_space<hbm>> -> memref<128xi32, #tpu.memory_space<hbm>>
    %dma_wait3A_628 = arith.constant 0 : i32
    %dma_wait3A_629 = tpu.memref_slice %arg12[%dma_wait3A_616, %dma_wait3A_628] : memref<4x128xi32, #tpu.memory_space<vmem>> -> memref<1x128xi32, #tpu.memory_space<vmem>>
    %dma_wait3A_630 = tpu.memref_squeeze %dma_wait3A_629 : memref<1x128xi32, #tpu.memory_space<vmem>> -> memref<128xi32, #tpu.memory_space<vmem>>
    tpu.wait_dma2 semaphore(%dma_wait3A_625 : memref<!tpu.dma_semaphore, #tpu.memory_space<semaphore_mem>>) src(%dma_wait3A_630 : memref<128xi32, #tpu.memory_space<vmem>>) dst(%dma_wait3A_627 : memref<128xi32, #tpu.memory_space<hbm>>)
    %dma_wait3A_631 = arith.constant 0 : i32
    %dma_wait3A_632 = arith.constant 0 : i32
    %dma_wait3A_633 = arith.constant 0 : i32
    %dma_wait3A_634 = arith.constant 0 : i32
    %dma_wait3A_635 = tpu.memref_slice %arg13[%dma_wait3A_631, %dma_wait3A_634] : memref<4x128xf32, #tpu.memory_space<vmem>> -> memref<1x128xf32, #tpu.memory_space<vmem>>
    %dma_wait3A_636 = tpu.memref_squeeze %dma_wait3A_635 : memref<1x128xf32, #tpu.memory_space<vmem>> -> memref<128xf32, #tpu.memory_space<vmem>>
    %dma_wait3A_637 = tpu.memref_slice %arg7[%dma_wait3A_632, %mul3A_2] : memref<4x4096xf32, #tpu.memory_space<hbm>> -> memref<1x128xf32, #tpu.memory_space<hbm>>
    %dma_wait3A_638 = tpu.memref_squeeze %dma_wait3A_637 : memref<1x128xf32, #tpu.memory_space<hbm>> -> memref<128xf32, #tpu.memory_space<hbm>>
    %dma_wait3A_639 = tpu.memref_slice %arg17[%dma_wait3A_633] : memref<4x!tpu.dma_semaphore, #tpu.memory_space<semaphore_mem>> -> memref<1x!tpu.dma_semaphore, #tpu.memory_space<semaphore_mem>>
    %dma_wait3A_640 = tpu.memref_squeeze %dma_wait3A_639 : memref<1x!tpu.dma_semaphore, #tpu.memory_space<semaphore_mem>> -> memref<!tpu.dma_semaphore, #tpu.memory_space<semaphore_mem>>
    %dma_wait3A_641 = tpu.memref_slice %arg7[%dma_wait3A_632, %mul3A_2] : memref<4x4096xf32, #tpu.memory_space<hbm>> -> memref<1x128xf32, #tpu.memory_space<hbm>>
    %dma_wait3A_642 = tpu.memref_squeeze %dma_wait3A_641 : memref<1x128xf32, #tpu.memory_space<hbm>> -> memref<128xf32, #tpu.memory_space<hbm>>
    %dma_wait3A_643 = arith.constant 0 : i32
    %dma_wait3A_644 = tpu.memref_slice %arg13[%dma_wait3A_631, %dma_wait3A_643] : memref<4x128xf32, #tpu.memory_space<vmem>> -> memref<1x128xf32, #tpu.memory_space<vmem>>
    %dma_wait3A_645 = tpu.memref_squeeze %dma_wait3A_644 : memref<1x128xf32, #tpu.memory_space<vmem>> -> memref<128xf32, #tpu.memory_space<vmem>>
    tpu.wait_dma2 semaphore(%dma_wait3A_640 : memref<!tpu.dma_semaphore, #tpu.memory_space<semaphore_mem>>) src(%dma_wait3A_645 : memref<128xf32, #tpu.memory_space<vmem>>) dst(%dma_wait3A_642 : memref<128xf32, #tpu.memory_space<hbm>>)
    %dma_wait3A_646 = arith.constant 0 : i32
    %dma_wait3A_647 = arith.constant 0 : i32
    %dma_wait3A_648 = arith.constant 0 : i32
    %dma_wait3A_649 = arith.constant 0 : i32
    %dma_wait3A_650 = tpu.memref_slice %arg14[%dma_wait3A_646, %dma_wait3A_649] : memref<4x128xi32, #tpu.memory_space<vmem>> -> memref<1x128xi32, #tpu.memory_space<vmem>>
    %dma_wait3A_651 = tpu.memref_squeeze %dma_wait3A_650 : memref<1x128xi32, #tpu.memory_space<vmem>> -> memref<128xi32, #tpu.memory_space<vmem>>
    %dma_wait3A_652 = tpu.memref_slice %arg6[%dma_wait3A_647, %mul3A_2] : memref<4x4096xi32, #tpu.memory_space<hbm>> -> memref<1x128xi32, #tpu.memory_space<hbm>>
    %dma_wait3A_653 = tpu.memref_squeeze %dma_wait3A_652 : memref<1x128xi32, #tpu.memory_space<hbm>> -> memref<128xi32, #tpu.memory_space<hbm>>
    %dma_wait3A_654 = tpu.memref_slice %arg17[%dma_wait3A_648] : memref<4x!tpu.dma_semaphore, #tpu.memory_space<semaphore_mem>> -> memref<1x!tpu.dma_semaphore, #tpu.memory_space<semaphore_mem>>
    %dma_wait3A_655 = tpu.memref_squeeze %dma_wait3A_654 : memref<1x!tpu.dma_semaphore, #tpu.memory_space<semaphore_mem>> -> memref<!tpu.dma_semaphore, #tpu.memory_space<semaphore_mem>>
    %dma_wait3A_656 = tpu.memref_slice %arg6[%dma_wait3A_647, %mul3A_2] : memref<4x4096xi32, #tpu.memory_space<hbm>> -> memref<1x128xi32, #tpu.memory_space<hbm>>
    %dma_wait3A_657 = tpu.memref_squeeze %dma_wait3A_656 : memref<1x128xi32, #tpu.memory_space<hbm>> -> memref<128xi32, #tpu.memory_space<hbm>>
    %dma_wait3A_658 = arith.constant 0 : i32
    %dma_wait3A_659 = tpu.memref_slice %arg14[%dma_wait3A_646, %dma_wait3A_658] : memref<4x128xi32, #tpu.memory_space<vmem>> -> memref<1x128xi32, #tpu.memory_space<vmem>>
    %dma_wait3A_660 = tpu.memref_squeeze %dma_wait3A_659 : memref<1x128xi32, #tpu.memory_space<vmem>> -> memref<128xi32, #tpu.memory_space<vmem>>
    tpu.wait_dma2 semaphore(%dma_wait3A_655 : memref<!tpu.dma_semaphore, #tpu.memory_space<semaphore_mem>>) src(%dma_wait3A_660 : memref<128xi32, #tpu.memory_space<vmem>>) dst(%dma_wait3A_657 : memref<128xi32, #tpu.memory_space<hbm>>)
    %dma_wait3A_661 = arith.constant 0 : i32
    %dma_wait3A_662 = arith.constant 0 : i32
    %dma_wait3A_663 = arith.constant 0 : i32
    %dma_wait3A_664 = arith.constant 0 : i32
    %dma_wait3A_665 = tpu.memref_slice %arg15[%dma_wait3A_661, %dma_wait3A_664] : memref<4x128xf32, #tpu.memory_space<vmem>> -> memref<1x128xf32, #tpu.memory_space<vmem>>
    %dma_wait3A_666 = tpu.memref_squeeze %dma_wait3A_665 : memref<1x128xf32, #tpu.memory_space<vmem>> -> memref<128xf32, #tpu.memory_space<vmem>>
    %dma_wait3A_667 = tpu.memref_slice %arg8[%dma_wait3A_662, %mul3A_2] : memref<4x4096xf32, #tpu.memory_space<hbm>> -> memref<1x128xf32, #tpu.memory_space<hbm>>
    %dma_wait3A_668 = tpu.memref_squeeze %dma_wait3A_667 : memref<1x128xf32, #tpu.memory_space<hbm>> -> memref<128xf32, #tpu.memory_space<hbm>>
    %dma_wait3A_669 = tpu.memref_slice %arg17[%dma_wait3A_663] : memref<4x!tpu.dma_semaphore, #tpu.memory_space<semaphore_mem>> -> memref<1x!tpu.dma_semaphore, #tpu.memory_space<semaphore_mem>>
    %dma_wait3A_670 = tpu.memref_squeeze %dma_wait3A_669 : memref<1x!tpu.dma_semaphore, #tpu.memory_space<semaphore_mem>> -> memref<!tpu.dma_semaphore, #tpu.memory_space<semaphore_mem>>
    %dma_wait3A_671 = tpu.memref_slice %arg8[%dma_wait3A_662, %mul3A_2] : memref<4x4096xf32, #tpu.memory_space<hbm>> -> memref<1x128xf32, #tpu.memory_space<hbm>>
    %dma_wait3A_672 = tpu.memref_squeeze %dma_wait3A_671 : memref<1x128xf32, #tpu.memory_space<hbm>> -> memref<128xf32, #tpu.memory_space<hbm>>
    %dma_wait3A_673 = arith.constant 0 : i32
    %dma_wait3A_674 = tpu.memref_slice %arg15[%dma_wait3A_661, %dma_wait3A_673] : memref<4x128xf32, #tpu.memory_space<vmem>> -> memref<1x128xf32, #tpu.memory_space<vmem>>
    %dma_wait3A_675 = tpu.memref_squeeze %dma_wait3A_674 : memref<1x128xf32, #tpu.memory_space<vmem>> -> memref<128xf32, #tpu.memory_space<vmem>>
    tpu.wait_dma2 semaphore(%dma_wait3A_670 : memref<!tpu.dma_semaphore, #tpu.memory_space<semaphore_mem>>) src(%dma_wait3A_675 : memref<128xf32, #tpu.memory_space<vmem>>) dst(%dma_wait3A_672 : memref<128xf32, #tpu.memory_space<hbm>>)
    %dma_wait3A_676 = arith.constant 1 : i32
    %dma_wait3A_677 = arith.constant 1 : i32
    %dma_wait3A_678 = arith.constant 1 : i32
    %dma_wait3A_679 = arith.constant 0 : i32
    %dma_wait3A_680 = tpu.memref_slice %arg12[%dma_wait3A_676, %dma_wait3A_679] : memref<4x128xi32, #tpu.memory_space<vmem>> -> memref<1x128xi32, #tpu.memory_space<vmem>>
    %dma_wait3A_681 = tpu.memref_squeeze %dma_wait3A_680 : memref<1x128xi32, #tpu.memory_space<vmem>> -> memref<128xi32, #tpu.memory_space<vmem>>
    %dma_wait3A_682 = tpu.memref_slice %arg5[%dma_wait3A_677, %mul3A_2] : memref<4x4096xi32, #tpu.memory_space<hbm>> -> memref<1x128xi32, #tpu.memory_space<hbm>>
    %dma_wait3A_683 = tpu.memref_squeeze %dma_wait3A_682 : memref<1x128xi32, #tpu.memory_space<hbm>> -> memref<128xi32, #tpu.memory_space<hbm>>
    %dma_wait3A_684 = tpu.memref_slice %arg17[%dma_wait3A_678] : memref<4x!tpu.dma_semaphore, #tpu.memory_space<semaphore_mem>> -> memref<1x!tpu.dma_semaphore, #tpu.memory_space<semaphore_mem>>
    %dma_wait3A_685 = tpu.memref_squeeze %dma_wait3A_684 : memref<1x!tpu.dma_semaphore, #tpu.memory_space<semaphore_mem>> -> memref<!tpu.dma_semaphore, #tpu.memory_space<semaphore_mem>>
    %dma_wait3A_686 = tpu.memref_slice %arg5[%dma_wait3A_677, %mul3A_2] : memref<4x4096xi32, #tpu.memory_space<hbm>> -> memref<1x128xi32, #tpu.memory_space<hbm>>
    %dma_wait3A_687 = tpu.memref_squeeze %dma_wait3A_686 : memref<1x128xi32, #tpu.memory_space<hbm>> -> memref<128xi32, #tpu.memory_space<hbm>>
    %dma_wait3A_688 = arith.constant 0 : i32
    %dma_wait3A_689 = tpu.memref_slice %arg12[%dma_wait3A_676, %dma_wait3A_688] : memref<4x128xi32, #tpu.memory_space<vmem>> -> memref<1x128xi32, #tpu.memory_space<vmem>>
    %dma_wait3A_690 = tpu.memref_squeeze %dma_wait3A_689 : memref<1x128xi32, #tpu.memory_space<vmem>> -> memref<128xi32, #tpu.memory_space<vmem>>
    tpu.wait_dma2 semaphore(%dma_wait3A_685 : memref<!tpu.dma_semaphore, #tpu.memory_space<semaphore_mem>>) src(%dma_wait3A_690 : memref<128xi32, #tpu.memory_space<vmem>>) dst(%dma_wait3A_687 : memref<128xi32, #tpu.memory_space<hbm>>)
    %dma_wait3A_691 = arith.constant 1 : i32
    %dma_wait3A_692 = arith.constant 1 : i32
    %dma_wait3A_693 = arith.constant 1 : i32
    %dma_wait3A_694 = arith.constant 0 : i32
    %dma_wait3A_695 = tpu.memref_slice %arg13[%dma_wait3A_691, %dma_wait3A_694] : memref<4x128xf32, #tpu.memory_space<vmem>> -> memref<1x128xf32, #tpu.memory_space<vmem>>
    %dma_wait3A_696 = tpu.memref_squeeze %dma_wait3A_695 : memref<1x128xf32, #tpu.memory_space<vmem>> -> memref<128xf32, #tpu.memory_space<vmem>>
    %dma_wait3A_697 = tpu.memref_slice %arg7[%dma_wait3A_692, %mul3A_2] : memref<4x4096xf32, #tpu.memory_space<hbm>> -> memref<1x128xf32, #tpu.memory_space<hbm>>
    %dma_wait3A_698 = tpu.memref_squeeze %dma_wait3A_697 : memref<1x128xf32, #tpu.memory_space<hbm>> -> memref<128xf32, #tpu.memory_space<hbm>>
    %dma_wait3A_699 = tpu.memref_slice %arg17[%dma_wait3A_693] : memref<4x!tpu.dma_semaphore, #tpu.memory_space<semaphore_mem>> -> memref<1x!tpu.dma_semaphore, #tpu.memory_space<semaphore_mem>>
    %dma_wait3A_700 = tpu.memref_squeeze %dma_wait3A_699 : memref<1x!tpu.dma_semaphore, #tpu.memory_space<semaphore_mem>> -> memref<!tpu.dma_semaphore, #tpu.memory_space<semaphore_mem>>
    %dma_wait3A_701 = tpu.memref_slice %arg7[%dma_wait3A_692, %mul3A_2] : memref<4x4096xf32, #tpu.memory_space<hbm>> -> memref<1x128xf32, #tpu.memory_space<hbm>>
    %dma_wait3A_702 = tpu.memref_squeeze %dma_wait3A_701 : memref<1x128xf32, #tpu.memory_space<hbm>> -> memref<128xf32, #tpu.memory_space<hbm>>
    %dma_wait3A_703 = arith.constant 0 : i32
    %dma_wait3A_704 = tpu.memref_slice %arg13[%dma_wait3A_691, %dma_wait3A_703] : memref<4x128xf32, #tpu.memory_space<vmem>> -> memref<1x128xf32, #tpu.memory_space<vmem>>
    %dma_wait3A_705 = tpu.memref_squeeze %dma_wait3A_704 : memref<1x128xf32, #tpu.memory_space<vmem>> -> memref<128xf32, #tpu.memory_space<vmem>>
    tpu.wait_dma2 semaphore(%dma_wait3A_700 : memref<!tpu.dma_semaphore, #tpu.memory_space<semaphore_mem>>) src(%dma_wait3A_705 : memref<128xf32, #tpu.memory_space<vmem>>) dst(%dma_wait3A_702 : memref<128xf32, #tpu.memory_space<hbm>>)
    %dma_wait3A_706 = arith.constant 1 : i32
    %dma_wait3A_707 = arith.constant 1 : i32
    %dma_wait3A_708 = arith.constant 1 : i32
    %dma_wait3A_709 = arith.constant 0 : i32
    %dma_wait3A_710 = tpu.memref_slice %arg14[%dma_wait3A_706, %dma_wait3A_709] : memref<4x128xi32, #tpu.memory_space<vmem>> -> memref<1x128xi32, #tpu.memory_space<vmem>>
    %dma_wait3A_711 = tpu.memref_squeeze %dma_wait3A_710 : memref<1x128xi32, #tpu.memory_space<vmem>> -> memref<128xi32, #tpu.memory_space<vmem>>
    %dma_wait3A_712 = tpu.memref_slice %arg6[%dma_wait3A_707, %mul3A_2] : memref<4x4096xi32, #tpu.memory_space<hbm>> -> memref<1x128xi32, #tpu.memory_space<hbm>>
    %dma_wait3A_713 = tpu.memref_squeeze %dma_wait3A_712 : memref<1x128xi32, #tpu.memory_space<hbm>> -> memref<128xi32, #tpu.memory_space<hbm>>
    %dma_wait3A_714 = tpu.memref_slice %arg17[%dma_wait3A_708] : memref<4x!tpu.dma_semaphore, #tpu.memory_space<semaphore_mem>> -> memref<1x!tpu.dma_semaphore, #tpu.memory_space<semaphore_mem>>
    %dma_wait3A_715 = tpu.memref_squeeze %dma_wait3A_714 : memref<1x!tpu.dma_semaphore, #tpu.memory_space<semaphore_mem>> -> memref<!tpu.dma_semaphore, #tpu.memory_space<semaphore_mem>>
    %dma_wait3A_716 = tpu.memref_slice %arg6[%dma_wait3A_707, %mul3A_2] : memref<4x4096xi32, #tpu.memory_space<hbm>> -> memref<1x128xi32, #tpu.memory_space<hbm>>
    %dma_wait3A_717 = tpu.memref_squeeze %dma_wait3A_716 : memref<1x128xi32, #tpu.memory_space<hbm>> -> memref<128xi32, #tpu.memory_space<hbm>>
    %dma_wait3A_718 = arith.constant 0 : i32
    %dma_wait3A_719 = tpu.memref_slice %arg14[%dma_wait3A_706, %dma_wait3A_718] : memref<4x128xi32, #tpu.memory_space<vmem>> -> memref<1x128xi32, #tpu.memory_space<vmem>>
    %dma_wait3A_720 = tpu.memref_squeeze %dma_wait3A_719 : memref<1x128xi32, #tpu.memory_space<vmem>> -> memref<128xi32, #tpu.memory_space<vmem>>
    tpu.wait_dma2 semaphore(%dma_wait3A_715 : memref<!tpu.dma_semaphore, #tpu.memory_space<semaphore_mem>>) src(%dma_wait3A_720 : memref<128xi32, #tpu.memory_space<vmem>>) dst(%dma_wait3A_717 : memref<128xi32, #tpu.memory_space<hbm>>)
    %dma_wait3A_721 = arith.constant 1 : i32
    %dma_wait3A_722 = arith.constant 1 : i32
    %dma_wait3A_723 = arith.constant 1 : i32
    %dma_wait3A_724 = arith.constant 0 : i32
    %dma_wait3A_725 = tpu.memref_slice %arg15[%dma_wait3A_721, %dma_wait3A_724] : memref<4x128xf32, #tpu.memory_space<vmem>> -> memref<1x128xf32, #tpu.memory_space<vmem>>
    %dma_wait3A_726 = tpu.memref_squeeze %dma_wait3A_725 : memref<1x128xf32, #tpu.memory_space<vmem>> -> memref<128xf32, #tpu.memory_space<vmem>>
    %dma_wait3A_727 = tpu.memref_slice %arg8[%dma_wait3A_722, %mul3A_2] : memref<4x4096xf32, #tpu.memory_space<hbm>> -> memref<1x128xf32, #tpu.memory_space<hbm>>
    %dma_wait3A_728 = tpu.memref_squeeze %dma_wait3A_727 : memref<1x128xf32, #tpu.memory_space<hbm>> -> memref<128xf32, #tpu.memory_space<hbm>>
    %dma_wait3A_729 = tpu.memref_slice %arg17[%dma_wait3A_723] : memref<4x!tpu.dma_semaphore, #tpu.memory_space<semaphore_mem>> -> memref<1x!tpu.dma_semaphore, #tpu.memory_space<semaphore_mem>>
    %dma_wait3A_730 = tpu.memref_squeeze %dma_wait3A_729 : memref<1x!tpu.dma_semaphore, #tpu.memory_space<semaphore_mem>> -> memref<!tpu.dma_semaphore, #tpu.memory_space<semaphore_mem>>
    %dma_wait3A_731 = tpu.memref_slice %arg8[%dma_wait3A_722, %mul3A_2] : memref<4x4096xf32, #tpu.memory_space<hbm>> -> memref<1x128xf32, #tpu.memory_space<hbm>>
    %dma_wait3A_732 = tpu.memref_squeeze %dma_wait3A_731 : memref<1x128xf32, #tpu.memory_space<hbm>> -> memref<128xf32, #tpu.memory_space<hbm>>
    %dma_wait3A_733 = arith.constant 0 : i32
    %dma_wait3A_734 = tpu.memref_slice %arg15[%dma_wait3A_721, %dma_wait3A_733] : memref<4x128xf32, #tpu.memory_space<vmem>> -> memref<1x128xf32, #tpu.memory_space<vmem>>
    %dma_wait3A_735 = tpu.memref_squeeze %dma_wait3A_734 : memref<1x128xf32, #tpu.memory_space<vmem>> -> memref<128xf32, #tpu.memory_space<vmem>>
    tpu.wait_dma2 semaphore(%dma_wait3A_730 : memref<!tpu.dma_semaphore, #tpu.memory_space<semaphore_mem>>) src(%dma_wait3A_735 : memref<128xf32, #tpu.memory_space<vmem>>) dst(%dma_wait3A_732 : memref<128xf32, #tpu.memory_space<hbm>>)
    %dma_wait3A_736 = arith.constant 2 : i32
    %dma_wait3A_737 = arith.constant 2 : i32
    %dma_wait3A_738 = arith.constant 2 : i32
    %dma_wait3A_739 = arith.constant 0 : i32
    %dma_wait3A_740 = tpu.memref_slice %arg12[%dma_wait3A_736, %dma_wait3A_739] : memref<4x128xi32, #tpu.memory_space<vmem>> -> memref<1x128xi32, #tpu.memory_space<vmem>>
    %dma_wait3A_741 = tpu.memref_squeeze %dma_wait3A_740 : memref<1x128xi32, #tpu.memory_space<vmem>> -> memref<128xi32, #tpu.memory_space<vmem>>
    %dma_wait3A_742 = tpu.memref_slice %arg5[%dma_wait3A_737, %mul3A_2] : memref<4x4096xi32, #tpu.memory_space<hbm>> -> memref<1x128xi32, #tpu.memory_space<hbm>>
    %dma_wait3A_743 = tpu.memref_squeeze %dma_wait3A_742 : memref<1x128xi32, #tpu.memory_space<hbm>> -> memref<128xi32, #tpu.memory_space<hbm>>
    %dma_wait3A_744 = tpu.memref_slice %arg17[%dma_wait3A_738] : memref<4x!tpu.dma_semaphore, #tpu.memory_space<semaphore_mem>> -> memref<1x!tpu.dma_semaphore, #tpu.memory_space<semaphore_mem>>
    %dma_wait3A_745 = tpu.memref_squeeze %dma_wait3A_744 : memref<1x!tpu.dma_semaphore, #tpu.memory_space<semaphore_mem>> -> memref<!tpu.dma_semaphore, #tpu.memory_space<semaphore_mem>>
    %dma_wait3A_746 = tpu.memref_slice %arg5[%dma_wait3A_737, %mul3A_2] : memref<4x4096xi32, #tpu.memory_space<hbm>> -> memref<1x128xi32, #tpu.memory_space<hbm>>
    %dma_wait3A_747 = tpu.memref_squeeze %dma_wait3A_746 : memref<1x128xi32, #tpu.memory_space<hbm>> -> memref<128xi32, #tpu.memory_space<hbm>>
    %dma_wait3A_748 = arith.constant 0 : i32
    %dma_wait3A_749 = tpu.memref_slice %arg12[%dma_wait3A_736, %dma_wait3A_748] : memref<4x128xi32, #tpu.memory_space<vmem>> -> memref<1x128xi32, #tpu.memory_space<vmem>>
    %dma_wait3A_750 = tpu.memref_squeeze %dma_wait3A_749 : memref<1x128xi32, #tpu.memory_space<vmem>> -> memref<128xi32, #tpu.memory_space<vmem>>
    tpu.wait_dma2 semaphore(%dma_wait3A_745 : memref<!tpu.dma_semaphore, #tpu.memory_space<semaphore_mem>>) src(%dma_wait3A_750 : memref<128xi32, #tpu.memory_space<vmem>>) dst(%dma_wait3A_747 : memref<128xi32, #tpu.memory_space<hbm>>)
    %dma_wait3A_751 = arith.constant 2 : i32
    %dma_wait3A_752 = arith.constant 2 : i32
    %dma_wait3A_753 = arith.constant 2 : i32
    %dma_wait3A_754 = arith.constant 0 : i32
    %dma_wait3A_755 = tpu.memref_slice %arg13[%dma_wait3A_751, %dma_wait3A_754] : memref<4x128xf32, #tpu.memory_space<vmem>> -> memref<1x128xf32, #tpu.memory_space<vmem>>
    %dma_wait3A_756 = tpu.memref_squeeze %dma_wait3A_755 : memref<1x128xf32, #tpu.memory_space<vmem>> -> memref<128xf32, #tpu.memory_space<vmem>>
    %dma_wait3A_757 = tpu.memref_slice %arg7[%dma_wait3A_752, %mul3A_2] : memref<4x4096xf32, #tpu.memory_space<hbm>> -> memref<1x128xf32, #tpu.memory_space<hbm>>
    %dma_wait3A_758 = tpu.memref_squeeze %dma_wait3A_757 : memref<1x128xf32, #tpu.memory_space<hbm>> -> memref<128xf32, #tpu.memory_space<hbm>>
    %dma_wait3A_759 = tpu.memref_slice %arg17[%dma_wait3A_753] : memref<4x!tpu.dma_semaphore, #tpu.memory_space<semaphore_mem>> -> memref<1x!tpu.dma_semaphore, #tpu.memory_space<semaphore_mem>>
    %dma_wait3A_760 = tpu.memref_squeeze %dma_wait3A_759 : memref<1x!tpu.dma_semaphore, #tpu.memory_space<semaphore_mem>> -> memref<!tpu.dma_semaphore, #tpu.memory_space<semaphore_mem>>
    %dma_wait3A_761 = tpu.memref_slice %arg7[%dma_wait3A_752, %mul3A_2] : memref<4x4096xf32, #tpu.memory_space<hbm>> -> memref<1x128xf32, #tpu.memory_space<hbm>>
    %dma_wait3A_762 = tpu.memref_squeeze %dma_wait3A_761 : memref<1x128xf32, #tpu.memory_space<hbm>> -> memref<128xf32, #tpu.memory_space<hbm>>
    %dma_wait3A_763 = arith.constant 0 : i32
    %dma_wait3A_764 = tpu.memref_slice %arg13[%dma_wait3A_751, %dma_wait3A_763] : memref<4x128xf32, #tpu.memory_space<vmem>> -> memref<1x128xf32, #tpu.memory_space<vmem>>
    %dma_wait3A_765 = tpu.memref_squeeze %dma_wait3A_764 : memref<1x128xf32, #tpu.memory_space<vmem>> -> memref<128xf32, #tpu.memory_space<vmem>>
    tpu.wait_dma2 semaphore(%dma_wait3A_760 : memref<!tpu.dma_semaphore, #tpu.memory_space<semaphore_mem>>) src(%dma_wait3A_765 : memref<128xf32, #tpu.memory_space<vmem>>) dst(%dma_wait3A_762 : memref<128xf32, #tpu.memory_space<hbm>>)
    %dma_wait3A_766 = arith.constant 2 : i32
    %dma_wait3A_767 = arith.constant 2 : i32
    %dma_wait3A_768 = arith.constant 2 : i32
    %dma_wait3A_769 = arith.constant 0 : i32
    %dma_wait3A_770 = tpu.memref_slice %arg14[%dma_wait3A_766, %dma_wait3A_769] : memref<4x128xi32, #tpu.memory_space<vmem>> -> memref<1x128xi32, #tpu.memory_space<vmem>>
    %dma_wait3A_771 = tpu.memref_squeeze %dma_wait3A_770 : memref<1x128xi32, #tpu.memory_space<vmem>> -> memref<128xi32, #tpu.memory_space<vmem>>
    %dma_wait3A_772 = tpu.memref_slice %arg6[%dma_wait3A_767, %mul3A_2] : memref<4x4096xi32, #tpu.memory_space<hbm>> -> memref<1x128xi32, #tpu.memory_space<hbm>>
    %dma_wait3A_773 = tpu.memref_squeeze %dma_wait3A_772 : memref<1x128xi32, #tpu.memory_space<hbm>> -> memref<128xi32, #tpu.memory_space<hbm>>
    %dma_wait3A_774 = tpu.memref_slice %arg17[%dma_wait3A_768] : memref<4x!tpu.dma_semaphore, #tpu.memory_space<semaphore_mem>> -> memref<1x!tpu.dma_semaphore, #tpu.memory_space<semaphore_mem>>
    %dma_wait3A_775 = tpu.memref_squeeze %dma_wait3A_774 : memref<1x!tpu.dma_semaphore, #tpu.memory_space<semaphore_mem>> -> memref<!tpu.dma_semaphore, #tpu.memory_space<semaphore_mem>>
    %dma_wait3A_776 = tpu.memref_slice %arg6[%dma_wait3A_767, %mul3A_2] : memref<4x4096xi32, #tpu.memory_space<hbm>> -> memref<1x128xi32, #tpu.memory_space<hbm>>
    %dma_wait3A_777 = tpu.memref_squeeze %dma_wait3A_776 : memref<1x128xi32, #tpu.memory_space<hbm>> -> memref<128xi32, #tpu.memory_space<hbm>>
    %dma_wait3A_778 = arith.constant 0 : i32
    %dma_wait3A_779 = tpu.memref_slice %arg14[%dma_wait3A_766, %dma_wait3A_778] : memref<4x128xi32, #tpu.memory_space<vmem>> -> memref<1x128xi32, #tpu.memory_space<vmem>>
    %dma_wait3A_780 = tpu.memref_squeeze %dma_wait3A_779 : memref<1x128xi32, #tpu.memory_space<vmem>> -> memref<128xi32, #tpu.memory_space<vmem>>
    tpu.wait_dma2 semaphore(%dma_wait3A_775 : memref<!tpu.dma_semaphore, #tpu.memory_space<semaphore_mem>>) src(%dma_wait3A_780 : memref<128xi32, #tpu.memory_space<vmem>>) dst(%dma_wait3A_777 : memref<128xi32, #tpu.memory_space<hbm>>)
    %dma_wait3A_781 = arith.constant 2 : i32
    %dma_wait3A_782 = arith.constant 2 : i32
    %dma_wait3A_783 = arith.constant 2 : i32
    %dma_wait3A_784 = arith.constant 0 : i32
    %dma_wait3A_785 = tpu.memref_slice %arg15[%dma_wait3A_781, %dma_wait3A_784] : memref<4x128xf32, #tpu.memory_space<vmem>> -> memref<1x128xf32, #tpu.memory_space<vmem>>
    %dma_wait3A_786 = tpu.memref_squeeze %dma_wait3A_785 : memref<1x128xf32, #tpu.memory_space<vmem>> -> memref<128xf32, #tpu.memory_space<vmem>>
    %dma_wait3A_787 = tpu.memref_slice %arg8[%dma_wait3A_782, %mul3A_2] : memref<4x4096xf32, #tpu.memory_space<hbm>> -> memref<1x128xf32, #tpu.memory_space<hbm>>
    %dma_wait3A_788 = tpu.memref_squeeze %dma_wait3A_787 : memref<1x128xf32, #tpu.memory_space<hbm>> -> memref<128xf32, #tpu.memory_space<hbm>>
    %dma_wait3A_789 = tpu.memref_slice %arg17[%dma_wait3A_783] : memref<4x!tpu.dma_semaphore, #tpu.memory_space<semaphore_mem>> -> memref<1x!tpu.dma_semaphore, #tpu.memory_space<semaphore_mem>>
    %dma_wait3A_790 = tpu.memref_squeeze %dma_wait3A_789 : memref<1x!tpu.dma_semaphore, #tpu.memory_space<semaphore_mem>> -> memref<!tpu.dma_semaphore, #tpu.memory_space<semaphore_mem>>
    %dma_wait3A_791 = tpu.memref_slice %arg8[%dma_wait3A_782, %mul3A_2] : memref<4x4096xf32, #tpu.memory_space<hbm>> -> memref<1x128xf32, #tpu.memory_space<hbm>>
    %dma_wait3A_792 = tpu.memref_squeeze %dma_wait3A_791 : memref<1x128xf32, #tpu.memory_space<hbm>> -> memref<128xf32, #tpu.memory_space<hbm>>
    %dma_wait3A_793 = arith.constant 0 : i32
    %dma_wait3A_794 = tpu.memref_slice %arg15[%dma_wait3A_781, %dma_wait3A_793] : memref<4x128xf32, #tpu.memory_space<vmem>> -> memref<1x128xf32, #tpu.memory_space<vmem>>
    %dma_wait3A_795 = tpu.memref_squeeze %dma_wait3A_794 : memref<1x128xf32, #tpu.memory_space<vmem>> -> memref<128xf32, #tpu.memory_space<vmem>>
    tpu.wait_dma2 semaphore(%dma_wait3A_790 : memref<!tpu.dma_semaphore, #tpu.memory_space<semaphore_mem>>) src(%dma_wait3A_795 : memref<128xf32, #tpu.memory_space<vmem>>) dst(%dma_wait3A_792 : memref<128xf32, #tpu.memory_space<hbm>>)
    %dma_wait3A_796 = arith.constant 3 : i32
    %dma_wait3A_797 = arith.constant 3 : i32
    %dma_wait3A_798 = arith.constant 3 : i32
    %dma_wait3A_799 = arith.constant 0 : i32
    %dma_wait3A_800 = tpu.memref_slice %arg12[%dma_wait3A_796, %dma_wait3A_799] : memref<4x128xi32, #tpu.memory_space<vmem>> -> memref<1x128xi32, #tpu.memory_space<vmem>>
    %dma_wait3A_801 = tpu.memref_squeeze %dma_wait3A_800 : memref<1x128xi32, #tpu.memory_space<vmem>> -> memref<128xi32, #tpu.memory_space<vmem>>
    %dma_wait3A_802 = tpu.memref_slice %arg5[%dma_wait3A_797, %mul3A_2] : memref<4x4096xi32, #tpu.memory_space<hbm>> -> memref<1x128xi32, #tpu.memory_space<hbm>>
    %dma_wait3A_803 = tpu.memref_squeeze %dma_wait3A_802 : memref<1x128xi32, #tpu.memory_space<hbm>> -> memref<128xi32, #tpu.memory_space<hbm>>
    %dma_wait3A_804 = tpu.memref_slice %arg17[%dma_wait3A_798] : memref<4x!tpu.dma_semaphore, #tpu.memory_space<semaphore_mem>> -> memref<1x!tpu.dma_semaphore, #tpu.memory_space<semaphore_mem>>
    %dma_wait3A_805 = tpu.memref_squeeze %dma_wait3A_804 : memref<1x!tpu.dma_semaphore, #tpu.memory_space<semaphore_mem>> -> memref<!tpu.dma_semaphore, #tpu.memory_space<semaphore_mem>>
    %dma_wait3A_806 = tpu.memref_slice %arg5[%dma_wait3A_797, %mul3A_2] : memref<4x4096xi32, #tpu.memory_space<hbm>> -> memref<1x128xi32, #tpu.memory_space<hbm>>
    %dma_wait3A_807 = tpu.memref_squeeze %dma_wait3A_806 : memref<1x128xi32, #tpu.memory_space<hbm>> -> memref<128xi32, #tpu.memory_space<hbm>>
    %dma_wait3A_808 = arith.constant 0 : i32
    %dma_wait3A_809 = tpu.memref_slice %arg12[%dma_wait3A_796, %dma_wait3A_808] : memref<4x128xi32, #tpu.memory_space<vmem>> -> memref<1x128xi32, #tpu.memory_space<vmem>>
    %dma_wait3A_810 = tpu.memref_squeeze %dma_wait3A_809 : memref<1x128xi32, #tpu.memory_space<vmem>> -> memref<128xi32, #tpu.memory_space<vmem>>
    tpu.wait_dma2 semaphore(%dma_wait3A_805 : memref<!tpu.dma_semaphore, #tpu.memory_space<semaphore_mem>>) src(%dma_wait3A_810 : memref<128xi32, #tpu.memory_space<vmem>>) dst(%dma_wait3A_807 : memref<128xi32, #tpu.memory_space<hbm>>)
    %dma_wait3A_811 = arith.constant 3 : i32
    %dma_wait3A_812 = arith.constant 3 : i32
    %dma_wait3A_813 = arith.constant 3 : i32
    %dma_wait3A_814 = arith.constant 0 : i32
    %dma_wait3A_815 = tpu.memref_slice %arg13[%dma_wait3A_811, %dma_wait3A_814] : memref<4x128xf32, #tpu.memory_space<vmem>> -> memref<1x128xf32, #tpu.memory_space<vmem>>
    %dma_wait3A_816 = tpu.memref_squeeze %dma_wait3A_815 : memref<1x128xf32, #tpu.memory_space<vmem>> -> memref<128xf32, #tpu.memory_space<vmem>>
    %dma_wait3A_817 = tpu.memref_slice %arg7[%dma_wait3A_812, %mul3A_2] : memref<4x4096xf32, #tpu.memory_space<hbm>> -> memref<1x128xf32, #tpu.memory_space<hbm>>
    %dma_wait3A_818 = tpu.memref_squeeze %dma_wait3A_817 : memref<1x128xf32, #tpu.memory_space<hbm>> -> memref<128xf32, #tpu.memory_space<hbm>>
    %dma_wait3A_819 = tpu.memref_slice %arg17[%dma_wait3A_813] : memref<4x!tpu.dma_semaphore, #tpu.memory_space<semaphore_mem>> -> memref<1x!tpu.dma_semaphore, #tpu.memory_space<semaphore_mem>>
    %dma_wait3A_820 = tpu.memref_squeeze %dma_wait3A_819 : memref<1x!tpu.dma_semaphore, #tpu.memory_space<semaphore_mem>> -> memref<!tpu.dma_semaphore, #tpu.memory_space<semaphore_mem>>
    %dma_wait3A_821 = tpu.memref_slice %arg7[%dma_wait3A_812, %mul3A_2] : memref<4x4096xf32, #tpu.memory_space<hbm>> -> memref<1x128xf32, #tpu.memory_space<hbm>>
    %dma_wait3A_822 = tpu.memref_squeeze %dma_wait3A_821 : memref<1x128xf32, #tpu.memory_space<hbm>> -> memref<128xf32, #tpu.memory_space<hbm>>
    %dma_wait3A_823 = arith.constant 0 : i32
    %dma_wait3A_824 = tpu.memref_slice %arg13[%dma_wait3A_811, %dma_wait3A_823] : memref<4x128xf32, #tpu.memory_space<vmem>> -> memref<1x128xf32, #tpu.memory_space<vmem>>
    %dma_wait3A_825 = tpu.memref_squeeze %dma_wait3A_824 : memref<1x128xf32, #tpu.memory_space<vmem>> -> memref<128xf32, #tpu.memory_space<vmem>>
    tpu.wait_dma2 semaphore(%dma_wait3A_820 : memref<!tpu.dma_semaphore, #tpu.memory_space<semaphore_mem>>) src(%dma_wait3A_825 : memref<128xf32, #tpu.memory_space<vmem>>) dst(%dma_wait3A_822 : memref<128xf32, #tpu.memory_space<hbm>>)
    %dma_wait3A_826 = arith.constant 3 : i32
    %dma_wait3A_827 = arith.constant 3 : i32
    %dma_wait3A_828 = arith.constant 3 : i32
    %dma_wait3A_829 = arith.constant 0 : i32
    %dma_wait3A_830 = tpu.memref_slice %arg14[%dma_wait3A_826, %dma_wait3A_829] : memref<4x128xi32, #tpu.memory_space<vmem>> -> memref<1x128xi32, #tpu.memory_space<vmem>>
    %dma_wait3A_831 = tpu.memref_squeeze %dma_wait3A_830 : memref<1x128xi32, #tpu.memory_space<vmem>> -> memref<128xi32, #tpu.memory_space<vmem>>
    %dma_wait3A_832 = tpu.memref_slice %arg6[%dma_wait3A_827, %mul3A_2] : memref<4x4096xi32, #tpu.memory_space<hbm>> -> memref<1x128xi32, #tpu.memory_space<hbm>>
    %dma_wait3A_833 = tpu.memref_squeeze %dma_wait3A_832 : memref<1x128xi32, #tpu.memory_space<hbm>> -> memref<128xi32, #tpu.memory_space<hbm>>
    %dma_wait3A_834 = tpu.memref_slice %arg17[%dma_wait3A_828] : memref<4x!tpu.dma_semaphore, #tpu.memory_space<semaphore_mem>> -> memref<1x!tpu.dma_semaphore, #tpu.memory_space<semaphore_mem>>
    %dma_wait3A_835 = tpu.memref_squeeze %dma_wait3A_834 : memref<1x!tpu.dma_semaphore, #tpu.memory_space<semaphore_mem>> -> memref<!tpu.dma_semaphore, #tpu.memory_space<semaphore_mem>>
    %dma_wait3A_836 = tpu.memref_slice %arg6[%dma_wait3A_827, %mul3A_2] : memref<4x4096xi32, #tpu.memory_space<hbm>> -> memref<1x128xi32, #tpu.memory_space<hbm>>
    %dma_wait3A_837 = tpu.memref_squeeze %dma_wait3A_836 : memref<1x128xi32, #tpu.memory_space<hbm>> -> memref<128xi32, #tpu.memory_space<hbm>>
    %dma_wait3A_838 = arith.constant 0 : i32
    %dma_wait3A_839 = tpu.memref_slice %arg14[%dma_wait3A_826, %dma_wait3A_838] : memref<4x128xi32, #tpu.memory_space<vmem>> -> memref<1x128xi32, #tpu.memory_space<vmem>>
    %dma_wait3A_840 = tpu.memref_squeeze %dma_wait3A_839 : memref<1x128xi32, #tpu.memory_space<vmem>> -> memref<128xi32, #tpu.memory_space<vmem>>
    tpu.wait_dma2 semaphore(%dma_wait3A_835 : memref<!tpu.dma_semaphore, #tpu.memory_space<semaphore_mem>>) src(%dma_wait3A_840 : memref<128xi32, #tpu.memory_space<vmem>>) dst(%dma_wait3A_837 : memref<128xi32, #tpu.memory_space<hbm>>)
    %dma_wait3A_841 = arith.constant 3 : i32
    %dma_wait3A_842 = arith.constant 3 : i32
    %dma_wait3A_843 = arith.constant 3 : i32
    %dma_wait3A_844 = arith.constant 0 : i32
    %dma_wait3A_845 = tpu.memref_slice %arg15[%dma_wait3A_841, %dma_wait3A_844] : memref<4x128xf32, #tpu.memory_space<vmem>> -> memref<1x128xf32, #tpu.memory_space<vmem>>
    %dma_wait3A_846 = tpu.memref_squeeze %dma_wait3A_845 : memref<1x128xf32, #tpu.memory_space<vmem>> -> memref<128xf32, #tpu.memory_space<vmem>>
    %dma_wait3A_847 = tpu.memref_slice %arg8[%dma_wait3A_842, %mul3A_2] : memref<4x4096xf32, #tpu.memory_space<hbm>> -> memref<1x128xf32, #tpu.memory_space<hbm>>
    %dma_wait3A_848 = tpu.memref_squeeze %dma_wait3A_847 : memref<1x128xf32, #tpu.memory_space<hbm>> -> memref<128xf32, #tpu.memory_space<hbm>>
    %dma_wait3A_849 = tpu.memref_slice %arg17[%dma_wait3A_843] : memref<4x!tpu.dma_semaphore, #tpu.memory_space<semaphore_mem>> -> memref<1x!tpu.dma_semaphore, #tpu.memory_space<semaphore_mem>>
    %dma_wait3A_850 = tpu.memref_squeeze %dma_wait3A_849 : memref<1x!tpu.dma_semaphore, #tpu.memory_space<semaphore_mem>> -> memref<!tpu.dma_semaphore, #tpu.memory_space<semaphore_mem>>
    %dma_wait3A_851 = tpu.memref_slice %arg8[%dma_wait3A_842, %mul3A_2] : memref<4x4096xf32, #tpu.memory_space<hbm>> -> memref<1x128xf32, #tpu.memory_space<hbm>>
    %dma_wait3A_852 = tpu.memref_squeeze %dma_wait3A_851 : memref<1x128xf32, #tpu.memory_space<hbm>> -> memref<128xf32, #tpu.memory_space<hbm>>
    %dma_wait3A_853 = arith.constant 0 : i32
    %dma_wait3A_854 = tpu.memref_slice %arg15[%dma_wait3A_841, %dma_wait3A_853] : memref<4x128xf32, #tpu.memory_space<vmem>> -> memref<1x128xf32, #tpu.memory_space<vmem>>
    %dma_wait3A_855 = tpu.memref_squeeze %dma_wait3A_854 : memref<1x128xf32, #tpu.memory_space<vmem>> -> memref<128xf32, #tpu.memory_space<vmem>>
    tpu.wait_dma2 semaphore(%dma_wait3A_850 : memref<!tpu.dma_semaphore, #tpu.memory_space<semaphore_mem>>) src(%dma_wait3A_855 : memref<128xf32, #tpu.memory_space<vmem>>) dst(%dma_wait3A_852 : memref<128xf32, #tpu.memory_space<hbm>>)
    return
  }
}

module attributes {stable_mosaic.version = 14 : i64} {
  func.func @_argmax_body(%arg0: i32, %arg1: i32, %arg2: memref<1x1024x256xbf16, #tpu.memory_space<vmem>>, %arg3: memref<1x256x4096xbf16, #tpu.memory_space<vmem>>, %arg4: memref<1x1024x1xf32, #tpu.memory_space<vmem>>, %arg5: memref<1x1x4096xf32, #tpu.memory_space<vmem>>, %arg6: memref<1x1x1xf32, #tpu.memory_space<vmem>>, %arg7: memref<1x1x1xf32, #tpu.memory_space<vmem>>, %arg8: memref<1x1024x1xi32, #tpu.memory_space<vmem>>, %arg9: memref<1x1024x1xf32, #tpu.memory_space<vmem>>, %arg10: memref<1x1x4096xi32, #tpu.memory_space<vmem>>, %arg11: memref<1x4096xf32, #tpu.memory_space<vmem>>, %arg12: memref<1x4096xi32, #tpu.memory_space<vmem>>) attributes {dimension_semantics = [#tpu.dimension_semantics<arbitrary>, #tpu.dimension_semantics<arbitrary>], iteration_bounds = array<i64: 4, 4>, scalar_prefetch = 0 : i64, scratch_operands = 2 : i64, tpu.core_type = #tpu.core_type<tc>, window_params = [{transform_indices = @transform_0, window_bounds = array<i64: 1, 1024, 256>}, {transform_indices = @transform_1, window_bounds = array<i64: 1, 256, 4096>}, {transform_indices = @transform_2, window_bounds = array<i64: 1, 1024, 1>}, {transform_indices = @transform_3, window_bounds = array<i64: 1, 1, 4096>}, {transform_indices = @transform_4, window_bounds = array<i64: 1, 1, 1>}, {transform_indices = @transform_5, window_bounds = array<i64: 1, 1, 1>}, {transform_indices = @transform_6, window_bounds = array<i64: 1, 1024, 1>}, {transform_indices = @transform_7, window_bounds = array<i64: 1, 1024, 1>}, {transform_indices = @transform_8, window_bounds = array<i64: 1, 1, 4096>}]} {
    %get3A = arith.constant 0 : index
    %get3A_0 = arith.constant 0 : index
    %get3A_1 = arith.constant 0 : index
    %get3A_2 = vector.load %arg2[%get3A, %get3A_0, %get3A_1] : memref<1x1024x256xbf16, #tpu.memory_space<vmem>>, vector<1x1024x256xbf16>
    %get3A_3 = vector.shape_cast %get3A_2 : vector<1x1024x256xbf16> to vector<1024x256xbf16>
    %get3A_4 = arith.constant 0 : index
    %get3A_5 = arith.constant 0 : index
    %get3A_6 = arith.constant 0 : index
    %get3A_7 = vector.load %arg6[%get3A_4, %get3A_5, %get3A_6] : memref<1x1x1xf32, #tpu.memory_space<vmem>>, vector<1x1x1xf32>
    %get3A_8 = vector.shape_cast %get3A_7 : vector<1x1x1xf32> to vector<1x1xf32>
    %get3A_9 = arith.constant 0 : index
    %get3A_10 = arith.constant 0 : index
    %get3A_11 = arith.constant 0 : index
    %get3A_12 = vector.load %arg7[%get3A_9, %get3A_10, %get3A_11] : memref<1x1x1xf32, #tpu.memory_space<vmem>>, vector<1x1x1xf32>
    %get3A_13 = vector.shape_cast %get3A_12 : vector<1x1x1xf32> to vector<1x1xf32>
    %get3A_14 = arith.constant 0 : index
    %get3A_15 = arith.constant 0 : index
    %get3A_16 = arith.constant 0 : index
    %get3A_17 = vector.load %arg4[%get3A_14, %get3A_15, %get3A_16] : memref<1x1024x1xf32, #tpu.memory_space<vmem>>, vector<1x1024x1xf32>
    %get3A_18 = vector.shape_cast %get3A_17 : vector<1x1024x1xf32> to vector<1024x1xf32>
    %sub3A = vector.broadcast %get3A_8 : vector<1x1xf32> to vector<1024x1xf32>
    %sub3A_19 = arith.subf %get3A_18, %sub3A : vector<1024x1xf32>
    %mul3A = arith.constant 5.000000e-01 : f32
    %mul3A_20 = vector.broadcast %mul3A : f32 to vector<1024x1xf32>
    %mul3A_21 = arith.mulf %sub3A_19, %mul3A_20 : vector<1024x1xf32>
    %get3A_22 = arith.constant 0 : index
    %get3A_23 = arith.constant 0 : index
    %get3A_24 = arith.constant 0 : index
    %get3A_25 = vector.load %arg5[%get3A_22, %get3A_23, %get3A_24] : memref<1x1x4096xf32, #tpu.memory_space<vmem>>, vector<1x1x4096xf32>
    %get3A_26 = vector.shape_cast %get3A_25 : vector<1x1x4096xf32> to vector<1x4096xf32>
    %sub3A_27 = vector.broadcast %get3A_13 : vector<1x1xf32> to vector<1x4096xf32>
    %sub3A_28 = arith.subf %get3A_26, %sub3A_27 : vector<1x4096xf32>
    %mul3A_29 = arith.constant 5.000000e-01 : f32
    %mul3A_30 = vector.broadcast %mul3A_29 : f32 to vector<1x4096xf32>
    %mul3A_31 = arith.mulf %sub3A_28, %mul3A_30 : vector<1x4096xf32>
    %add3A = vector.broadcast %get3A_13 : vector<1x1xf32> to vector<1024x1xf32>
    %add3A_32 = arith.addf %get3A_18, %add3A : vector<1024x1xf32>
    %eq3A = arith.constant 0 : i32
    %eq3A_33 = arith.cmpi eq, %arg1, %eq3A : i32
    %convert_element_type3A = arith.extui %eq3A_33 : i1 to i32
    %cond3A = arith.constant 0 : i32
    %cond3A_34 = arith.cmpi ne, %convert_element_type3A, %cond3A : i32
    scf.if %cond3A_34 {
      %broadcast_in_dim3A_94 = arith.constant 0xFF800000 : f32
      %broadcast_in_dim3A_95 = vector.broadcast %broadcast_in_dim3A_94 : f32 to vector<1x4096xf32>
      %swap3A_96 = arith.constant 0 : index
      %swap3A_97 = arith.constant 0 : index
      %swap3A_98 = vector.load %arg11[%swap3A_96, %swap3A_97] : memref<1x4096xf32, #tpu.memory_space<vmem>>, vector<1x4096xf32>
      tpu.vector_store %arg11[%swap3A_96, %swap3A_97], %broadcast_in_dim3A_95 {strides = array<i32>} : memref<1x4096xf32, #tpu.memory_space<vmem>>, vector<1x4096xf32>,
      %broadcast_in_dim3A_99 = arith.constant 0 : i32
      %broadcast_in_dim3A_100 = vector.broadcast %broadcast_in_dim3A_99 : i32 to vector<1x4096xi32>
      %swap3A_101 = arith.constant 0 : index
      %swap3A_102 = arith.constant 0 : index
      %swap3A_103 = vector.load %arg12[%swap3A_101, %swap3A_102] : memref<1x4096xi32, #tpu.memory_space<vmem>>, vector<1x4096xi32>
      tpu.vector_store %arg12[%swap3A_101, %swap3A_102], %broadcast_in_dim3A_100 {strides = array<i32>} : memref<1x4096xi32, #tpu.memory_space<vmem>>, vector<1x4096xi32>,
    } else {
    }
    %get3A_35 = arith.constant 0 : index
    %get3A_36 = arith.constant 0 : index
    %get3A_37 = arith.constant 0 : index
    %get3A_38 = vector.load %arg3[%get3A_35, %get3A_36, %get3A_37] : memref<1x256x4096xbf16, #tpu.memory_space<vmem>>, vector<1x256x4096xbf16>
    %get3A_39 = vector.shape_cast %get3A_38 : vector<1x256x4096xbf16> to vector<256x4096xbf16>
    %dot_general3A = arith.constant dense<0.000000e+00> : vector<1024x4096xf32>
    %dot_general3A_40 = tpu.matmul %get3A_3, %get3A_39, %dot_general3A {dimension_numbers = #tpu.dot_dimension_numbers<[1], [0], [0], [1], [0, 0, 1, 1], [], []>, transpose_lhs_hint = false} : vector<1024x256xbf16>, vector<256x4096xbf16>, vector<1024x4096xf32> -> vector<1024x4096xf32>
    %sub3A_41 = vector.broadcast %mul3A_31 : vector<1x4096xf32> to vector<1024x4096xf32>
    %sub3A_42 = arith.subf %dot_general3A_40, %sub3A_41 : vector<1024x4096xf32>
    %reduce_max3A = arith.constant dense<0xFF800000> : vector<1024xf32>
    %reduce_max3A_43 = vector.multi_reduction <maximumf>, %sub3A_42, %reduce_max3A [1] : vector<1024x4096xf32> to vector<1024xf32>
    %broadcast_in_dim3A = vector.shape_cast %reduce_max3A_43 : vector<1024xf32> to vector<1024x1xf32>
    %argmax3A = tpu.reduce_index %sub3A_42 {axis = 1 : i32, kind = #tpu.reduction_kind<arg_max>} : vector<1024x4096xf32> -> vector<1024xi32>
    %broadcast_in_dim3A_44 = vector.shape_cast %argmax3A : vector<1024xi32> to vector<1024x1xi32>
    %swap3A = arith.constant 0 : index
    %swap3A_45 = arith.constant 0 : index
    %swap3A_46 = arith.constant 0 : index
    %swap3A_47 = vector.load %arg8[%swap3A, %swap3A_45, %swap3A_46] : memref<1x1024x1xi32, #tpu.memory_space<vmem>>, vector<1x1024x1xi32>
    %swap3A_48 = vector.shape_cast %swap3A_47 : vector<1x1024x1xi32> to vector<1024x1xi32>
    %swap3A_49 = vector.shape_cast %broadcast_in_dim3A_44 : vector<1024x1xi32> to vector<1x1024x1xi32>
    tpu.vector_store %arg8[%swap3A, %swap3A_45, %swap3A_46], %swap3A_49 {strides = array<i32>} : memref<1x1024x1xi32, #tpu.memory_space<vmem>>, vector<1x1024x1xi32>,
    %add3A_50 = arith.addf %broadcast_in_dim3A, %broadcast_in_dim3A : vector<1024x1xf32>
    %sub3A_51 = arith.subf %add3A_50, %add3A_32 : vector<1024x1xf32>
    %exp3A = math.exp %sub3A_51 : vector<1024x1xf32>
    %swap3A_52 = arith.constant 0 : index
    %swap3A_53 = arith.constant 0 : index
    %swap3A_54 = arith.constant 0 : index
    %swap3A_55 = vector.load %arg9[%swap3A_52, %swap3A_53, %swap3A_54] : memref<1x1024x1xf32, #tpu.memory_space<vmem>>, vector<1x1024x1xf32>
    %swap3A_56 = vector.shape_cast %swap3A_55 : vector<1x1024x1xf32> to vector<1024x1xf32>
    %swap3A_57 = vector.shape_cast %exp3A : vector<1024x1xf32> to vector<1x1024x1xf32>
    tpu.vector_store %arg9[%swap3A_52, %swap3A_53, %swap3A_54], %swap3A_57 {strides = array<i32>} : memref<1x1024x1xf32, #tpu.memory_space<vmem>>, vector<1x1024x1xf32>,
    %sub3A_58 = vector.broadcast %mul3A_21 : vector<1024x1xf32> to vector<1024x4096xf32>
    %sub3A_59 = arith.subf %sub3A_42, %sub3A_58 : vector<1024x4096xf32>
    %reduce_max3A_60 = arith.constant dense<0xFF800000> : vector<4096xf32>
    %reduce_max3A_61 = vector.multi_reduction <maximumf>, %sub3A_59, %reduce_max3A_60 [0] : vector<1024x4096xf32> to vector<4096xf32>
    %broadcast_in_dim3A_62 = vector.shape_cast %reduce_max3A_61 : vector<4096xf32> to vector<1x4096xf32>
    %argmax3A_63 = tpu.reduce_index %sub3A_59 {axis = 0 : i32, kind = #tpu.reduction_kind<arg_max>} : vector<1024x4096xf32> -> vector<4096xi32>
    %mul3A_64 = arith.constant 1024 : i32
    %mul3A_65 = arith.muli %arg1, %mul3A_64 : i32
    %add3A_66 = vector.broadcast %mul3A_65 : i32 to vector<4096xi32>
    %add3A_67 = arith.addi %argmax3A_63, %add3A_66 : vector<4096xi32>
    %broadcast_in_dim3A_68 = vector.shape_cast %add3A_67 : vector<4096xi32> to vector<1x4096xi32>
    %get3A_69 = arith.constant 0 : index
    %get3A_70 = arith.constant 0 : index
    %get3A_71 = vector.load %arg11[%get3A_69, %get3A_70] : memref<1x4096xf32, #tpu.memory_space<vmem>>, vector<1x4096xf32>
    %gt3A = arith.cmpf ogt, %broadcast_in_dim3A_62, %get3A_71 : vector<1x4096xf32>
    %get3A_72 = arith.constant 0 : index
    %get3A_73 = arith.constant 0 : index
    %get3A_74 = vector.load %arg11[%get3A_72, %get3A_73] : memref<1x4096xf32, #tpu.memory_space<vmem>>, vector<1x4096xf32>
    %select_n3A = arith.select %gt3A, %broadcast_in_dim3A_62, %get3A_74 : vector<1x4096xi1>, vector<1x4096xf32>
    %swap3A_75 = arith.constant 0 : index
    %swap3A_76 = arith.constant 0 : index
    %swap3A_77 = vector.load %arg11[%swap3A_75, %swap3A_76] : memref<1x4096xf32, #tpu.memory_space<vmem>>, vector<1x4096xf32>
    tpu.vector_store %arg11[%swap3A_75, %swap3A_76], %select_n3A {strides = array<i32>} : memref<1x4096xf32, #tpu.memory_space<vmem>>, vector<1x4096xf32>,
    %get3A_78 = arith.constant 0 : index
    %get3A_79 = arith.constant 0 : index
    %get3A_80 = vector.load %arg12[%get3A_78, %get3A_79] : memref<1x4096xi32, #tpu.memory_space<vmem>>, vector<1x4096xi32>
    %select_n3A_81 = arith.select %gt3A, %broadcast_in_dim3A_68, %get3A_80 : vector<1x4096xi1>, vector<1x4096xi32>
    %swap3A_82 = arith.constant 0 : index
    %swap3A_83 = arith.constant 0 : index
    %swap3A_84 = vector.load %arg12[%swap3A_82, %swap3A_83] : memref<1x4096xi32, #tpu.memory_space<vmem>>, vector<1x4096xi32>
    tpu.vector_store %arg12[%swap3A_82, %swap3A_83], %select_n3A_81 {strides = array<i32>} : memref<1x4096xi32, #tpu.memory_space<vmem>>, vector<1x4096xi32>,
    %get3A_85 = arith.constant 0 : index
    %get3A_86 = arith.constant 0 : index
    %get3A_87 = vector.load %arg12[%get3A_85, %get3A_86] : memref<1x4096xi32, #tpu.memory_space<vmem>>, vector<1x4096xi32>
    %swap3A_88 = arith.constant 0 : index
    %swap3A_89 = arith.constant 0 : index
    %swap3A_90 = arith.constant 0 : index
    %swap3A_91 = vector.load %arg10[%swap3A_88, %swap3A_89, %swap3A_90] : memref<1x1x4096xi32, #tpu.memory_space<vmem>>, vector<1x1x4096xi32>
    %swap3A_92 = vector.shape_cast %swap3A_91 : vector<1x1x4096xi32> to vector<1x4096xi32>
    %swap3A_93 = vector.shape_cast %get3A_87 : vector<1x4096xi32> to vector<1x1x4096xi32>
    tpu.vector_store %arg10[%swap3A_88, %swap3A_89, %swap3A_90], %swap3A_93 {strides = array<i32>} : memref<1x1x4096xi32, #tpu.memory_space<vmem>>, vector<1x1x4096xi32>,
    return
  }
  func.func @transform_0(%arg0: i32, %arg1: i32) -> (i32, i32, i32) {
    %c0_i32 = arith.constant 0 : i32
    %c0_i32_0 = arith.constant 0 : i32
    return %arg0, %arg1, %c0_i32 : i32, i32, i32
  }
  func.func @transform_1(%arg0: i32, %arg1: i32) -> (i32, i32, i32) {
    %c0_i32 = arith.constant 0 : i32
    %c0_i32_0 = arith.constant 0 : i32
    %c0_i32_1 = arith.constant 0 : i32
    return %arg0, %c0_i32, %c0_i32_0 : i32, i32, i32
  }
  func.func @transform_2(%arg0: i32, %arg1: i32) -> (i32, i32, i32) {
    %mul3A = arith.constant 4 : i32
    %mul3A_0 = arith.muli %arg0, %mul3A : i32
    %add3A = arith.addi %mul3A_0, %arg1 : i32
    %c0_i32 = arith.constant 0 : i32
    %c0_i32_1 = arith.constant 0 : i32
    %c0_i32_2 = arith.constant 0 : i32
    return %add3A, %c0_i32, %c0_i32_1 : i32, i32, i32
  }
  func.func @transform_3(%arg0: i32, %arg1: i32) -> (i32, i32, i32) {
    %c0_i32 = arith.constant 0 : i32
    %c0_i32_0 = arith.constant 0 : i32
    %c0_i32_1 = arith.constant 0 : i32
    return %arg0, %c0_i32, %c0_i32_0 : i32, i32, i32
  }
  func.func @transform_4(%arg0: i32, %arg1: i32) -> (i32, i32, i32) {
    %c0_i32 = arith.constant 0 : i32
    %c0_i32_0 = arith.constant 0 : i32
    %c0_i32_1 = arith.constant 0 : i32
    return %arg0, %c0_i32, %c0_i32_0 : i32, i32, i32
  }
  func.func @transform_5(%arg0: i32, %arg1: i32) -> (i32, i32, i32) {
    %c0_i32 = arith.constant 0 : i32
    %c0_i32_0 = arith.constant 0 : i32
    %c0_i32_1 = arith.constant 0 : i32
    return %arg0, %c0_i32, %c0_i32_0 : i32, i32, i32
  }
  func.func @transform_6(%arg0: i32, %arg1: i32) -> (i32, i32, i32) {
    %mul3A = arith.constant 4 : i32
    %mul3A_0 = arith.muli %arg0, %mul3A : i32
    %add3A = arith.addi %mul3A_0, %arg1 : i32
    %c0_i32 = arith.constant 0 : i32
    %c0_i32_1 = arith.constant 0 : i32
    %c0_i32_2 = arith.constant 0 : i32
    return %add3A, %c0_i32, %c0_i32_1 : i32, i32, i32
  }
  func.func @transform_7(%arg0: i32, %arg1: i32) -> (i32, i32, i32) {
    %mul3A = arith.constant 4 : i32
    %mul3A_0 = arith.muli %arg0, %mul3A : i32
    %add3A = arith.addi %mul3A_0, %arg1 : i32
    %c0_i32 = arith.constant 0 : i32
    %c0_i32_1 = arith.constant 0 : i32
    %c0_i32_2 = arith.constant 0 : i32
    return %add3A, %c0_i32, %c0_i32_1 : i32, i32, i32
  }
  func.func @transform_8(%arg0: i32, %arg1: i32) -> (i32, i32, i32) {
    %c0_i32 = arith.constant 0 : i32
    %c0_i32_0 = arith.constant 0 : i32
    %c0_i32_1 = arith.constant 0 : i32
    return %arg0, %c0_i32, %c0_i32_0 : i32, i32, i32
  }
}

module attributes {stable_mosaic.version = 14 : i64} {
  func.func @_stats_body(%arg0: i32, %arg1: i32, %arg2: memref<1x1024x256xbf16, #tpu.memory_space<vmem>>, %arg3: memref<1x256x4096xbf16, #tpu.memory_space<vmem>>, %arg4: memref<1x1024x1xf32, #tpu.memory_space<vmem>>, %arg5: memref<1x1x4096xf32, #tpu.memory_space<vmem>>, %arg6: memref<1x1x1xf32, #tpu.memory_space<vmem>>, %arg7: memref<1x1x1xf32, #tpu.memory_space<vmem>>, %arg8: memref<1x4096xf32, #tpu.memory_space<vmem>>, %arg9: memref<1x4096xf32, #tpu.memory_space<vmem>>, %arg10: memref<1x1xf32, #tpu.memory_space<vmem>>) attributes {dimension_semantics = [#tpu.dimension_semantics<arbitrary>, #tpu.dimension_semantics<arbitrary>], iteration_bounds = array<i64: 4, 4>, scalar_prefetch = 0 : i64, scratch_operands = 3 : i64, tpu.core_type = #tpu.core_type<tc>, window_params = [{transform_indices = @transform_0, window_bounds = array<i64: 1, 1024, 256>}, {transform_indices = @transform_1, window_bounds = array<i64: 1, 256, 4096>}, {transform_indices = @transform_2, window_bounds = array<i64: 1, 1024, 1>}, {transform_indices = @transform_3, window_bounds = array<i64: 1, 1, 4096>}, {transform_indices = @transform_4, window_bounds = array<i64: 1, 1, 1>}, {transform_indices = @transform_5, window_bounds = array<i64: 1, 1, 1>}]} {
    %get3A = arith.constant 0 : index
    %get3A_0 = arith.constant 0 : index
    %get3A_1 = arith.constant 0 : index
    %get3A_2 = vector.load %arg2[%get3A, %get3A_0, %get3A_1] : memref<1x1024x256xbf16, #tpu.memory_space<vmem>>, vector<1x1024x256xbf16>
    %get3A_3 = vector.shape_cast %get3A_2 : vector<1x1024x256xbf16> to vector<1024x256xbf16>
    %eq3A = arith.constant 0 : i32
    %eq3A_4 = arith.cmpi eq, %arg1, %eq3A : i32
    %convert_element_type3A = arith.extui %eq3A_4 : i1 to i32
    %cond3A = arith.constant 0 : i32
    %cond3A_5 = arith.cmpi ne, %convert_element_type3A, %cond3A : i32
    scf.if %cond3A_5 {
      %broadcast_in_dim3A_254 = arith.constant 0xFF800000 : f32
      %broadcast_in_dim3A_255 = vector.broadcast %broadcast_in_dim3A_254 : f32 to vector<1x4096xf32>
      %swap3A_256 = arith.constant 0 : index
      %swap3A_257 = arith.constant 0 : index
      %swap3A_258 = vector.load %arg8[%swap3A_256, %swap3A_257] : memref<1x4096xf32, #tpu.memory_space<vmem>>, vector<1x4096xf32>
      tpu.vector_store %arg8[%swap3A_256, %swap3A_257], %broadcast_in_dim3A_255 {strides = array<i32>} : memref<1x4096xf32, #tpu.memory_space<vmem>>, vector<1x4096xf32>,
      %broadcast_in_dim3A_259 = arith.constant 0.000000e+00 : f32
      %broadcast_in_dim3A_260 = vector.broadcast %broadcast_in_dim3A_259 : f32 to vector<1x4096xf32>
      %swap3A_261 = arith.constant 0 : index
      %swap3A_262 = arith.constant 0 : index
      %swap3A_263 = vector.load %arg9[%swap3A_261, %swap3A_262] : memref<1x4096xf32, #tpu.memory_space<vmem>>, vector<1x4096xf32>
      tpu.vector_store %arg9[%swap3A_261, %swap3A_262], %broadcast_in_dim3A_260 {strides = array<i32>} : memref<1x4096xf32, #tpu.memory_space<vmem>>, vector<1x4096xf32>,
      %broadcast_in_dim3A_264 = arith.constant 0.000000e+00 : f32
      %broadcast_in_dim3A_265 = vector.broadcast %broadcast_in_dim3A_264 : f32 to vector<1x1xf32>
      %swap3A_266 = arith.constant 0 : index
      %swap3A_267 = arith.constant 0 : index
      %swap3A_268 = vector.load %arg10[%swap3A_266, %swap3A_267] : memref<1x1xf32, #tpu.memory_space<vmem>>, vector<1x1xf32>
      tpu.vector_store %arg10[%swap3A_266, %swap3A_267], %broadcast_in_dim3A_265 {strides = array<i32>} : memref<1x1xf32, #tpu.memory_space<vmem>>, vector<1x1xf32>,
    } else {
    }
    %get3A_6 = arith.constant 0 : index
    %get3A_7 = arith.constant 0 : index
    %get3A_8 = arith.constant 0 : index
    %get3A_9 = vector.load %arg3[%get3A_6, %get3A_7, %get3A_8] : memref<1x256x4096xbf16, #tpu.memory_space<vmem>>, vector<1x256x1024xbf16>
    %get3A_10 = vector.shape_cast %get3A_9 : vector<1x256x1024xbf16> to vector<256x1024xbf16>
    %dot_general3A = arith.constant dense<0.000000e+00> : vector<1024x1024xf32>
    %dot_general3A_11 = tpu.matmul %get3A_3, %get3A_10, %dot_general3A {dimension_numbers = #tpu.dot_dimension_numbers<[1], [0], [0], [1], [0, 0, 1, 1], [], []>, transpose_lhs_hint = false} : vector<1024x256xbf16>, vector<256x1024xbf16>, vector<1024x1024xf32> -> vector<1024x1024xf32>
    %reduce_max3A = arith.constant dense<0xFF800000> : vector<1024xf32>
    %reduce_max3A_12 = vector.multi_reduction <maximumf>, %dot_general3A_11, %reduce_max3A [1] : vector<1024x1024xf32> to vector<1024xf32>
    %broadcast_in_dim3A = vector.shape_cast %reduce_max3A_12 : vector<1024xf32> to vector<1024x1xf32>
    %sub3A = vector.broadcast %broadcast_in_dim3A : vector<1024x1xf32> to vector<1024x1024xf32>
    %sub3A_13 = arith.subf %dot_general3A_11, %sub3A : vector<1024x1024xf32>
    %exp3A = math.exp %sub3A_13 : vector<1024x1024xf32>
    %reduce_sum3A = arith.constant dense<0.000000e+00> : vector<1024xf32>
    %reduce_sum3A_14 = vector.multi_reduction <add>, %exp3A, %reduce_sum3A [1] : vector<1024x1024xf32> to vector<1024xf32>
    %broadcast_in_dim3A_15 = vector.shape_cast %reduce_sum3A_14 : vector<1024xf32> to vector<1024x1xf32>
    %reduce_max3A_16 = arith.constant dense<0xFF800000> : vector<1024xf32>
    %reduce_max3A_17 = vector.multi_reduction <maximumf>, %dot_general3A_11, %reduce_max3A_16 [0] : vector<1024x1024xf32> to vector<1024xf32>
    %broadcast_in_dim3A_18 = vector.shape_cast %reduce_max3A_17 : vector<1024xf32> to vector<1x1024xf32>
    %get3A_19 = arith.constant 0 : index
    %get3A_20 = arith.constant 0 : index
    %get3A_21 = vector.load %arg8[%get3A_19, %get3A_20] : memref<1x4096xf32, #tpu.memory_space<vmem>>, vector<1x1024xf32>
    %max3A = arith.maximumf %get3A_21, %broadcast_in_dim3A_18 : vector<1x1024xf32>
    %get3A_22 = arith.constant 0 : index
    %get3A_23 = arith.constant 0 : index
    %get3A_24 = vector.load %arg9[%get3A_22, %get3A_23] : memref<1x4096xf32, #tpu.memory_space<vmem>>, vector<1x1024xf32>
    %sub3A_25 = arith.subf %get3A_21, %max3A : vector<1x1024xf32>
    %exp3A_26 = math.exp %sub3A_25 : vector<1x1024xf32>
    %mul3A = arith.mulf %get3A_24, %exp3A_26 : vector<1x1024xf32>
    %sub3A_27 = vector.broadcast %max3A : vector<1x1024xf32> to vector<1024x1024xf32>
    %sub3A_28 = arith.subf %dot_general3A_11, %sub3A_27 : vector<1024x1024xf32>
    %exp3A_29 = math.exp %sub3A_28 : vector<1024x1024xf32>
    %reduce_sum3A_30 = arith.constant dense<0.000000e+00> : vector<1024xf32>
    %reduce_sum3A_31 = vector.multi_reduction <add>, %exp3A_29, %reduce_sum3A_30 [0] : vector<1024x1024xf32> to vector<1024xf32>
    %broadcast_in_dim3A_32 = vector.shape_cast %reduce_sum3A_31 : vector<1024xf32> to vector<1x1024xf32>
    %add3A = arith.addf %mul3A, %broadcast_in_dim3A_32 : vector<1x1024xf32>
    %swap3A = arith.constant 0 : index
    %swap3A_33 = arith.constant 0 : index
    %swap3A_34 = vector.load %arg9[%swap3A, %swap3A_33] : memref<1x4096xf32, #tpu.memory_space<vmem>>, vector<1x1024xf32>
    tpu.vector_store %arg9[%swap3A, %swap3A_33], %add3A {strides = array<i32>} : memref<1x4096xf32, #tpu.memory_space<vmem>>, vector<1x1024xf32>,
    %swap3A_35 = arith.constant 0 : index
    %swap3A_36 = arith.constant 0 : index
    %swap3A_37 = vector.load %arg8[%swap3A_35, %swap3A_36] : memref<1x4096xf32, #tpu.memory_space<vmem>>, vector<1x1024xf32>
    tpu.vector_store %arg8[%swap3A_35, %swap3A_36], %max3A {strides = array<i32>} : memref<1x4096xf32, #tpu.memory_space<vmem>>, vector<1x1024xf32>,
    %get3A_38 = arith.constant 0 : index
    %get3A_39 = arith.constant 0 : index
    %get3A_40 = vector.load %arg9[%get3A_38, %get3A_39] : memref<1x4096xf32, #tpu.memory_space<vmem>>, vector<1x1024xf32>
    %log3A = math.log %get3A_40 : vector<1x1024xf32>
    %add3A_41 = arith.addf %max3A, %log3A : vector<1x1024xf32>
    %swap3A_42 = arith.constant 0 : index
    %swap3A_43 = arith.constant 0 : index
    %swap3A_44 = arith.constant 0 : index
    %swap3A_45 = vector.load %arg5[%swap3A_42, %swap3A_43, %swap3A_44] : memref<1x1x4096xf32, #tpu.memory_space<vmem>>, vector<1x1x1024xf32>
    %swap3A_46 = vector.shape_cast %swap3A_45 : vector<1x1x1024xf32> to vector<1x1024xf32>
    %swap3A_47 = vector.shape_cast %add3A_41 : vector<1x1024xf32> to vector<1x1x1024xf32>
    tpu.vector_store %arg5[%swap3A_42, %swap3A_43, %swap3A_44], %swap3A_47 {strides = array<i32>} : memref<1x1x4096xf32, #tpu.memory_space<vmem>>, vector<1x1x1024xf32>,
    %get3A_48 = arith.constant 0 : index
    %get3A_49 = arith.constant 0 : index
    %get3A_50 = arith.constant 1024 : index
    %get3A_51 = vector.load %arg3[%get3A_48, %get3A_49, %get3A_50] : memref<1x256x4096xbf16, #tpu.memory_space<vmem>>, vector<1x256x1024xbf16>
    %get3A_52 = vector.shape_cast %get3A_51 : vector<1x256x1024xbf16> to vector<256x1024xbf16>
    %dot_general3A_53 = arith.constant dense<0.000000e+00> : vector<1024x1024xf32>
    %dot_general3A_54 = tpu.matmul %get3A_3, %get3A_52, %dot_general3A_53 {dimension_numbers = #tpu.dot_dimension_numbers<[1], [0], [0], [1], [0, 0, 1, 1], [], []>, transpose_lhs_hint = false} : vector<1024x256xbf16>, vector<256x1024xbf16>, vector<1024x1024xf32> -> vector<1024x1024xf32>
    %reduce_max3A_55 = arith.constant dense<0xFF800000> : vector<1024xf32>
    %reduce_max3A_56 = vector.multi_reduction <maximumf>, %dot_general3A_54, %reduce_max3A_55 [1] : vector<1024x1024xf32> to vector<1024xf32>
    %broadcast_in_dim3A_57 = vector.shape_cast %reduce_max3A_56 : vector<1024xf32> to vector<1024x1xf32>
    %sub3A_58 = vector.broadcast %broadcast_in_dim3A_57 : vector<1024x1xf32> to vector<1024x1024xf32>
    %sub3A_59 = arith.subf %dot_general3A_54, %sub3A_58 : vector<1024x1024xf32>
    %exp3A_60 = math.exp %sub3A_59 : vector<1024x1024xf32>
    %reduce_sum3A_61 = arith.constant dense<0.000000e+00> : vector<1024xf32>
    %reduce_sum3A_62 = vector.multi_reduction <add>, %exp3A_60, %reduce_sum3A_61 [1] : vector<1024x1024xf32> to vector<1024xf32>
    %broadcast_in_dim3A_63 = vector.shape_cast %reduce_sum3A_62 : vector<1024xf32> to vector<1024x1xf32>
    %reduce_max3A_64 = arith.constant dense<0xFF800000> : vector<1024xf32>
    %reduce_max3A_65 = vector.multi_reduction <maximumf>, %dot_general3A_54, %reduce_max3A_64 [0] : vector<1024x1024xf32> to vector<1024xf32>
    %broadcast_in_dim3A_66 = vector.shape_cast %reduce_max3A_65 : vector<1024xf32> to vector<1x1024xf32>
    %get3A_67 = arith.constant 0 : index
    %get3A_68 = arith.constant 1024 : index
    %get3A_69 = vector.load %arg8[%get3A_67, %get3A_68] : memref<1x4096xf32, #tpu.memory_space<vmem>>, vector<1x1024xf32>
    %max3A_70 = arith.maximumf %get3A_69, %broadcast_in_dim3A_66 : vector<1x1024xf32>
    %get3A_71 = arith.constant 0 : index
    %get3A_72 = arith.constant 1024 : index
    %get3A_73 = vector.load %arg9[%get3A_71, %get3A_72] : memref<1x4096xf32, #tpu.memory_space<vmem>>, vector<1x1024xf32>
    %sub3A_74 = arith.subf %get3A_69, %max3A_70 : vector<1x1024xf32>
    %exp3A_75 = math.exp %sub3A_74 : vector<1x1024xf32>
    %mul3A_76 = arith.mulf %get3A_73, %exp3A_75 : vector<1x1024xf32>
    %sub3A_77 = vector.broadcast %max3A_70 : vector<1x1024xf32> to vector<1024x1024xf32>
    %sub3A_78 = arith.subf %dot_general3A_54, %sub3A_77 : vector<1024x1024xf32>
    %exp3A_79 = math.exp %sub3A_78 : vector<1024x1024xf32>
    %reduce_sum3A_80 = arith.constant dense<0.000000e+00> : vector<1024xf32>
    %reduce_sum3A_81 = vector.multi_reduction <add>, %exp3A_79, %reduce_sum3A_80 [0] : vector<1024x1024xf32> to vector<1024xf32>
    %broadcast_in_dim3A_82 = vector.shape_cast %reduce_sum3A_81 : vector<1024xf32> to vector<1x1024xf32>
    %add3A_83 = arith.addf %mul3A_76, %broadcast_in_dim3A_82 : vector<1x1024xf32>
    %swap3A_84 = arith.constant 0 : index
    %swap3A_85 = arith.constant 1024 : index
    %swap3A_86 = vector.load %arg9[%swap3A_84, %swap3A_85] : memref<1x4096xf32, #tpu.memory_space<vmem>>, vector<1x1024xf32>
    tpu.vector_store %arg9[%swap3A_84, %swap3A_85], %add3A_83 {strides = array<i32>} : memref<1x4096xf32, #tpu.memory_space<vmem>>, vector<1x1024xf32>,
    %swap3A_87 = arith.constant 0 : index
    %swap3A_88 = arith.constant 1024 : index
    %swap3A_89 = vector.load %arg8[%swap3A_87, %swap3A_88] : memref<1x4096xf32, #tpu.memory_space<vmem>>, vector<1x1024xf32>
    tpu.vector_store %arg8[%swap3A_87, %swap3A_88], %max3A_70 {strides = array<i32>} : memref<1x4096xf32, #tpu.memory_space<vmem>>, vector<1x1024xf32>,
    %get3A_90 = arith.constant 0 : index
    %get3A_91 = arith.constant 1024 : index
    %get3A_92 = vector.load %arg9[%get3A_90, %get3A_91] : memref<1x4096xf32, #tpu.memory_space<vmem>>, vector<1x1024xf32>
    %log3A_93 = math.log %get3A_92 : vector<1x1024xf32>
    %add3A_94 = arith.addf %max3A_70, %log3A_93 : vector<1x1024xf32>
    %swap3A_95 = arith.constant 0 : index
    %swap3A_96 = arith.constant 0 : index
    %swap3A_97 = arith.constant 1024 : index
    %swap3A_98 = vector.load %arg5[%swap3A_95, %swap3A_96, %swap3A_97] : memref<1x1x4096xf32, #tpu.memory_space<vmem>>, vector<1x1x1024xf32>
    %swap3A_99 = vector.shape_cast %swap3A_98 : vector<1x1x1024xf32> to vector<1x1024xf32>
    %swap3A_100 = vector.shape_cast %add3A_94 : vector<1x1024xf32> to vector<1x1x1024xf32>
    tpu.vector_store %arg5[%swap3A_95, %swap3A_96, %swap3A_97], %swap3A_100 {strides = array<i32>} : memref<1x1x4096xf32, #tpu.memory_space<vmem>>, vector<1x1x1024xf32>,
    %get3A_101 = arith.constant 0 : index
    %get3A_102 = arith.constant 0 : index
    %get3A_103 = arith.constant 2048 : index
    %get3A_104 = vector.load %arg3[%get3A_101, %get3A_102, %get3A_103] : memref<1x256x4096xbf16, #tpu.memory_space<vmem>>, vector<1x256x1024xbf16>
    %get3A_105 = vector.shape_cast %get3A_104 : vector<1x256x1024xbf16> to vector<256x1024xbf16>
    %dot_general3A_106 = arith.constant dense<0.000000e+00> : vector<1024x1024xf32>
    %dot_general3A_107 = tpu.matmul %get3A_3, %get3A_105, %dot_general3A_106 {dimension_numbers = #tpu.dot_dimension_numbers<[1], [0], [0], [1], [0, 0, 1, 1], [], []>, transpose_lhs_hint = false} : vector<1024x256xbf16>, vector<256x1024xbf16>, vector<1024x1024xf32> -> vector<1024x1024xf32>
    %reduce_max3A_108 = arith.constant dense<0xFF800000> : vector<1024xf32>
    %reduce_max3A_109 = vector.multi_reduction <maximumf>, %dot_general3A_107, %reduce_max3A_108 [1] : vector<1024x1024xf32> to vector<1024xf32>
    %broadcast_in_dim3A_110 = vector.shape_cast %reduce_max3A_109 : vector<1024xf32> to vector<1024x1xf32>
    %sub3A_111 = vector.broadcast %broadcast_in_dim3A_110 : vector<1024x1xf32> to vector<1024x1024xf32>
    %sub3A_112 = arith.subf %dot_general3A_107, %sub3A_111 : vector<1024x1024xf32>
    %exp3A_113 = math.exp %sub3A_112 : vector<1024x1024xf32>
    %reduce_sum3A_114 = arith.constant dense<0.000000e+00> : vector<1024xf32>
    %reduce_sum3A_115 = vector.multi_reduction <add>, %exp3A_113, %reduce_sum3A_114 [1] : vector<1024x1024xf32> to vector<1024xf32>
    %broadcast_in_dim3A_116 = vector.shape_cast %reduce_sum3A_115 : vector<1024xf32> to vector<1024x1xf32>
    %reduce_max3A_117 = arith.constant dense<0xFF800000> : vector<1024xf32>
    %reduce_max3A_118 = vector.multi_reduction <maximumf>, %dot_general3A_107, %reduce_max3A_117 [0] : vector<1024x1024xf32> to vector<1024xf32>
    %broadcast_in_dim3A_119 = vector.shape_cast %reduce_max3A_118 : vector<1024xf32> to vector<1x1024xf32>
    %get3A_120 = arith.constant 0 : index
    %get3A_121 = arith.constant 2048 : index
    %get3A_122 = vector.load %arg8[%get3A_120, %get3A_121] : memref<1x4096xf32, #tpu.memory_space<vmem>>, vector<1x1024xf32>
    %max3A_123 = arith.maximumf %get3A_122, %broadcast_in_dim3A_119 : vector<1x1024xf32>
    %get3A_124 = arith.constant 0 : index
    %get3A_125 = arith.constant 2048 : index
    %get3A_126 = vector.load %arg9[%get3A_124, %get3A_125] : memref<1x4096xf32, #tpu.memory_space<vmem>>, vector<1x1024xf32>
    %sub3A_127 = arith.subf %get3A_122, %max3A_123 : vector<1x1024xf32>
    %exp3A_128 = math.exp %sub3A_127 : vector<1x1024xf32>
    %mul3A_129 = arith.mulf %get3A_126, %exp3A_128 : vector<1x1024xf32>
    %sub3A_130 = vector.broadcast %max3A_123 : vector<1x1024xf32> to vector<1024x1024xf32>
    %sub3A_131 = arith.subf %dot_general3A_107, %sub3A_130 : vector<1024x1024xf32>
    %exp3A_132 = math.exp %sub3A_131 : vector<1024x1024xf32>
    %reduce_sum3A_133 = arith.constant dense<0.000000e+00> : vector<1024xf32>
    %reduce_sum3A_134 = vector.multi_reduction <add>, %exp3A_132, %reduce_sum3A_133 [0] : vector<1024x1024xf32> to vector<1024xf32>
    %broadcast_in_dim3A_135 = vector.shape_cast %reduce_sum3A_134 : vector<1024xf32> to vector<1x1024xf32>
    %add3A_136 = arith.addf %mul3A_129, %broadcast_in_dim3A_135 : vector<1x1024xf32>
    %swap3A_137 = arith.constant 0 : index
    %swap3A_138 = arith.constant 2048 : index
    %swap3A_139 = vector.load %arg9[%swap3A_137, %swap3A_138] : memref<1x4096xf32, #tpu.memory_space<vmem>>, vector<1x1024xf32>
    tpu.vector_store %arg9[%swap3A_137, %swap3A_138], %add3A_136 {strides = array<i32>} : memref<1x4096xf32, #tpu.memory_space<vmem>>, vector<1x1024xf32>,
    %swap3A_140 = arith.constant 0 : index
    %swap3A_141 = arith.constant 2048 : index
    %swap3A_142 = vector.load %arg8[%swap3A_140, %swap3A_141] : memref<1x4096xf32, #tpu.memory_space<vmem>>, vector<1x1024xf32>
    tpu.vector_store %arg8[%swap3A_140, %swap3A_141], %max3A_123 {strides = array<i32>} : memref<1x4096xf32, #tpu.memory_space<vmem>>, vector<1x1024xf32>,
    %get3A_143 = arith.constant 0 : index
    %get3A_144 = arith.constant 2048 : index
    %get3A_145 = vector.load %arg9[%get3A_143, %get3A_144] : memref<1x4096xf32, #tpu.memory_space<vmem>>, vector<1x1024xf32>
    %log3A_146 = math.log %get3A_145 : vector<1x1024xf32>
    %add3A_147 = arith.addf %max3A_123, %log3A_146 : vector<1x1024xf32>
    %swap3A_148 = arith.constant 0 : index
    %swap3A_149 = arith.constant 0 : index
    %swap3A_150 = arith.constant 2048 : index
    %swap3A_151 = vector.load %arg5[%swap3A_148, %swap3A_149, %swap3A_150] : memref<1x1x4096xf32, #tpu.memory_space<vmem>>, vector<1x1x1024xf32>
    %swap3A_152 = vector.shape_cast %swap3A_151 : vector<1x1x1024xf32> to vector<1x1024xf32>
    %swap3A_153 = vector.shape_cast %add3A_147 : vector<1x1024xf32> to vector<1x1x1024xf32>
    tpu.vector_store %arg5[%swap3A_148, %swap3A_149, %swap3A_150], %swap3A_153 {strides = array<i32>} : memref<1x1x4096xf32, #tpu.memory_space<vmem>>, vector<1x1x1024xf32>,
    %get3A_154 = arith.constant 0 : index
    %get3A_155 = arith.constant 0 : index
    %get3A_156 = arith.constant 3072 : index
    %get3A_157 = vector.load %arg3[%get3A_154, %get3A_155, %get3A_156] : memref<1x256x4096xbf16, #tpu.memory_space<vmem>>, vector<1x256x1024xbf16>
    %get3A_158 = vector.shape_cast %get3A_157 : vector<1x256x1024xbf16> to vector<256x1024xbf16>
    %dot_general3A_159 = arith.constant dense<0.000000e+00> : vector<1024x1024xf32>
    %dot_general3A_160 = tpu.matmul %get3A_3, %get3A_158, %dot_general3A_159 {dimension_numbers = #tpu.dot_dimension_numbers<[1], [0], [0], [1], [0, 0, 1, 1], [], []>, transpose_lhs_hint = false} : vector<1024x256xbf16>, vector<256x1024xbf16>, vector<1024x1024xf32> -> vector<1024x1024xf32>
    %reduce_max3A_161 = arith.constant dense<0xFF800000> : vector<1024xf32>
    %reduce_max3A_162 = vector.multi_reduction <maximumf>, %dot_general3A_160, %reduce_max3A_161 [1] : vector<1024x1024xf32> to vector<1024xf32>
    %broadcast_in_dim3A_163 = vector.shape_cast %reduce_max3A_162 : vector<1024xf32> to vector<1024x1xf32>
    %sub3A_164 = vector.broadcast %broadcast_in_dim3A_163 : vector<1024x1xf32> to vector<1024x1024xf32>
    %sub3A_165 = arith.subf %dot_general3A_160, %sub3A_164 : vector<1024x1024xf32>
    %exp3A_166 = math.exp %sub3A_165 : vector<1024x1024xf32>
    %reduce_sum3A_167 = arith.constant dense<0.000000e+00> : vector<1024xf32>
    %reduce_sum3A_168 = vector.multi_reduction <add>, %exp3A_166, %reduce_sum3A_167 [1] : vector<1024x1024xf32> to vector<1024xf32>
    %broadcast_in_dim3A_169 = vector.shape_cast %reduce_sum3A_168 : vector<1024xf32> to vector<1024x1xf32>
    %reduce_max3A_170 = arith.constant dense<0xFF800000> : vector<1024xf32>
    %reduce_max3A_171 = vector.multi_reduction <maximumf>, %dot_general3A_160, %reduce_max3A_170 [0] : vector<1024x1024xf32> to vector<1024xf32>
    %broadcast_in_dim3A_172 = vector.shape_cast %reduce_max3A_171 : vector<1024xf32> to vector<1x1024xf32>
    %get3A_173 = arith.constant 0 : index
    %get3A_174 = arith.constant 3072 : index
    %get3A_175 = vector.load %arg8[%get3A_173, %get3A_174] : memref<1x4096xf32, #tpu.memory_space<vmem>>, vector<1x1024xf32>
    %max3A_176 = arith.maximumf %get3A_175, %broadcast_in_dim3A_172 : vector<1x1024xf32>
    %get3A_177 = arith.constant 0 : index
    %get3A_178 = arith.constant 3072 : index
    %get3A_179 = vector.load %arg9[%get3A_177, %get3A_178] : memref<1x4096xf32, #tpu.memory_space<vmem>>, vector<1x1024xf32>
    %sub3A_180 = arith.subf %get3A_175, %max3A_176 : vector<1x1024xf32>
    %exp3A_181 = math.exp %sub3A_180 : vector<1x1024xf32>
    %mul3A_182 = arith.mulf %get3A_179, %exp3A_181 : vector<1x1024xf32>
    %sub3A_183 = vector.broadcast %max3A_176 : vector<1x1024xf32> to vector<1024x1024xf32>
    %sub3A_184 = arith.subf %dot_general3A_160, %sub3A_183 : vector<1024x1024xf32>
    %exp3A_185 = math.exp %sub3A_184 : vector<1024x1024xf32>
    %reduce_sum3A_186 = arith.constant dense<0.000000e+00> : vector<1024xf32>
    %reduce_sum3A_187 = vector.multi_reduction <add>, %exp3A_185, %reduce_sum3A_186 [0] : vector<1024x1024xf32> to vector<1024xf32>
    %broadcast_in_dim3A_188 = vector.shape_cast %reduce_sum3A_187 : vector<1024xf32> to vector<1x1024xf32>
    %add3A_189 = arith.addf %mul3A_182, %broadcast_in_dim3A_188 : vector<1x1024xf32>
    %swap3A_190 = arith.constant 0 : index
    %swap3A_191 = arith.constant 3072 : index
    %swap3A_192 = vector.load %arg9[%swap3A_190, %swap3A_191] : memref<1x4096xf32, #tpu.memory_space<vmem>>, vector<1x1024xf32>
    tpu.vector_store %arg9[%swap3A_190, %swap3A_191], %add3A_189 {strides = array<i32>} : memref<1x4096xf32, #tpu.memory_space<vmem>>, vector<1x1024xf32>,
    %swap3A_193 = arith.constant 0 : index
    %swap3A_194 = arith.constant 3072 : index
    %swap3A_195 = vector.load %arg8[%swap3A_193, %swap3A_194] : memref<1x4096xf32, #tpu.memory_space<vmem>>, vector<1x1024xf32>
    tpu.vector_store %arg8[%swap3A_193, %swap3A_194], %max3A_176 {strides = array<i32>} : memref<1x4096xf32, #tpu.memory_space<vmem>>, vector<1x1024xf32>,
    %get3A_196 = arith.constant 0 : index
    %get3A_197 = arith.constant 3072 : index
    %get3A_198 = vector.load %arg9[%get3A_196, %get3A_197] : memref<1x4096xf32, #tpu.memory_space<vmem>>, vector<1x1024xf32>
    %log3A_199 = math.log %get3A_198 : vector<1x1024xf32>
    %add3A_200 = arith.addf %max3A_176, %log3A_199 : vector<1x1024xf32>
    %swap3A_201 = arith.constant 0 : index
    %swap3A_202 = arith.constant 0 : index
    %swap3A_203 = arith.constant 3072 : index
    %swap3A_204 = vector.load %arg5[%swap3A_201, %swap3A_202, %swap3A_203] : memref<1x1x4096xf32, #tpu.memory_space<vmem>>, vector<1x1x1024xf32>
    %swap3A_205 = vector.shape_cast %swap3A_204 : vector<1x1x1024xf32> to vector<1x1024xf32>
    %swap3A_206 = vector.shape_cast %add3A_200 : vector<1x1024xf32> to vector<1x1x1024xf32>
    tpu.vector_store %arg5[%swap3A_201, %swap3A_202, %swap3A_203], %swap3A_206 {strides = array<i32>} : memref<1x1x4096xf32, #tpu.memory_space<vmem>>, vector<1x1x1024xf32>,
    %max3A_207 = arith.maximumf %broadcast_in_dim3A, %broadcast_in_dim3A_57 : vector<1024x1xf32>
    %sub3A_208 = arith.subf %broadcast_in_dim3A, %max3A_207 : vector<1024x1xf32>
    %exp3A_209 = math.exp %sub3A_208 : vector<1024x1xf32>
    %mul3A_210 = arith.mulf %broadcast_in_dim3A_15, %exp3A_209 : vector<1024x1xf32>
    %sub3A_211 = arith.subf %broadcast_in_dim3A_57, %max3A_207 : vector<1024x1xf32>
    %exp3A_212 = math.exp %sub3A_211 : vector<1024x1xf32>
    %mul3A_213 = arith.mulf %broadcast_in_dim3A_63, %exp3A_212 : vector<1024x1xf32>
    %add3A_214 = arith.addf %mul3A_210, %mul3A_213 : vector<1024x1xf32>
    %max3A_215 = arith.maximumf %max3A_207, %broadcast_in_dim3A_110 : vector<1024x1xf32>
    %sub3A_216 = arith.subf %max3A_207, %max3A_215 : vector<1024x1xf32>
    %exp3A_217 = math.exp %sub3A_216 : vector<1024x1xf32>
    %mul3A_218 = arith.mulf %add3A_214, %exp3A_217 : vector<1024x1xf32>
    %sub3A_219 = arith.subf %broadcast_in_dim3A_110, %max3A_215 : vector<1024x1xf32>
    %exp3A_220 = math.exp %sub3A_219 : vector<1024x1xf32>
    %mul3A_221 = arith.mulf %broadcast_in_dim3A_116, %exp3A_220 : vector<1024x1xf32>
    %add3A_222 = arith.addf %mul3A_218, %mul3A_221 : vector<1024x1xf32>
    %max3A_223 = arith.maximumf %max3A_215, %broadcast_in_dim3A_163 : vector<1024x1xf32>
    %sub3A_224 = arith.subf %max3A_215, %max3A_223 : vector<1024x1xf32>
    %exp3A_225 = math.exp %sub3A_224 : vector<1024x1xf32>
    %mul3A_226 = arith.mulf %add3A_222, %exp3A_225 : vector<1024x1xf32>
    %sub3A_227 = arith.subf %broadcast_in_dim3A_163, %max3A_223 : vector<1024x1xf32>
    %exp3A_228 = math.exp %sub3A_227 : vector<1024x1xf32>
    %mul3A_229 = arith.mulf %broadcast_in_dim3A_169, %exp3A_228 : vector<1024x1xf32>
    %add3A_230 = arith.addf %mul3A_226, %mul3A_229 : vector<1024x1xf32>
    %log3A_231 = math.log %add3A_230 : vector<1024x1xf32>
    %add3A_232 = arith.addf %max3A_223, %log3A_231 : vector<1024x1xf32>
    %swap3A_233 = arith.constant 0 : index
    %swap3A_234 = arith.constant 0 : index
    %swap3A_235 = arith.constant 0 : index
    %swap3A_236 = vector.load %arg4[%swap3A_233, %swap3A_234, %swap3A_235] : memref<1x1024x1xf32, #tpu.memory_space<vmem>>, vector<1x1024x1xf32>
    %swap3A_237 = vector.shape_cast %swap3A_236 : vector<1x1024x1xf32> to vector<1024x1xf32>
    %swap3A_238 = vector.shape_cast %add3A_232 : vector<1024x1xf32> to vector<1x1024x1xf32>
    tpu.vector_store %arg4[%swap3A_233, %swap3A_234, %swap3A_235], %swap3A_238 {strides = array<i32>} : memref<1x1024x1xf32, #tpu.memory_space<vmem>>, vector<1x1024x1xf32>,
    %get3A_239 = arith.constant 0 : index
    %get3A_240 = arith.constant 0 : index
    %get3A_241 = vector.load %arg10[%get3A_239, %get3A_240] : memref<1x1xf32, #tpu.memory_space<vmem>>, vector<1x1xf32>
    %reduce_sum3A_242 = arith.constant dense<0.000000e+00> : vector<1xf32>
    %reduce_sum3A_243 = vector.multi_reduction <add>, %add3A_232, %reduce_sum3A_242 [0] : vector<1024x1xf32> to vector<1xf32>
    %broadcast_in_dim3A_244 = vector.shape_cast %reduce_sum3A_243 : vector<1xf32> to vector<1x1xf32>
    %add3A_245 = arith.addf %get3A_241, %broadcast_in_dim3A_244 : vector<1x1xf32>
    %swap3A_246 = arith.constant 0 : index
    %swap3A_247 = arith.constant 0 : index
    %swap3A_248 = vector.load %arg10[%swap3A_246, %swap3A_247] : memref<1x1xf32, #tpu.memory_space<vmem>>, vector<1x1xf32>
    tpu.vector_store %arg10[%swap3A_246, %swap3A_247], %add3A_245 {strides = array<i32>} : memref<1x1xf32, #tpu.memory_space<vmem>>, vector<1x1xf32>,
    %eq3A_249 = arith.constant 3 : i32
    %eq3A_250 = arith.cmpi eq, %arg1, %eq3A_249 : i32
    %convert_element_type3A_251 = arith.extui %eq3A_250 : i1 to i32
    %cond3A_252 = arith.constant 0 : i32
    %cond3A_253 = arith.cmpi ne, %convert_element_type3A_251, %cond3A_252 : i32
    scf.if %cond3A_253 {
      %get3A_254 = arith.constant 0 : index
      %get3A_255 = arith.constant 0 : index
      %get3A_256 = vector.load %arg10[%get3A_254, %get3A_255] : memref<1x1xf32, #tpu.memory_space<vmem>>, vector<1x1xf32>
      %div3A = arith.constant 4.096000e+03 : f32
      %div3A_257 = vector.broadcast %div3A : f32 to vector<1x1xf32>
      %div3A_258 = arith.divf %get3A_256, %div3A_257 : vector<1x1xf32>
      %swap3A_259 = arith.constant 0 : index
      %swap3A_260 = arith.constant 0 : index
      %swap3A_261 = arith.constant 0 : index
      %swap3A_262 = vector.load %arg6[%swap3A_259, %swap3A_260, %swap3A_261] : memref<1x1x1xf32, #tpu.memory_space<vmem>>, vector<1x1x1xf32>
      %swap3A_263 = vector.shape_cast %swap3A_262 : vector<1x1x1xf32> to vector<1x1xf32>
      %swap3A_264 = vector.shape_cast %div3A_258 : vector<1x1xf32> to vector<1x1x1xf32>
      tpu.vector_store %arg6[%swap3A_259, %swap3A_260, %swap3A_261], %swap3A_264 {strides = array<i32>} : memref<1x1x1xf32, #tpu.memory_space<vmem>>, vector<1x1x1xf32>,
      %get3A_265 = arith.constant 0 : index
      %get3A_266 = arith.constant 0 : index
      %get3A_267 = arith.constant 0 : index
      %get3A_268 = vector.load %arg5[%get3A_265, %get3A_266, %get3A_267] : memref<1x1x4096xf32, #tpu.memory_space<vmem>>, vector<1x1x4096xf32>
      %get3A_269 = vector.shape_cast %get3A_268 : vector<1x1x4096xf32> to vector<1x4096xf32>
      %reduce_sum3A_270 = arith.constant dense<0.000000e+00> : vector<1xf32>
      %reduce_sum3A_271 = vector.multi_reduction <add>, %get3A_269, %reduce_sum3A_270 [1] : vector<1x4096xf32> to vector<1xf32>
      %broadcast_in_dim3A_272 = vector.shape_cast %reduce_sum3A_271 : vector<1xf32> to vector<1x1xf32>
      %div3A_273 = arith.constant 4.096000e+03 : f32
      %div3A_274 = vector.broadcast %div3A_273 : f32 to vector<1x1xf32>
      %div3A_275 = arith.divf %broadcast_in_dim3A_272, %div3A_274 : vector<1x1xf32>
      %swap3A_276 = arith.constant 0 : index
      %swap3A_277 = arith.constant 0 : index
      %swap3A_278 = arith.constant 0 : index
      %swap3A_279 = vector.load %arg7[%swap3A_276, %swap3A_277, %swap3A_278] : memref<1x1x1xf32, #tpu.memory_space<vmem>>, vector<1x1x1xf32>
      %swap3A_280 = vector.shape_cast %swap3A_279 : vector<1x1x1xf32> to vector<1x1xf32>
      %swap3A_281 = vector.shape_cast %div3A_275 : vector<1x1xf32> to vector<1x1x1xf32>
      tpu.vector_store %arg7[%swap3A_276, %swap3A_277, %swap3A_278], %swap3A_281 {strides = array<i32>} : memref<1x1x1xf32, #tpu.memory_space<vmem>>, vector<1x1x1xf32>,
    } else {
    }
    return
  }
  func.func @transform_0(%arg0: i32, %arg1: i32) -> (i32, i32, i32) {
    %c0_i32 = arith.constant 0 : i32
    %c0_i32_0 = arith.constant 0 : i32
    return %arg0, %arg1, %c0_i32 : i32, i32, i32
  }
  func.func @transform_1(%arg0: i32, %arg1: i32) -> (i32, i32, i32) {
    %c0_i32 = arith.constant 0 : i32
    %c0_i32_0 = arith.constant 0 : i32
    %c0_i32_1 = arith.constant 0 : i32
    return %arg0, %c0_i32, %c0_i32_0 : i32, i32, i32
  }
  func.func @transform_2(%arg0: i32, %arg1: i32) -> (i32, i32, i32) {
    %mul3A = arith.constant 4 : i32
    %mul3A_0 = arith.muli %arg0, %mul3A : i32
    %add3A = arith.addi %mul3A_0, %arg1 : i32
    %c0_i32 = arith.constant 0 : i32
    %c0_i32_1 = arith.constant 0 : i32
    %c0_i32_2 = arith.constant 0 : i32
    return %add3A, %c0_i32, %c0_i32_1 : i32, i32, i32
  }
  func.func @transform_3(%arg0: i32, %arg1: i32) -> (i32, i32, i32) {
    %c0_i32 = arith.constant 0 : i32
    %c0_i32_0 = arith.constant 0 : i32
    %c0_i32_1 = arith.constant 0 : i32
    return %arg0, %c0_i32, %c0_i32_0 : i32, i32, i32
  }
  func.func @transform_4(%arg0: i32, %arg1: i32) -> (i32, i32, i32) {
    %c0_i32 = arith.constant 0 : i32
    %c0_i32_0 = arith.constant 0 : i32
    %c0_i32_1 = arith.constant 0 : i32
    return %arg0, %c0_i32, %c0_i32_0 : i32, i32, i32
  }
  func.func @transform_5(%arg0: i32, %arg1: i32) -> (i32, i32, i32) {
    %c0_i32 = arith.constant 0 : i32
    %c0_i32_0 = arith.constant 0 : i32
    %c0_i32_1 = arith.constant 0 : i32
    return %arg0, %c0_i32, %c0_i32_0 : i32, i32, i32
  }
}

</mosaic_0001>

<sc_bundles>
// kernel: kernel.5.cloned.1.call-start
scs
__scs_entry_jumppad:
0x0: {  	(pc) =	sbr.rel $0x88, $3  }
0x1: {  	(tag) =	ssettag $0x0;
	lr =	simm.s32 $0x1  }
0x2: {  	[smem:$0x3F9F] =	sst lr;
	_ =	strace $0xD0000000  }
0x3: {  	_ = 	snop  }
0x4: {  	_ = 	snop  }
0x5: {  	_ = 	snop  }
0x6: {  	_ = 	snop  }
0x7: {  	_ = 	snop  }
__scs_overlays_trampoline_lowered:
0x8: {  	[smem:$0x3FAE] =	sst s0  }
0x9: {  	[smem:$0x3FAF] =	sst s1  }
0xa: {  	[smem:$0x3FB0] =	sst s2  }
0xb: {  	[smem:$0x3FB1] =	sst s3  }
0xc: {  	[smem:$0x3FB2] =	sst s4  }
0xd: {  	[smem:$0x3FB3] =	sst s5  }
0xe: {  	[smem:$0x3FB4] =	sst s6  }
0xf: {  	[smem:$0x3FB5] =	sst s7  }
0x10: {  	[smem:$0x3FB6] =	sst s8  }
0x11: {  	[smem:$0x3FB7] =	sst s9;
	s0 =	simm.s32 @!p0 $0x0  }
0x12: {  	s1 =	sld [smem:$0x3F9D];
	s0 =	simm.s32 @p0 $0x1  }
0x13: {  	[smem:$0x3FB8] =	sst s0;
	s0 =	simm.s32 @!p1 $0x0  }
0x14: {  	s2 =	sld [smem:$0x3F9C];
	s0 =	simm.s32 @p1 $0x1  }
0x15: {  	[smem:$0x3FB9] =	sst s0;
	s0 =	simm.s32 @!p2 $0x0  }
0x16: {  	s3 =	sld [smem:$0x3FDB];
	s0 =	simm.s32 @p2 $0x1  }
0x17: {  	s4 =	simm.s32 $0x1BF5;
	[smem:$0x3FBB] =	sst s0  }
0x18: {  	s0 =	sld [smem:$0x3F9E];
	_ =	swait.ge [sflag:s4], $0x0  }
0x19: {  	s7 =	sld [smem:$0x3F9F]  }
0x1a: {  	s8 =	sadd.s32 $0xFFFFE003, lr  }
0x1b: {  	s9 =	sadd.s32 $0xFFFFFEF7, lr;
	s5 =	simm.s32 $0xFFFFFFFF;
	p2 =	slt.u32 s8, $0xFFFFF086  }
0x1c: {  	p1 =	slt.u32 s9, $0xF7A;
	s5 =	simm.s32 @!p2 $0x0  }
0x1d: {  	s5 =	simm.s32 @p1 $0x1;
	p0 =	seq.s32 s7, s2  }
0x1e: {  	s7 =	smul.u32 @!p0 $0xF7A, s2;
	p2 =	seq.s32 @!p0 s5, $0x0  }
0x1f: {  	s9 =	smul.u32 $0xF7A, s1;
	s8 =	simm.s32 @!p0 $0x1BF5;
	p2 =	por !p2, p0  }
0x20: {  	[sflag:s8] =	ssyncset.s32 @!p0 $0xFFFFF086;
	s6 =	sadd.s32 @!p0 s3, s7;
	s7 =	simm.s32 @!p0 $0x108  }
0x21: {  	s3 =	sadd.s32 s3, s9;
	s6 =	sadd.s32 @!p0 $0x88, s6;
	s7 =	simm.s32 @p2 $0x1082  }
0x22: {  	[simem:s7], [sflag:s8] =	dma.local @!p0 [hbm:s6], $0xF7A  }
0x23: {  	s9 =	sor.u32 $0xD0000000, s2;
	s6 =	simm.s32 $0x108;
	_ =	swait.ge @!p0 [sflag:s8], $0x0  }
0x24: {  	s3 =	sadd.s32 $0x88, s3;
	s6 =	simm.s32 @!p1 $0x1082;
	[sflag:s4] =	ssyncset.s32 $0xFFFFF086  }
0x25: {  	[simem:s6], [sflag:s4] =	dma.local [hbm:s3], $0xF7A  }
0x26: {  	[smem:$0x3F9F] =	sst s1;
	(tag) =	ssettag s2;
	_ =	strace s9  }
0x27: {  	s1 =	sld [smem:$0x3FAF]  }
0x28: {  	s2 =	sld [smem:$0x3FB0]  }
0x29: {  	s4 =	sld [smem:$0x3FB2]  }
0x2a: {  	p0 =	seq.s32 s5, $0x0;
	s5 =	sld [smem:$0x3FB3]  }
0x2b: {  	s6 =	sld [smem:$0x3FB4]  }
0x2c: {  	s7 =	sld [smem:$0x3FB5]  }
0x2d: {  	s3 =	simm.s32 $0x108;
	s8 =	sld [smem:$0x3FB6]  }
0x2e: {  	s3 =	simm.s32 @!p0 $0x1082;
	s9 =	sld [smem:$0x3FB7]  }
0x2f: {  	lr =	sadd.s32 s0, s3;
	s0 =	sld [smem:$0x3FAE]  }
0x30: {  	s3 =	sld [smem:$0x3FB1]  }
0x31: {  	[smem:$0x3FBA] =	sst s10  }
0x32: {  	s10 =	sld [smem:$0x3FB8];
	_ =	sdelay $0x3  }
0x33: {  	p0 =	seq.s32 s10, $0x1;
	s10 =	sld [smem:$0x3FBA];
	_ =	sdelay $0x3  }
0x34: {  	[smem:$0x3FBA] =	sst s10  }
0x35: {  	s10 =	sld [smem:$0x3FB9];
	_ =	sdelay $0x3  }
0x36: {  	p1 =	seq.s32 s10, $0x1;
	s10 =	sld [smem:$0x3FBA];
	_ =	sdelay $0x3  }
0x37: {  	[smem:$0x3FBA] =	sst s10  }
0x38: {  	s10 =	sld [smem:$0x3FBB]  }
0x39: {  	_ = 	snop;
	(pc) =	sbr.ind lr, $3  }
0x3a: {  	_ = 	snop  }
0x3b: {  	_ = 	snop  }
0x3c: {  	p2 =	seq.s32 s10, $0x1;
	s10 =	sld [smem:$0x3FBA]  }
0x3d: {  	_ =	shalt  }
0x3e: {  	_ =	shalt  }
0x3f: {  	_ =	shalt  }
0x40: {  	_ =	shalt  }
0x41: {  	_ =	shalt  }
0x42: {  	_ =	shalt  }
0x43: {  	_ =	shalt  }
0x44: {  	_ =	shalt  }
0x45: {  	_ =	shalt  }
0x46: {  	_ =	shalt  }
0x47: {  	_ =	shalt  }
0x48: {  	_ =	shalt  }
0x49: {  	_ =	shalt  }
0x4a: {  	_ =	shalt  }
0x4b: {  	_ =	shalt  }
0x4c: {  	_ =	shalt  }
0x4d: {  	_ =	shalt  }
0x4e: {  	_ =	shalt  }
0x4f: {  	_ =	shalt  }
0x50: {  	_ =	shalt  }
0x51: {  	_ =	shalt  }
0x52: {  	_ =	shalt  }
0x53: {  	_ =	shalt  }
0x54: {  	_ =	shalt  }
0x55: {  	_ =	shalt  }
0x56: {  	_ =	shalt  }
0x57: {  	_ =	shalt  }
0x58: {  	_ =	shalt  }
0x59: {  	_ =	shalt  }
0x5a: {  	_ =	shalt  }
0x5b: {  	_ =	shalt  }
0x5c: {  	_ =	shalt  }
0x5d: {  	_ =	shalt  }
0x5e: {  	_ =	shalt  }
0x5f: {  	_ =	shalt  }
0x60: {  	_ =	shalt  }
0x61: {  	_ =	shalt  }
0x62: {  	_ =	shalt  }
0x63: {  	_ =	shalt  }
0x64: {  	_ =	shalt  }
0x65: {  	_ =	shalt  }
0x66: {  	_ =	shalt  }
0x67: {  	_ =	shalt  }
0x68: {  	_ =	shalt  }
0x69: {  	_ =	shalt  }
0x6a: {  	_ =	shalt  }
0x6b: {  	_ =	shalt  }
0x6c: {  	_ =	shalt  }
0x6d: {  	_ =	shalt  }
0x6e: {  	_ =	shalt  }
0x6f: {  	_ =	shalt  }
0x70: {  	_ =	shalt  }
0x71: {  	_ =	shalt  }
0x72: {  	_ =	shalt  }
0x73: {  	_ =	shalt  }
0x74: {  	_ =	shalt  }
0x75: {  	_ =	shalt  }
0x76: {  	_ =	shalt  }
0x77: {  	_ =	shalt  }
0x78: {  	_ =	shalt  }
0x79: {  	_ =	shalt  }
0x7a: {  	_ =	shalt  }
0x7b: {  	_ =	shalt  }
0x7c: {  	_ =	shalt  }
0x7d: {  	_ =	shalt  }
0x7e: {  	_ =	shalt  }
0x7f: {  	_ =	shalt  }
0x80: {  	_ =	shalt  }
0x81: {  	_ =	shalt  }
0x82: {  	_ =	shalt  }
0x83: {  	_ =	shalt  }
0x84: {  	_ =	shalt  }
0x85: {  	_ =	shalt  }
0x86: {  	_ =	shalt  }
0x87: {  	_ =	shalt  }
.Lfunc_end0:
.L_simem_size_0:
called_computation_lowered:
.L_overlay_start_0:
0x88: {  	s2 =	sld [smem:$0x3FD9]  }
0x89: {  	s3 =	sld [smem:$0x3FFE];
	_ =	sdelay $0x1  }
0x8a: {  	s1 =	srdreg.scid  }
0x8b: {  	s0 =	sand.u32 $0x1, s1  }
0x8c: {  	s14 =	sshll.u32 s0, $0xA;
	s2 =	sadd.s32 s3, s2  }
0x8d: {  	s2 =	sadd.s32 s2, s14  }
0x8e: {  	[smem:$0x3FC6] =	sst s2  }
0x8f: {  	_ = 	snop  }
0x90: {  	s2 =	sld [smem:$0x3FD0];
	_ =	sdelay $0x2  }
0x91: {  	s15 =	simm.s32 $0xA;
	s4 =	simm.s32 $0x10  }
0x92: {  	[smem:s4], [sflag:s15] =	dma.local [hbm:s2], $0x1  }
0x93: {  	_ =	swait.eq [sflag:s15], $0x1  }
0x94: {  	s16 =	sld [smem:$0x10]  }
0x95: {  	s17 =	sld [smem:$0x11];
	[sflag:s15] =	ssyncset.done $0x0  }
0x96: {  	s5 =	sld [smem:$0x12];
	[sflag:s15] =	ssyncadd.s32 $0xFFFFFFFF  }
0x97: {  	s18 =	sld [smem:$0x13];
	(tm) =	ssettm $0x1  }
0x98: {  	s6 =	sld [smem:$0x3FFB];
	_ =	sdelay $0x3  }
0x99: {  	_ =	strace s6  }
0x9a: {  	s6 =	sld [smem:$0x3FFC];
	_ =	sdelay $0x3  }
0x9b: {  	_ =	strace s6  }
0x9c: {  	s6 =	sld [smem:$0x3FFD];
	_ =	sdelay $0x3  }
0x9d: {  	_ =	strace s6  }
0x9e: {  	_ =	strace $0x8FFFFFFF  }
0x9f: {  	s19 =	sld [smem:$0x3FDB];
	_ =	sdelay $0x1  }
0xa0: {  	s7 =	simm.s32 $_scs_section_size  }
0xa1: {  	s8 =	simm.s32 $_size__tile_overlayer_lowered;
	s9 =	simm.s32 $_tile_overlayer_lowered  }
0xa2: {  	s22 =	simm.s32 $0x1BFF;
	s21 =	sshll.u32 s9, $0x1;
	s6 =	sadd.s32 s7, s19  }
0xa3: {  	s10 =	simm.s32 $0x0;
	s20 =	sshll.u32 s8, $0x1;
	s8 =	sadd.s32 s21, s6  }
0xa4: {  	[timem:s10], [sflag:s22] =	dma.local [hbm:s8], s20  }
0xa5: {  	_ =	swait.ge [sflag:s22], s20  }
0xa6: {  	s7 =	ssub.s32 $0x0, s20;
	[sflag:s22] =	ssyncset.done $0x0  }
0xa7: {  	[sflag:s22] =	ssyncadd.s32 s7;
	_ =	sdelay $0x1  }
0xa8: {  	s23 =	simm.s32 $0x1B8B  }
0xa9: {  	_ =	swait.ge [sflag:s23], $0x1  }
0xaa: {  	[sflag:s23] =	ssyncset.done $0x0  }
0xab: {  	s25 =	simm.s32 $0x1B8E;
	s24 =	sld [smem:$0x3FFE];
	[sflag:s23] =	ssyncadd.s32 $0xFFFFFFFF  }
0xac: {  	s26 =	simm.s32 $execute0_lowered;
	[smem:$0x3FD2] =	sst s25  }
0xad: {  	s8 =	sshll.u32 s26, $0x1;
	_ =	strace $0x80000046;
	[dreg:$0x1] =	wrdreg $0xFFFFFFFF  }
0xae: {  	s28 =	simm.s32 $_size_execute0_lowered;
	s6 =	sadd.s32 s6, s8;
	[dreg:$0x0] =	wrdreg $0x0  }
0xaf: {  	s8 =	sshll.u32 s28, $0x1;
	[dreg:$0x2] =	wrdreg s6  }
0xb0: {  	[dreg:$0x3] =	wrdreg s8  }
0xb1: {  	[dreg:$0x4] =	wrdreg $0xC0  }
0xb2: {  	_ =	task [dreg:s10], $0x5FFFF  }
0xb3: {  	[dreg:$0x1] =	wrdreg $0xFFFFFFFF  }
0xb4: {  	[dreg:$0x0] =	wrdreg $0x60  }
0xb5: {  	[dreg:$0x2] =	wrdreg s24  }
0xb6: {  	[dreg:$0x3] =	wrdreg s16  }
0xb7: {  	[dreg:$0x4] =	wrdreg s17  }
0xb8: {  	[dreg:$0x5] =	wrdreg s5  }
0xb9: {  	[dreg:$0x6] =	wrdreg s18  }
0xba: {  	[dreg:$0x7] =	wrdreg $0x9  }
0xbb: {  	_ =	task.clear_ibuf [dreg:s10], $0x8FFFF;
	_ =	strace $0x90000046  }
0xbc: {  	s29 =	simm.s32 $0x9;
	_ =	strace $0x80000048  }
0xbd: {  	_ =	swait.ge [sflag:s29], $0x1  }
0xbe: {  	[sflag:s29] =	ssyncadd.s32 $0xFFFFFFFF  }
0xbf: {  	_ =	strace $0x90000048  }
0xc0: {  	_ =	sfence  }
0xc1: {  	s30 =	sld [smem:$0x0];
	_ =	sdelay $0x2  }
0xc2: {  	s31 =	sshll.u32 s1, $0xD;
	s1 =	sshrl.u32 s1, $0x2  }
0xc3: {  	s3 =	sand.u32 $0x4000, s31;
	s1 =	sadd.s32 s1, s30  }
0xc4: {  	s0 =	sor.u32 s3, s0;
	s1 =	sshll.u32 s1, $0x11  }
0xc5: {  	s0 =	sor.u32 s1, s0  }
0xc6: {  	s0 =	sadd.s32 $0x8F2B, s0  }
0xc7: {  	[sflag:s0] =	ssyncadd.remote.s32 $0x1  }
0xc8: {  	_ =	sfence.sel $0xFFFF  }
0xc9: {  	[dreg:$0x0] =	wrdreg $0xFFFFFFFF;
	(pc) =	sbr.abs _section_cstart, $3  }
0xca: {  	[dreg:$0x1] =	wrdreg $0xFFFFFFFF  }
0xcb: {  	_ =	task.clear_ibuf [dreg:s10], $0x2FFFF;
	_ =	strace $0x9FFFFFFF  }
0xcc: {  	(tm) =	ssettm $0x7FFFFFFF  }
0xcd: {  	_ =	shalt  }
tec
execute0_lowered:
.L_overlay_start_1:
0x0: {  	(tag) =	ssettag $0x1  }
0x1: {  	s0 =	rddreg [dreg:$0x0]  }
0x2: {  	s1 =	rddreg [dreg:$0x1]  }
0x3: {  	s3 =	rddreg [dreg:$0x2]  }
0x4: {  	s4 =	rddreg [dreg:$0x3]  }
0x5: {  	s5 =	rddreg [dreg:$0x4];
	s6 =	srdreg.scid  }
0x6: {  	s2 =	simm.s32 $0x0;
	s11 =	stileid.u32;
	s6 =	sand.u32 $0x1, s6  }
0x7: {  	[smem:$0x7FF] =	sst s2;
	s8 =	sshll.u32 s11, $0x8;
	s9 =	sshll.u32 s6, $0x7  }
0x8: {  	s25 =	sadd.s32 $0x600, s0;
	s7 =	ssub.s32 $0x2, s6;
	s18 =	sor.u32 s9, s8  }
0x9: {  	_ =	strace $0x80000047;
	s10 =	sshrl.u32 s7, $0x1;
	s26 =	sshrl.u32 s18, $0x1  }
0xa: {  	[dreg:$0x6] =	wrdreg s25;
	s7 =	ssub.s32 s7, s10;
	s10 =	sadd.s32 s1, s26  }
0xb: {  	s12 =	sadd.s32 s4, s26;
	[dreg:$0x7] =	wrdreg s10  }
0xc: {  	s14 =	sadd.s32 s3, s26;
	[dreg:$0x8] =	wrdreg s12  }
0xd: {  	s13 =	sor.u32 $0x10, s26;
	s15 =	sadd.s32 s5, s26;
	[dreg:$0x9] =	wrdreg s14  }
0xe: {  	[dreg:$0xa] =	wrdreg s15;
	s16 =	sadd.s32 s1, s13  }
0xf: {  	s17 =	sadd.s32 s4, s13;
	[dreg:$0xb] =	wrdreg s16  }
0x10: {  	s19 =	sadd.s32 s3, s13;
	[dreg:$0xc] =	wrdreg s17  }
0x11: {  	s20 =	sor.u32 $0x20, s26;
	s9 =	sadd.s32 s5, s13;
	[dreg:$0xd] =	wrdreg s19  }
0x12: {  	s21 =	sadd.s32 s1, s20;
	[dreg:$0xe] =	wrdreg s9  }
0x13: {  	s22 =	sadd.s32 s4, s20;
	[dreg:$0xf] =	wrdreg s21  }
0x14: {  	s23 =	sadd.s32 s3, s20;
	[dreg:$0x10] =	wrdreg s22  }
0x15: {  	s8 =	sor.u32 $0x30, s26;
	s24 =	sadd.s32 s5, s20;
	[dreg:$0x11] =	wrdreg s23  }
0x16: {  	s28 =	sadd.s32 $0x1620, s0;
	s1 =	sadd.s32 s1, s8;
	[dreg:$0x12] =	wrdreg s24  }
0x17: {  	s29 =	sadd.s32 $0xE20, s0;
	s25 =	sadd.s32 s4, s8;
	[dreg:$0x13] =	wrdreg s1  }
0x18: {  	s30 =	sadd.s32 $0x630, s0;
	s26 =	sadd.s32 s3, s8;
	[dreg:$0x14] =	wrdreg s25  }
0x19: {  	s31 =	sadd.s32 $0x1630, s0;
	s3 =	sadd.s32 s5, s8;
	[dreg:$0x15] =	wrdreg s26  }
0x1a: {  	s4 =	sshll.u32 s11, $0xA;
	s5 =	sshll.u32 s6, $0x9;
	[dreg:$0x16] =	wrdreg s3  }
0x1b: {  	s21 =	sadd.s32 $0xE00, s0;
	s3 =	sor.u32 s5, s4;
	s22 =	sadd.s32 $0x1600, s0  }
0x1c: {  	s23 =	sadd.s32 $0x610, s0;
	s24 =	sadd.s32 $0x1610, s0;
	s25 =	sadd.s32 $0xE10, s0  }
0x1d: {  	s26 =	sadd.s32 $0x620, s0;
	s0 =	sadd.s32 $0xE30, s0;
	s1 =	smax.u32 s7, $0x1  }
0x1e: {  	s4 =	simm.s32 $0x80;
	s5 =	simm.s32 $0x200;
	s7 =	simm.s32 $0x8000  }
0x1f: {  	s6 =	sor.u32 $0x4000, s3;
	s10 =	sshrl.u32 s3, $0x2;
	s8 =	sor.u32 $0x8000, s3  }
0x20: {  	s3 =	sor.u32 $0xC000, s3;
	s11 =	sshrl.u32 s6, $0x2;
	s12 =	sshrl.u32 s8, $0x2  }
0x21: {  	s3 =	sshrl.u32 s3, $0x2;
	s13 =	sor.u32 $0x8000, s10;
	s14 =	sor.u32 $0x4000, s10  }
0x22: {  	s6 =	simm.s32 $0x4000;
	s8 =	simm.s32 $0x1;
	v0 =	vmov s10;
	s10 =	simm.s32 $0x3  }
0x23: {  	s15 =	sor.u32 $0x8000, s11;
	s16 =	sor.u32 $0x4000, s11;
	s17 =	sor.u32 $0x8000, s12  }
0x24: {  	v12 =	vlaneseq.u32;
	s19 =	sor.u32 $0x4000, s12;
	s20 =	sor.u32 $0x8000, s3;
	s9 =	sor.u32 $0x4000, s3;
	v1 =	vmov s13;
	v2 =	vmov s14  }
0x25: {  	v3 =	vmov s11;
	s11 =	simm.s32 $0x4;
	v6 =	vmov s12;
	v9 =	vmov s3;
	s12 =	simm.s32 $0x5;
	[dreg:$0x17] =	wrdreg s9  }
0x26: {  	s13 =	simm.s32 $0x6;
	s14 =	simm.s32 $0x7;
	v4 =	vmov s15;
	v5 =	vmov s16;
	v10 =	vmov s20;
	s20 =	rddreg [dreg:$0x17]  }
0x27: {  	s9 =	simm.s32 $0x2;
	v7 =	vmov s17;
	v8 =	vmov s19;
	s15 =	simm.s32 $0x8;
	s16 =	simm.s32 $0x0;
	v11 =	vmov s20  }
.LBB2_1:
0x28: {  	s3 =	rddreg [dreg:$0x6]  }
0x29: {  	[tilespmem:s2], [sflag:$0x1] =	stream.strided.gather [hbm4b:s3+s4], $0x1000, s5, s4, $0x38;
	[tilespmem:$0xC800] =	vst v63  }
0x2a: {  	_ = 	snop  }
0x2b: {  	[tilespmem:s6], [sflag:$0x1] =	stream.strided.gather [hbm4b:s22+s4], $0x1000, s5, s4, $0x38;
	[tilespmem:$0xC800] =	vst v63  }
0x2c: {  	_ = 	snop  }
0x2d: {  	[tilespmem:s7], [sflag:$0x1] =	stream.strided.gather [hbm4b:s21+s4], $0x1000, s5, s4, $0x38;
	[tilespmem:$0xC800] =	vst v63  }
0x2e: {  	s17 =	simm.s32 $0x1000  }
0x2f: {  	[tilespmem:s17], [sflag:$0x2] =	stream.strided.gather [hbm4b:s23+s4], $0x1000, s5, s4, $0x38;
	[tilespmem:$0xC800] =	vst v63  }
0x30: {  	s19 =	simm.s32 $0x5000  }
0x31: {  	[tilespmem:s19], [sflag:$0x2] =	stream.strided.gather [hbm4b:s24+s4], $0x1000, s5, s4, $0x38;
	[tilespmem:$0xC800] =	vst v63  }
0x32: {  	s20 =	simm.s32 $0x9000  }
0x33: {  	[tilespmem:s20], [sflag:$0x2] =	stream.strided.gather [hbm4b:s25+s4], $0x1000, s5, s4, $0x38;
	[tilespmem:$0xC800] =	vst v63  }
0x34: {  	s17 =	simm.s32 $0x2000  }
0x35: {  	[tilespmem:s17], [sflag:$0x3] =	stream.strided.gather [hbm4b:s26+s4], $0x1000, s5, s4, $0x38;
	[tilespmem:$0xC800] =	vst v63  }
0x36: {  	s19 =	simm.s32 $0x6000  }
0x37: {  	[tilespmem:s19], [sflag:$0x3] =	stream.strided.gather [hbm4b:s28+s4], $0x1000, s5, s4, $0x38;
	[tilespmem:$0xC800] =	vst v63  }
0x38: {  	s20 =	simm.s32 $0xA000  }
0x39: {  	[tilespmem:s20], [sflag:$0x3] =	stream.strided.gather [hbm4b:s29+s4], $0x1000, s5, s4, $0x38;
	[tilespmem:$0xC800] =	vst v63  }
0x3a: {  	s17 =	simm.s32 $0x3000  }
0x3b: {  	[tilespmem:s17], [sflag:$0x4] =	stream.strided.gather [hbm4b:s30+s4], $0x1000, s5, s4, $0x38;
	[tilespmem:$0xC800] =	vst v63  }
0x3c: {  	s19 =	simm.s32 $0x7000  }
0x3d: {  	[tilespmem:s19], [sflag:$0x4] =	stream.strided.gather [hbm4b:s31+s4], $0x1000, s5, s4, $0x38;
	[tilespmem:$0xC800] =	vst v63  }
0x3e: {  	s20 =	simm.s32 $0xB000  }
0x3f: {  	[tilespmem:s20], [sflag:$0x4] =	stream.strided.gather [hbm4b:s0+s4], $0x1000, s5, s4, $0x38;
	[tilespmem:$0xC800] =	vst v63  }
0x40: {  	_ =	swait.ge [sflag:s8], $0x1000  }
0x41: {  	[sflag:s8] =	ssyncset.done $0x0  }
0x42: {  	[sflag:s8] =	ssyncadd.s32 $0xFFFFF000  }
0x43: {  	_ =	swait.ge [sflag:s8], $0x1000  }
0x44: {  	[sflag:s8] =	ssyncset.done $0x0  }
0x45: {  	[sflag:s8] =	ssyncadd.s32 $0xFFFFF000  }
0x46: {  	_ =	swait.ge [sflag:s8], $0x1000  }
0x47: {  	[sflag:s8] =	ssyncset.done $0x0  }
0x48: {  	s3 =	smov.u32 s18;
	s17 =	simm.s32 $0x0;
	[sflag:s8] =	ssyncadd.s32 $0xFFFFF000  }
.LBB2_2:
0x49: {  	s19 =	sshra.s32 s17, $0x2  }
0x4a: {  	v13 =	vld.idx.msk [tilespmem:v0+s19+$0x0 ss:$0x1], $0xffff;
	_ =	sdelay $0x6  }
0x4b: {  	v15 =	vld.idx.msk [tilespmem:v1+s19+$0x0 ss:$0x1], $0xffff  }
0x4c: {  	v14 =	vld.idx.msk [tilespmem:v13+s6+$0x0], $0xffff;
	_ =	sdelay $0x3  }
0x4d: {  	v16 =	vor.u32 s3, v12;
	p0 =	sne.s32 s17, $0x1C0  }
.Ltmp0:
0x4e: {  	vm1 =	vgt.f32 v15, $0.0e+00;
	vm0 =	veq.s32 v14, v16;
	(pc) =	sbr.rel @p0 .LBB2_2-.Ltmp0, $4  }
0x4f: {  	vm0 =	vmand vm0, vm1  }
0x50: {  	v13 =	vnsel vm0, $0xFFFFFFFF, v13  }
0x51: {  	[tilespmem:s19+$0xC000] =	vst v13;
	v13 =	vnsel vm0, $0x0, v15  }
0x52: {  	s3 =	sadd.s32 $0x10, s3;
	s17 =	sadd.s32 $0x40, s17;
	[tilespmem:s19+$0xC200] =	vst v13  }
0x53: {  	_ =	sdelay $0x2  }
0x54: {  	s3 =	simm.s32 $0x0  }
0x55: {  	v14 =	vld.idx.msk [tilespmem:v2+s3+$0x0 ss:$0x1], $0xffff;
	_ =	sdelay $0x7  }
0x56: {  	v15 =	vld.idx.msk [tilespmem:v14+s2+$0x0], $0xffff  }
0x57: {  	v16 =	vld.idx.msk [tilespmem:v14+s7+$0x0], $0xffff;
	_ =	sdelay $0x3  }
0x58: {  	v13 =	vor.u32 s18, v12  }
0x59: {  	vm0 =	veq.s32 v15, v13;
	vm1 =	vgt.f32 v16, $0.0e+00  }
0x5a: {  	vm0 =	vmand vm0, vm1  }
0x5b: {  	v14 =	vnsel vm0, $0xFFFFFFFF, v14  }
0x5c: {  	v15 =	vnsel vm0, $0x0, v16;
	[tilespmem:s3+$0xC400] =	vst v14  }
0x5d: {  	s17 =	simm.s32 $0x10;
	[tilespmem:s3+$0xC600] =	vst v15  }
0x5e: {  	s19 =	simm.s32 $0x80;
	s3 =	smov.u32 s18;
	v14 =	vld.idx.msk [tilespmem:v2+s17+$0x0 ss:$0x1], $0xffff  }
.LBB2_4:
0x5f: {  	p0 =	sne.s32 s19, $0x1C0;
	_ =	sdelay $0x6  }
0x60: {  	v15 =	vld.idx.msk [tilespmem:v14+s2+$0x0], $0xffff  }
0x61: {  	v16 =	vld.idx.msk [tilespmem:v14+s7+$0x0], $0xffff;
	_ =	sdelay $0x3  }
0x62: {  	s3 =	sadd.s32 $0x10, s3  }
0x63: {  	v17 =	vor.u32 s3, v12  }
0x64: {  	vm0 =	veq.s32 v15, v17;
	vm1 =	vgt.f32 v16, $0.0e+00  }
.Ltmp1:
0x65: {  	vm0 =	vmand vm0, vm1;
	(pc) =	sbr.rel @p0 .LBB2_4-.Ltmp1, $4  }
0x66: {  	v14 =	vnsel vm0, $0xFFFFFFFF, v14;
	v15 =	vnsel vm0, $0x0, v16  }
0x67: {  	[tilespmem:s17+$0xC400] =	vst v14  }
0x68: {  	[tilespmem:s17+$0xC600] =	vst v15;
	s17 =	sshra.s32 s19, $0x2  }
0x69: {  	s19 =	sadd.s32 $0x40, s19;
	v14 =	vld.idx.msk [tilespmem:v2+s17+$0x0 ss:$0x1], $0xffff  }
0x6a: {  	_ =	sdelay $0x7  }
0x6b: {  	v15 =	vld.idx.msk [tilespmem:v14+s2+$0x0], $0xffff  }
0x6c: {  	v16 =	vld.idx.msk [tilespmem:v14+s7+$0x0], $0xffff;
	_ =	sdelay $0x2  }
0x6d: {  	s3 =	sadd.s32 $0x10, s3  }
0x6e: {  	v17 =	vor.u32 s3, v12  }
0x6f: {  	vm0 =	veq.s32 v15, v17;
	vm1 =	vgt.f32 v16, $0.0e+00  }
0x70: {  	vm0 =	vmand vm0, vm1  }
0x71: {  	v14 =	vnsel vm0, $0xFFFFFFFF, v14  }
0x72: {  	v15 =	vnsel vm0, $0x0, v16;
	[tilespmem:s17+$0xC400] =	vst v14  }
0x73: {  	s20 =	rddreg [dreg:$0x7];
	s19 =	simm.s32 $0xC000;
	s3 =	simm.s32 $0x0;
	[tilespmem:s17+$0xC600] =	vst v15  }
0x74: {  	[hbm4b:s20+s3] =	stream.linear.scatter [tilespmem:s19], [sflag:$0x5], $0x80, $0x38;
	[tilespmem:$0xC800] =	vst v63  }
0x75: {  	s19 =	rddreg [dreg:$0x8];
	s20 =	simm.s32 $0xC200  }
0x76: {  	[hbm4b:s19+s3] =	stream.linear.scatter [tilespmem:s20], [sflag:$0x5], $0x80, $0x38;
	[tilespmem:$0xC800] =	vst v63  }
0x77: {  	s19 =	rddreg [dreg:$0x9];
	s20 =	simm.s32 $0xC400  }
0x78: {  	[hbm4b:s19+s3] =	stream.linear.scatter [tilespmem:s20], [sflag:$0x5], $0x80, $0x38;
	[tilespmem:$0xC800] =	vst v63  }
0x79: {  	s19 =	rddreg [dreg:$0xa];
	s20 =	simm.s32 $0xC600  }
0x7a: {  	[hbm4b:s19+s3] =	stream.linear.scatter [tilespmem:s20], [sflag:$0x5], $0x80, $0x38;
	[tilespmem:$0xC800] =	vst v63  }
0x7b: {  	_ =	swait.ge [sflag:s9], $0x1000  }
0x7c: {  	[sflag:s9] =	ssyncset.done $0x0  }
0x7d: {  	[sflag:s9] =	ssyncadd.s32 $0xFFFFF000  }
0x7e: {  	_ =	swait.ge [sflag:s9], $0x1000  }
0x7f: {  	[sflag:s9] =	ssyncset.done $0x0  }
0x80: {  	[sflag:s9] =	ssyncadd.s32 $0xFFFFF000  }
0x81: {  	_ =	swait.ge [sflag:s9], $0x1000  }
0x82: {  	[sflag:s9] =	ssyncset.done $0x0  }
0x83: {  	s17 =	simm.s32 $0x0;
	[sflag:s9] =	ssyncadd.s32 $0xFFFFF000  }
0x84: {  	v14 =	vld.idx.msk [tilespmem:v3+s17+$0x0 ss:$0x1], $0xffff;
	_ =	sdelay $0x4  }
0x85: {  	v15 =	vadd.s32 $0x1000, v14;
	_ =	sdelay $0x3  }
0x86: {  	v16 =	vld.idx.msk [tilespmem:v4+s17+$0x0 ss:$0x1], $0xffff  }
0x87: {  	v15 =	vld.idx.msk [tilespmem:v15+s6+$0x0], $0xffff;
	_ =	sdelay $0x4  }
0x88: {  	vm15 =	vgt.f32 v16, $0.0e+00;
	vm14 =	veq.s32 v15, v13  }
0x89: {  	vm0 =	vmand vm14, vm15  }
0x8a: {  	s3 =	simm.s32 $0x40;
	s19 =	smov.u32 s18;
	v15 =	vnsel vm0, $0xFFFFFFFF, v14;
	v14 =	vnsel vm0, $0x0, v16  }
.LBB2_6:
0x8b: {  	p0 =	sne.s32 s3, $0x1C0  }
0x8c: {  	[tilespmem:s17+$0xC080] =	vst v15;
	s19 =	sadd.s32 $0x10, s19;
	s20 =	smov.u32 s3;
	s3 =	sadd.s32 $0x40, s3  }
0x8d: {  	[tilespmem:s17+$0xC280] =	vst v14;
	s17 =	sshra.s32 s20, $0x2  }
0x8e: {  	v14 =	vld.idx.msk [tilespmem:v3+s17+$0x0 ss:$0x1], $0xffff;
	_ =	sdelay $0x5  }
0x8f: {  	v15 =	vadd.s32 $0x1000, v14;
	_ =	sdelay $0x3  }
0x90: {  	v16 =	vld.idx.msk [tilespmem:v4+s17+$0x0 ss:$0x1], $0xffff  }
0x91: {  	v15 =	vld.idx.msk [tilespmem:v15+s6+$0x0], $0xffff;
	_ =	sdelay $0x3  }
.Ltmp2:
0x92: {  	(pc) =	sbr.rel @p0 .LBB2_6-.Ltmp2, $4  }
0x93: {  	v17 =	vor.u32 s19, v12  }
0x94: {  	vm1 =	vgt.f32 v16, $0.0e+00;
	vm0 =	veq.s32 v15, v17  }
0x95: {  	vm0 =	vmand vm0, vm1  }
0x96: {  	v15 =	vnsel vm0, $0xFFFFFFFF, v14;
	v14 =	vnsel vm0, $0x0, v16  }
0x97: {  	_ =	sdelay $0x1  }
0x98: {  	[tilespmem:s17+$0xC080] =	vst v15  }
0x99: {  	[tilespmem:s17+$0xC280] =	vst v14;
	s3 =	simm.s32 $0x0  }
0x9a: {  	v14 =	vld.idx.msk [tilespmem:v5+s3+$0x0 ss:$0x1], $0xffff;
	_ =	sdelay $0x4  }
0x9b: {  	v15 =	vadd.s32 $0x1000, v14;
	_ =	sdelay $0x4  }
0x9c: {  	v16 =	vld.idx.msk [tilespmem:v15+s2+$0x0], $0xffff  }
0x9d: {  	v15 =	vld.idx.msk [tilespmem:v15+s7+$0x0], $0xffff;
	_ =	sdelay $0x4  }
0x9e: {  	vm0 =	veq.s32 v16, v13;
	vm1 =	vgt.f32 v15, $0.0e+00  }
0x9f: {  	vm0 =	vmand vm0, vm1  }
0xa0: {  	v14 =	vnsel vm0, $0xFFFFFFFF, v14  }
0xa1: {  	v15 =	vnsel vm0, $0x0, v15;
	[tilespmem:s3+$0xC480] =	vst v14  }
0xa2: {  	s17 =	simm.s32 $0x10;
	[tilespmem:s3+$0xC680] =	vst v15  }
0xa3: {  	s19 =	simm.s32 $0x80;
	s3 =	smov.u32 s18;
	v14 =	vld.idx.msk [tilespmem:v5+s17+$0x0 ss:$0x1], $0xffff  }
.LBB2_8:
0xa4: {  	p0 =	sne.s32 s19, $0x1C0;
	_ =	sdelay $0x4  }
0xa5: {  	v15 =	vadd.s32 $0x1000, v14;
	_ =	sdelay $0x4  }
0xa6: {  	v16 =	vld.idx.msk [tilespmem:v15+s2+$0x0], $0xffff  }
0xa7: {  	v15 =	vld.idx.msk [tilespmem:v15+s7+$0x0], $0xffff;
	_ =	sdelay $0x3  }
0xa8: {  	s3 =	sadd.s32 $0x10, s3  }
0xa9: {  	v17 =	vor.u32 s3, v12  }
0xaa: {  	vm0 =	veq.s32 v16, v17;
	vm1 =	vgt.f32 v15, $0.0e+00  }
.Ltmp3:
0xab: {  	vm0 =	vmand vm0, vm1;
	(pc) =	sbr.rel @p0 .LBB2_8-.Ltmp3, $4  }
0xac: {  	v14 =	vnsel vm0, $0xFFFFFFFF, v14;
	v15 =	vnsel vm0, $0x0, v15  }
0xad: {  	[tilespmem:s17+$0xC480] =	vst v14  }
0xae: {  	[tilespmem:s17+$0xC680] =	vst v15;
	s17 =	sshra.s32 s19, $0x2  }
0xaf: {  	s19 =	sadd.s32 $0x40, s19;
	v14 =	vld.idx.msk [tilespmem:v5+s17+$0x0 ss:$0x1], $0xffff  }
0xb0: {  	_ =	sdelay $0x3  }
0xb1: {  	v15 =	vadd.s32 $0x1000, v14;
	_ =	sdelay $0x4  }
0xb2: {  	v16 =	vld.idx.msk [tilespmem:v15+s2+$0x0], $0xffff  }
0xb3: {  	v15 =	vld.idx.msk [tilespmem:v15+s7+$0x0], $0xffff;
	_ =	sdelay $0x2  }
0xb4: {  	s3 =	sadd.s32 $0x10, s3  }
0xb5: {  	v17 =	vor.u32 s3, v12  }
0xb6: {  	vm0 =	veq.s32 v16, v17;
	vm1 =	vgt.f32 v15, $0.0e+00  }
0xb7: {  	vm0 =	vmand vm0, vm1  }
0xb8: {  	v14 =	vnsel vm0, $0xFFFFFFFF, v14  }
0xb9: {  	v15 =	vnsel vm0, $0x0, v15;
	[tilespmem:s17+$0xC480] =	vst v14  }
0xba: {  	s20 =	rddreg [dreg:$0xb];
	s19 =	simm.s32 $0xC080;
	s3 =	simm.s32 $0x0;
	[tilespmem:s17+$0xC680] =	vst v15  }
0xbb: {  	[hbm4b:s20+s3] =	stream.linear.scatter [tilespmem:s19], [sflag:$0x6], $0x80, $0x38;
	[tilespmem:$0xC800] =	vst v63  }
0xbc: {  	s19 =	rddreg [dreg:$0xc];
	s20 =	simm.s32 $0xC280  }
0xbd: {  	[hbm4b:s19+s3] =	stream.linear.scatter [tilespmem:s20], [sflag:$0x6], $0x80, $0x38;
	[tilespmem:$0xC800] =	vst v63  }
0xbe: {  	s19 =	rddreg [dreg:$0xd];
	s20 =	simm.s32 $0xC480  }
0xbf: {  	[hbm4b:s19+s3] =	stream.linear.scatter [tilespmem:s20], [sflag:$0x6], $0x80, $0x38;
	[tilespmem:$0xC800] =	vst v63  }
0xc0: {  	s19 =	rddreg [dreg:$0xe];
	s20 =	simm.s32 $0xC680  }
0xc1: {  	[hbm4b:s19+s3] =	stream.linear.scatter [tilespmem:s20], [sflag:$0x6], $0x80, $0x38;
	[tilespmem:$0xC800] =	vst v63  }
0xc2: {  	_ =	swait.ge [sflag:s10], $0x1000  }
0xc3: {  	[sflag:s10] =	ssyncset.done $0x0  }
0xc4: {  	[sflag:s10] =	ssyncadd.s32 $0xFFFFF000  }
0xc5: {  	_ =	swait.ge [sflag:s10], $0x1000  }
0xc6: {  	[sflag:s10] =	ssyncset.done $0x0  }
0xc7: {  	[sflag:s10] =	ssyncadd.s32 $0xFFFFF000  }
0xc8: {  	_ =	swait.ge [sflag:s10], $0x1000  }
0xc9: {  	[sflag:s10] =	ssyncset.done $0x0  }
0xca: {  	s17 =	simm.s32 $0x0;
	[sflag:s10] =	ssyncadd.s32 $0xFFFFF000  }
0xcb: {  	v14 =	vld.idx.msk [tilespmem:v6+s17+$0x0 ss:$0x1], $0xffff;
	_ =	sdelay $0x4  }
0xcc: {  	v15 =	vadd.s32 $0x2000, v14;
	_ =	sdelay $0x3  }
0xcd: {  	v16 =	vld.idx.msk [tilespmem:v7+s17+$0x0 ss:$0x1], $0xffff  }
0xce: {  	v15 =	vld.idx.msk [tilespmem:v15+s6+$0x0], $0xffff;
	_ =	sdelay $0x4  }
0xcf: {  	vm15 =	vgt.f32 v16, $0.0e+00;
	vm14 =	veq.s32 v15, v13  }
0xd0: {  	vm0 =	vmand vm14, vm15  }
0xd1: {  	s3 =	simm.s32 $0x40;
	s19 =	smov.u32 s18;
	v15 =	vnsel vm0, $0xFFFFFFFF, v14;
	v14 =	vnsel vm0, $0x0, v16  }
.LBB2_10:
0xd2: {  	p0 =	sne.s32 s3, $0x1C0  }
0xd3: {  	[tilespmem:s17+$0xC100] =	vst v15;
	s19 =	sadd.s32 $0x10, s19;
	s20 =	smov.u32 s3;
	s3 =	sadd.s32 $0x40, s3  }
0xd4: {  	[tilespmem:s17+$0xC300] =	vst v14;
	s17 =	sshra.s32 s20, $0x2  }
0xd5: {  	v14 =	vld.idx.msk [tilespmem:v6+s17+$0x0 ss:$0x1], $0xffff;
	_ =	sdelay $0x5  }
0xd6: {  	v15 =	vadd.s32 $0x2000, v14;
	_ =	sdelay $0x3  }
0xd7: {  	v16 =	vld.idx.msk [tilespmem:v7+s17+$0x0 ss:$0x1], $0xffff  }
0xd8: {  	v15 =	vld.idx.msk [tilespmem:v15+s6+$0x0], $0xffff;
	_ =	sdelay $0x3  }
.Ltmp4:
0xd9: {  	(pc) =	sbr.rel @p0 .LBB2_10-.Ltmp4, $4  }
0xda: {  	v17 =	vor.u32 s19, v12  }
0xdb: {  	vm1 =	vgt.f32 v16, $0.0e+00;
	vm0 =	veq.s32 v15, v17  }
0xdc: {  	vm0 =	vmand vm0, vm1  }
0xdd: {  	v15 =	vnsel vm0, $0xFFFFFFFF, v14;
	v14 =	vnsel vm0, $0x0, v16  }
0xde: {  	_ =	sdelay $0x1  }
0xdf: {  	[tilespmem:s17+$0xC100] =	vst v15  }
0xe0: {  	[tilespmem:s17+$0xC300] =	vst v14;
	s3 =	simm.s32 $0x0  }
0xe1: {  	v14 =	vld.idx.msk [tilespmem:v8+s3+$0x0 ss:$0x1], $0xffff;
	_ =	sdelay $0x4  }
0xe2: {  	v15 =	vadd.s32 $0x2000, v14;
	_ =	sdelay $0x4  }
0xe3: {  	v16 =	vld.idx.msk [tilespmem:v15+s2+$0x0], $0xffff  }
0xe4: {  	v15 =	vld.idx.msk [tilespmem:v15+s7+$0x0], $0xffff;
	_ =	sdelay $0x4  }
0xe5: {  	vm0 =	veq.s32 v16, v13;
	vm1 =	vgt.f32 v15, $0.0e+00  }
0xe6: {  	vm0 =	vmand vm0, vm1  }
0xe7: {  	v14 =	vnsel vm0, $0xFFFFFFFF, v14  }
0xe8: {  	v15 =	vnsel vm0, $0x0, v15;
	[tilespmem:s3+$0xC500] =	vst v14  }
0xe9: {  	s17 =	simm.s32 $0x10;
	[tilespmem:s3+$0xC700] =	vst v15  }
0xea: {  	s19 =	simm.s32 $0x80;
	s3 =	smov.u32 s18;
	v14 =	vld.idx.msk [tilespmem:v8+s17+$0x0 ss:$0x1], $0xffff  }
.LBB2_12:
0xeb: {  	p0 =	sne.s32 s19, $0x1C0;
	_ =	sdelay $0x4  }
0xec: {  	v15 =	vadd.s32 $0x2000, v14;
	_ =	sdelay $0x4  }
0xed: {  	v16 =	vld.idx.msk [tilespmem:v15+s2+$0x0], $0xffff  }
0xee: {  	v15 =	vld.idx.msk [tilespmem:v15+s7+$0x0], $0xffff;
	_ =	sdelay $0x3  }
0xef: {  	s3 =	sadd.s32 $0x10, s3  }
0xf0: {  	v17 =	vor.u32 s3, v12  }
0xf1: {  	vm0 =	veq.s32 v16, v17;
	vm1 =	vgt.f32 v15, $0.0e+00  }
.Ltmp5:
0xf2: {  	vm0 =	vmand vm0, vm1;
	(pc) =	sbr.rel @p0 .LBB2_12-.Ltmp5, $4  }
0xf3: {  	v14 =	vnsel vm0, $0xFFFFFFFF, v14;
	v15 =	vnsel vm0, $0x0, v15  }
0xf4: {  	[tilespmem:s17+$0xC500] =	vst v14  }
0xf5: {  	[tilespmem:s17+$0xC700] =	vst v15;
	s17 =	sshra.s32 s19, $0x2  }
0xf6: {  	s19 =	sadd.s32 $0x40, s19;
	v14 =	vld.idx.msk [tilespmem:v8+s17+$0x0 ss:$0x1], $0xffff  }
0xf7: {  	_ =	sdelay $0x3  }
0xf8: {  	v15 =	vadd.s32 $0x2000, v14;
	_ =	sdelay $0x4  }
0xf9: {  	v16 =	vld.idx.msk [tilespmem:v15+s2+$0x0], $0xffff  }
0xfa: {  	v15 =	vld.idx.msk [tilespmem:v15+s7+$0x0], $0xffff;
	_ =	sdelay $0x2  }
0xfb: {  	s3 =	sadd.s32 $0x10, s3  }
0xfc: {  	v17 =	vor.u32 s3, v12  }
0xfd: {  	vm0 =	veq.s32 v16, v17;
	vm1 =	vgt.f32 v15, $0.0e+00  }
0xfe: {  	vm0 =	vmand vm0, vm1  }
0xff: {  	v14 =	vnsel vm0, $0xFFFFFFFF, v14  }
0x100: {  	v15 =	vnsel vm0, $0x0, v15;
	[tilespmem:s17+$0xC500] =	vst v14  }
0x101: {  	s20 =	rddreg [dreg:$0xf];
	s19 =	simm.s32 $0xC100;
	s3 =	simm.s32 $0x0;
	[tilespmem:s17+$0xC700] =	vst v15  }
0x102: {  	[hbm4b:s20+s3] =	stream.linear.scatter [tilespmem:s19], [sflag:$0x7], $0x80, $0x38;
	[tilespmem:$0xC800] =	vst v63  }
0x103: {  	s19 =	rddreg [dreg:$0x10];
	s20 =	simm.s32 $0xC300  }
0x104: {  	[hbm4b:s19+s3] =	stream.linear.scatter [tilespmem:s20], [sflag:$0x7], $0x80, $0x38;
	[tilespmem:$0xC800] =	vst v63  }
0x105: {  	s19 =	rddreg [dreg:$0x11];
	s20 =	simm.s32 $0xC500  }
0x106: {  	[hbm4b:s19+s3] =	stream.linear.scatter [tilespmem:s20], [sflag:$0x7], $0x80, $0x38;
	[tilespmem:$0xC800] =	vst v63  }
0x107: {  	s19 =	rddreg [dreg:$0x12];
	s20 =	simm.s32 $0xC700  }
0x108: {  	[hbm4b:s19+s3] =	stream.linear.scatter [tilespmem:s20], [sflag:$0x7], $0x80, $0x38;
	[tilespmem:$0xC800] =	vst v63  }
0x109: {  	_ =	swait.ge [sflag:s11], $0x1000  }
0x10a: {  	[sflag:s11] =	ssyncset.done $0x0  }
0x10b: {  	[sflag:s11] =	ssyncadd.s32 $0xFFFFF000  }
0x10c: {  	_ =	swait.ge [sflag:s11], $0x1000  }
0x10d: {  	[sflag:s11] =	ssyncset.done $0x0  }
0x10e: {  	[sflag:s11] =	ssyncadd.s32 $0xFFFFF000  }
0x10f: {  	_ =	swait.ge [sflag:s11], $0x1000  }
0x110: {  	[sflag:s11] =	ssyncset.done $0x0  }
0x111: {  	s17 =	simm.s32 $0x0;
	[sflag:s11] =	ssyncadd.s32 $0xFFFFF000  }
0x112: {  	v14 =	vld.idx.msk [tilespmem:v9+s17+$0x0 ss:$0x1], $0xffff;
	_ =	sdelay $0x4  }
0x113: {  	v15 =	vadd.s32 $0x3000, v14;
	_ =	sdelay $0x3  }
0x114: {  	v16 =	vld.idx.msk [tilespmem:v10+s17+$0x0 ss:$0x1], $0xffff  }
0x115: {  	v15 =	vld.idx.msk [tilespmem:v15+s6+$0x0], $0xffff;
	_ =	sdelay $0x4  }
0x116: {  	vm15 =	vgt.f32 v16, $0.0e+00;
	vm14 =	veq.s32 v15, v13  }
0x117: {  	vm0 =	vmand vm14, vm15  }
0x118: {  	s3 =	simm.s32 $0x40;
	s19 =	smov.u32 s18;
	v15 =	vnsel vm0, $0xFFFFFFFF, v14;
	v14 =	vnsel vm0, $0x0, v16  }
.LBB2_14:
0x119: {  	p0 =	sne.s32 s3, $0x1C0  }
0x11a: {  	[tilespmem:s17+$0xC180] =	vst v15;
	s19 =	sadd.s32 $0x10, s19;
	s20 =	smov.u32 s3;
	s3 =	sadd.s32 $0x40, s3  }
0x11b: {  	[tilespmem:s17+$0xC380] =	vst v14;
	s17 =	sshra.s32 s20, $0x2  }
0x11c: {  	v14 =	vld.idx.msk [tilespmem:v9+s17+$0x0 ss:$0x1], $0xffff;
	_ =	sdelay $0x5  }
0x11d: {  	v15 =	vadd.s32 $0x3000, v14;
	_ =	sdelay $0x3  }
0x11e: {  	v16 =	vld.idx.msk [tilespmem:v10+s17+$0x0 ss:$0x1], $0xffff  }
0x11f: {  	v15 =	vld.idx.msk [tilespmem:v15+s6+$0x0], $0xffff;
	_ =	sdelay $0x3  }
.Ltmp6:
0x120: {  	(pc) =	sbr.rel @p0 .LBB2_14-.Ltmp6, $4  }
0x121: {  	v17 =	vor.u32 s19, v12  }
0x122: {  	vm1 =	vgt.f32 v16, $0.0e+00;
	vm0 =	veq.s32 v15, v17  }
0x123: {  	vm0 =	vmand vm0, vm1  }
0x124: {  	v15 =	vnsel vm0, $0xFFFFFFFF, v14;
	v14 =	vnsel vm0, $0x0, v16  }
0x125: {  	_ =	sdelay $0x1  }
0x126: {  	[tilespmem:s17+$0xC180] =	vst v15  }
0x127: {  	[tilespmem:s17+$0xC380] =	vst v14;
	s3 =	simm.s32 $0x0  }
0x128: {  	v14 =	vld.idx.msk [tilespmem:v11+s3+$0x0 ss:$0x1], $0xffff;
	_ =	sdelay $0x4  }
0x129: {  	v15 =	vadd.s32 $0x3000, v14;
	_ =	sdelay $0x4  }
0x12a: {  	v16 =	vld.idx.msk [tilespmem:v15+s2+$0x0], $0xffff  }
0x12b: {  	v15 =	vld.idx.msk [tilespmem:v15+s7+$0x0], $0xffff;
	_ =	sdelay $0x4  }
0x12c: {  	vm0 =	veq.s32 v16, v13;
	vm1 =	vgt.f32 v15, $0.0e+00  }
0x12d: {  	vm0 =	vmand vm0, vm1  }
0x12e: {  	v13 =	vnsel vm0, $0xFFFFFFFF, v14  }
0x12f: {  	v14 =	vnsel vm0, $0x0, v15;
	[tilespmem:s3+$0xC580] =	vst v13  }
0x130: {  	s17 =	simm.s32 $0x10;
	[tilespmem:s3+$0xC780] =	vst v14  }
0x131: {  	s19 =	simm.s32 $0x80;
	s3 =	smov.u32 s18;
	v13 =	vld.idx.msk [tilespmem:v11+s17+$0x0 ss:$0x1], $0xffff  }
.LBB2_16:
0x132: {  	p0 =	sne.s32 s19, $0x1C0;
	_ =	sdelay $0x4  }
0x133: {  	v14 =	vadd.s32 $0x3000, v13;
	_ =	sdelay $0x4  }
0x134: {  	v15 =	vld.idx.msk [tilespmem:v14+s2+$0x0], $0xffff  }
0x135: {  	v14 =	vld.idx.msk [tilespmem:v14+s7+$0x0], $0xffff;
	_ =	sdelay $0x3  }
0x136: {  	s3 =	sadd.s32 $0x10, s3  }
0x137: {  	v16 =	vor.u32 s3, v12  }
0x138: {  	vm0 =	veq.s32 v15, v16;
	vm1 =	vgt.f32 v14, $0.0e+00  }
.Ltmp7:
0x139: {  	vm0 =	vmand vm0, vm1;
	(pc) =	sbr.rel @p0 .LBB2_16-.Ltmp7, $4  }
0x13a: {  	v13 =	vnsel vm0, $0xFFFFFFFF, v13;
	v14 =	vnsel vm0, $0x0, v14  }
0x13b: {  	[tilespmem:s17+$0xC580] =	vst v13  }
0x13c: {  	[tilespmem:s17+$0xC780] =	vst v14;
	s17 =	sshra.s32 s19, $0x2  }
0x13d: {  	s19 =	sadd.s32 $0x40, s19;
	v13 =	vld.idx.msk [tilespmem:v11+s17+$0x0 ss:$0x1], $0xffff  }
0x13e: {  	_ =	sdelay $0x3  }
0x13f: {  	v14 =	vadd.s32 $0x3000, v13;
	_ =	sdelay $0x4  }
0x140: {  	v15 =	vld.idx.msk [tilespmem:v14+s2+$0x0], $0xffff  }
0x141: {  	v14 =	vld.idx.msk [tilespmem:v14+s7+$0x0], $0xffff;
	_ =	sdelay $0x2  }
0x142: {  	s3 =	sadd.s32 $0x10, s3  }
0x143: {  	v16 =	vor.u32 s3, v12  }
0x144: {  	vm0 =	veq.s32 v15, v16;
	vm1 =	vgt.f32 v14, $0.0e+00  }
0x145: {  	vm0 =	vmand vm0, vm1  }
0x146: {  	v13 =	vnsel vm0, $0xFFFFFFFF, v13  }
0x147: {  	v14 =	vnsel vm0, $0x0, v14;
	[tilespmem:s17+$0xC580] =	vst v13  }
0x148: {  	s19 =	rddreg [dreg:$0x13];
	s20 =	simm.s32 $0xC180;
	[tilespmem:s17+$0xC780] =	vst v14  }
0x149: {  	[hbm4b:s19+s2] =	stream.linear.scatter [tilespmem:s20], [sflag:$0x8], $0x80, $0x38;
	[tilespmem:$0xC800] =	vst v63  }
0x14a: {  	s19 =	rddreg [dreg:$0x14];
	s20 =	simm.s32 $0xC380  }
0x14b: {  	[hbm4b:s19+s2] =	stream.linear.scatter [tilespmem:s20], [sflag:$0x8], $0x80, $0x38;
	[tilespmem:$0xC800] =	vst v63  }
0x14c: {  	s19 =	rddreg [dreg:$0x15];
	s20 =	simm.s32 $0xC580  }
0x14d: {  	[hbm4b:s19+s2] =	stream.linear.scatter [tilespmem:s20], [sflag:$0x8], $0x80, $0x38;
	[tilespmem:$0xC800] =	vst v63  }
0x14e: {  	s19 =	rddreg [dreg:$0x16];
	s20 =	simm.s32 $0xC780  }
0x14f: {  	[hbm4b:s19+s2] =	stream.linear.scatter [tilespmem:s20], [sflag:$0x8], $0x80, $0x38;
	[tilespmem:$0xC800] =	vst v63  }
0x150: {  	_ =	swait.ge [sflag:s12], $0x80  }
0x151: {  	[sflag:s12] =	ssyncset.done $0x0  }
0x152: {  	[sflag:s12] =	ssyncadd.s32 $0xFFFFFF80  }
0x153: {  	_ =	swait.ge [sflag:s12], $0x80  }
0x154: {  	[sflag:s12] =	ssyncset.done $0x0  }
0x155: {  	[sflag:s12] =	ssyncadd.s32 $0xFFFFFF80  }
0x156: {  	_ =	swait.ge [sflag:s12], $0x80  }
0x157: {  	[sflag:s12] =	ssyncset.done $0x0  }
0x158: {  	[sflag:s12] =	ssyncadd.s32 $0xFFFFFF80  }
0x159: {  	_ =	swait.ge [sflag:s12], $0x80  }
0x15a: {  	[sflag:s12] =	ssyncset.done $0x0  }
0x15b: {  	[sflag:s12] =	ssyncadd.s32 $0xFFFFFF80  }
0x15c: {  	_ =	swait.ge [sflag:s13], $0x80  }
0x15d: {  	[sflag:s13] =	ssyncset.done $0x0  }
0x15e: {  	[sflag:s13] =	ssyncadd.s32 $0xFFFFFF80  }
0x15f: {  	_ =	swait.ge [sflag:s13], $0x80  }
0x160: {  	[sflag:s13] =	ssyncset.done $0x0  }
0x161: {  	[sflag:s13] =	ssyncadd.s32 $0xFFFFFF80  }
0x162: {  	_ =	swait.ge [sflag:s13], $0x80  }
0x163: {  	[sflag:s13] =	ssyncset.done $0x0  }
0x164: {  	[sflag:s13] =	ssyncadd.s32 $0xFFFFFF80  }
0x165: {  	_ =	swait.ge [sflag:s13], $0x80  }
0x166: {  	[sflag:s13] =	ssyncset.done $0x0  }
0x167: {  	[sflag:s13] =	ssyncadd.s32 $0xFFFFFF80  }
0x168: {  	_ =	swait.ge [sflag:s14], $0x80  }
0x169: {  	[sflag:s14] =	ssyncset.done $0x0  }
0x16a: {  	[sflag:s14] =	ssyncadd.s32 $0xFFFFFF80  }
0x16b: {  	_ =	swait.ge [sflag:s14], $0x80  }
0x16c: {  	[sflag:s14] =	ssyncset.done $0x0  }
0x16d: {  	[sflag:s14] =	ssyncadd.s32 $0xFFFFFF80  }
0x16e: {  	_ =	swait.ge [sflag:s14], $0x80  }
0x16f: {  	[sflag:s14] =	ssyncset.done $0x0  }
0x170: {  	[sflag:s14] =	ssyncadd.s32 $0xFFFFFF80  }
0x171: {  	_ =	swait.ge [sflag:s14], $0x80  }
0x172: {  	[sflag:s14] =	ssyncset.done $0x0  }
0x173: {  	[sflag:s14] =	ssyncadd.s32 $0xFFFFFF80  }
0x174: {  	_ =	swait.ge [sflag:s15], $0x80  }
0x175: {  	[sflag:s15] =	ssyncset.done $0x0  }
0x176: {  	[sflag:s15] =	ssyncadd.s32 $0xFFFFFF80  }
0x177: {  	_ =	swait.ge [sflag:s15], $0x80  }
0x178: {  	[sflag:s15] =	ssyncset.done $0x0  }
0x179: {  	s16 =	sadd.s32 $0x1, s16;
	[sflag:s15] =	ssyncadd.s32 $0xFFFFFF80  }
0x17a: {  	p0 =	sne.s32 s16, s1;
	_ =	swait.ge [sflag:s15], $0x80  }
.Ltmp8:
0x17b: {  	[sflag:s15] =	ssyncset.done $0x0;
	(pc) =	sbr.rel @p0 .LBB2_1-.Ltmp8, $4  }
0x17c: {  	[sflag:s15] =	ssyncadd.s32 $0xFFFFFF80  }
0x17d: {  	_ =	swait.ge [sflag:s15], $0x80  }
0x17e: {  	[sflag:s15] =	ssyncset.done $0x0  }
0x17f: {  	[sflag:s15] =	ssyncadd.s32 $0xFFFFFF80  }
0x180: {  	_ =	sfence.sel $0x180000  }
0x181: {  	[bflag:$0x0] =	sbarrier.arrive $0xFFFF  }
0x182: {  	_ =	strace $0x90000047  }
0x183: {  	s0 =	stileid.u32;
	[bflag:$0x2] =	sbarrier.arrive $0xFFFF  }
0x184: {  	p0 =	sne.s32 s0, $0x0;
	s0 =	rddreg [dreg:$0x5]  }
0x185: {  	s0 =	sadd.s32 @!p0 $0x100000, s0  }
0x186: {  	[sflag:s0] =	ssyncadd.tile.s32 @!p0 $0x1;
	_ =	shalt  }
.Lfunc_end2:
_tile_overlayer_lowered:
.L_overlay_start_2:
0x187: {  	(tag) =	ssettag $0x2  }
0x188: {  	s0 =	rddreg [dreg:$0x0];
	s2 =	stileid.u32  }
0x189: {  	s1 =	rddreg [dreg:$0x1];
	p0 =	sne.s32 s2, $0x0  }
0x18a: {  	s3 =	rddreg [dreg:$0x2];
	[bflag:$0x3] =	sbarrier.arrive $0xFFFF;
	s2 =	simm.s32 @!p0 $0x1C09  }
0x18b: {  	[timem:s3], [sflag:s2] =	dma.local @!p0 [hbm:s0], s1  }
0x18c: {  	s0 =	simm.s32 @!p0 $0x9  }
0x18d: {  	_ =	swait.ge @!p0 [sflag:s0], s1  }
0x18e: {  	s1 =	ssub.s32 @!p0 $0x0, s1;
	[sflag:s0] =	ssyncset.done @!p0 $0x0  }
0x18f: {  	[sflag:s0] =	ssyncadd.s32 @!p0 s1  }
0x190: {  	[bflag:$0x3] =	sbarrier.arrive $0xFFFF  }
0x191: {  	_ =	shalt  }

</sc_bundles>
